<compile_context>
chip_gen: v7x
topology: tpu7x:2x2x1
jax: 0.10.2.dev20260603
libtpu: 0.0.44.dev20260713+nightly
codegen_flags: <defaults>
</compile_context>

<pallas_src>
import functools

import jax
import jax.numpy as jnp
from jax import lax
from jax.experimental import pallas as pl
from jax.experimental.pallas import tpu as pltpu
from jax.experimental.pallas import tpu_sc as plsc

NC = 2
NS = 16
NW = NC * NS
CHUNK = 256

_mesh = plsc.VectorSubcoreMesh(
    core_axis_name="c", subcore_axis_name="s", num_cores=NC, num_subcores=NS)
_sc_params = pltpu.CompilerParams(use_tc_tiling_on_sc=False)


def _make_count(npad, nch, f, chunk=CHUNK):
  rows = npad // NS

  @functools.partial(
      pl.kernel,
      out_type=jax.ShapeDtypeStruct((NC, npad, f), jnp.float32),
      mesh=_mesh,
      compiler_params=_sc_params,
      scratch_types=[
          pltpu.VMEM((nch, chunk), jnp.int32),
          pltpu.VMEM((chunk, f), jnp.float32),
          pltpu.VMEM_SHARED((npad, f), jnp.float32),
      ],
  )
  def count_kernel(dst_hbm, z_hbm, ones_hbm, out_hbm, idx_d, ones_v, acc):
    c = lax.axis_index("c")
    s = lax.axis_index("s")
    wid = s * NC + c
    sl = pl.ds(s * rows, rows)
    pltpu.sync_copy(z_hbm.at[sl], acc.at[sl])
    pltpu.sync_copy(ones_hbm, ones_v)
    pltpu.sync_copy(dst_hbm.at[wid], idx_d)
    plsc.subcore_barrier()

    @pl.loop(0, nch)
    def _(j):
      pltpu.sync_copy(ones_v, acc.at[idx_d.at[j]], add=True)

    plsc.subcore_barrier()
    pltpu.sync_copy(acc.at[sl], out_hbm.at[c, sl])

  return count_kernel


def _make_agg(npad, nch, f, chunk=CHUNK):
  rows = npad // NS

  @functools.partial(
      pl.kernel,
      out_type=jax.ShapeDtypeStruct((NC, npad, f), jnp.float32),
      mesh=_mesh,
      compiler_params=_sc_params,
      scratch_types=[
          pltpu.VMEM((nch, chunk), jnp.int32),
          pltpu.VMEM((nch, chunk), jnp.int32),
          [pltpu.VMEM((chunk, f), jnp.float32) for _ in range(4)],
          pltpu.VMEM_SHARED((npad, f), jnp.float32),
          [pltpu.SemaphoreType.DMA for _ in range(4)],
      ],
  )
  def agg_kernel(hs_hbm, src_hbm, dst_hbm, z_hbm, out_hbm,
                 idx_s, idx_d, gbufs, acc, sems):
    c = lax.axis_index("c")
    s = lax.axis_index("s")
    wid = s * NC + c
    sl = pl.ds(s * rows, rows)
    pltpu.sync_copy(z_hbm.at[sl], acc.at[sl])
    pltpu.sync_copy(src_hbm.at[wid], idx_s)
    pltpu.sync_copy(dst_hbm.at[wid], idx_d)
    plsc.subcore_barrier()

    for b in range(3):
      pltpu.async_copy(hs_hbm.at[idx_s.at[b]], gbufs[b], sems[b])

    @pl.loop(0, nch // 4)
    def _(jj):
      j0 = 4 * jj
      for b in range(4):
        j = j0 + b
        pltpu.make_async_copy(hs_hbm.at[idx_s.at[j]], gbufs[b],
                              sems[b]).wait()

        @pl.when(j + 3 < nch)
        def _():
          pltpu.async_copy(hs_hbm.at[idx_s.at[j + 3]], gbufs[(b + 3) % 4],
                           sems[(b + 3) % 4])

        pltpu.sync_copy(gbufs[b], acc.at[idx_d.at[j]], add=True)

    plsc.subcore_barrier()
    pltpu.sync_copy(acc.at[sl], out_hbm.at[c, sl])

  return agg_kernel


def _tc_mm_body(x_ref, w_ref, h_ref):
  h_ref[...] = jnp.dot(x_ref[...], w_ref[...],
                       preferred_element_type=jnp.float32)


def _tc1_body(h_ref, cnt_ref, hs_ref, dinv_ref):
  deg = cnt_ref[0] + cnt_ref[1] + 1.0
  dinv = lax.rsqrt(deg)
  dinv_ref[...] = dinv
  hs_ref[...] = h_ref[...] * dinv[:, :1]


def _tc_mid_body(p_ref, hs_ref, dinv_ref, b_ref, w_ref, out_ref):
  agg = p_ref[0] + p_ref[1] + hs_ref[...]
  dinv = dinv_ref[:, :1]
  z = jnp.maximum(agg * dinv + b_ref[...], 0.0)
  h = jnp.dot(z, w_ref[...], preferred_element_type=jnp.float32)
  out_ref[...] = h * dinv


def _tc_out_body(p_ref, g_ref, dinv_ref, b_ref, out_ref):
  agg = p_ref[0] + p_ref[1] + g_ref[...]
  out_ref[...] = agg * dinv_ref[:, :1] + b_ref[...]


def kernel(x, edge_index, W1, b1, W2, b2, W3, b3):
  n, d = x.shape
  h = W1.shape[1]
  c_out = W3.shape[1]
  e = edge_index.shape[1]

  npad = ((n + 127) // 128 + 1) * 128
  ew = e // NW
  big = 2 * CHUNK
  nchb = (ew + big - 1) // big
  nchb = ((nchb + 3) // 4) * 4
  nch = 2 * nchb
  padlen = nchb * big - ew

  src = edge_index[0].reshape(NW, ew)
  dst = edge_index[1].reshape(NW, ew)
  pad_idx = (n + (jnp.arange(padlen, dtype=jnp.int32) % 128))
  padb = jnp.broadcast_to(pad_idx, (NW, padlen))
  srcp512 = jnp.concatenate([src, padb], axis=1).reshape(NW, nchb, big)
  dstp512 = jnp.concatenate([dst, padb], axis=1).reshape(NW, nchb, big)
  srcp = srcp512.reshape(NW, nch, CHUNK)
  dstp = dstp512.reshape(NW, nch, CHUNK)

  xp = jnp.pad(x, ((0, npad - n), (0, 0)))
  z16 = jnp.zeros((npad, 16), jnp.float32)
  zh = jnp.zeros((npad, h), jnp.float32)
  on16 = jnp.ones((2 * CHUNK, 16), jnp.float32)
  w3p = jnp.pad(W3, ((0, 0), (0, 16 - c_out)))
  b1r = b1.reshape(1, h)
  b2r = b2.reshape(1, h)
  b3r = jnp.pad(b3, (0, 16 - c_out)).reshape(1, 16)

  count_k = _make_count(npad, nchb, 16, chunk=big)
  agg_h = _make_agg(npad, nch, h)
  agg_o = _make_agg(npad, nchb, 16, chunk=big)

  nb = 2
  rb = npad // nb
  row = lambda *dims: pl.BlockSpec((rb,) + dims, lambda i: (i,) + (0,) * len(dims))
  prt = lambda f_: pl.BlockSpec((NC, rb, f_), lambda i: (0, i, 0))
  full = lambda *shape: pl.BlockSpec(shape, lambda i: (0,) * len(shape))

  cnt = count_k(dstp512, z16, on16)
  h1 = pl.pallas_call(
      _tc_mm_body,
      grid=(nb,),
      in_specs=[row(d), full(d, h)],
      out_specs=row(h),
      out_shape=jax.ShapeDtypeStruct((npad, h), jnp.float32),
  )(xp, W1)
  hs1, dinv16 = pl.pallas_call(
      _tc1_body,
      grid=(nb,),
      in_specs=[row(h), prt(16)],
      out_specs=(row(h), row(16)),
      out_shape=(jax.ShapeDtypeStruct((npad, h), jnp.float32),
                 jax.ShapeDtypeStruct((npad, 16), jnp.float32)),
  )(h1, cnt)
  p1 = agg_h(hs1, srcp, dstp, zh)
  hs2 = pl.pallas_call(
      _tc_mid_body,
      grid=(nb,),
      in_specs=[prt(h), row(h), row(16), full(1, h), full(h, h)],
      out_specs=row(h),
      out_shape=jax.ShapeDtypeStruct((npad, h), jnp.float32),
  )(p1, hs1, dinv16, b1r, W2)
  p2 = agg_h(hs2, srcp, dstp, zh)
  g = pl.pallas_call(
      _tc_mid_body,
      grid=(nb,),
      in_specs=[prt(h), row(h), row(16), full(1, h), full(h, 16)],
      out_specs=row(16),
      out_shape=jax.ShapeDtypeStruct((npad, 16), jnp.float32),
  )(p2, hs2, dinv16, b2r, w3p)
  p3 = agg_o(g, srcp512, dstp512, z16)
  o = pl.pallas_call(
      _tc_out_body,
      grid=(nb,),
      in_specs=[prt(16), row(16), row(16), full(1, 16)],
      out_specs=row(16),
      out_shape=jax.ShapeDtypeStruct((npad, 16), jnp.float32),
  )(p3, g, dinv16, b3r)
  return o[:n, :c_out]

# --- scband reference (transcript-rebuilt; emitter-appended) ---
"""Pipeline reference for scband-net-55765855371370 (READ-ONLY COPY).

The authoritative reference and input builder live on the scoring server;
editing this copy changes nothing except your own understanding.
"""

import jax, jax.numpy as jnp
import numpy as np

N = 10000
E = 320000
D = 128
H = 64
C = 7


def gcn_conv(x, edge_index, W, b, num_nodes):
    # GCNConv: x' = D^{-1/2} (A + I) D^{-1/2} (x W) + b
    src = edge_index[0]
    dst = edge_index[1]
    loop = jnp.arange(num_nodes, dtype=src.dtype)
    src = jnp.concatenate([src, loop])
    dst = jnp.concatenate([dst, loop])
    deg = jnp.zeros((num_nodes,), jnp.float32).at[dst].add(1.0)
    dinv = jax.lax.rsqrt(deg)
    norm = dinv[src] * dinv[dst]
    h = x @ W
    msg = h[src] * norm[:, None]
    out = jnp.zeros((num_nodes, W.shape[1]), x.dtype).at[dst].add(msg)
    return out + b


def setup_inputs(seed: int = 0):
    key = jax.random.key(seed)
    ks = jax.random.split(key, 8)
    x = jax.random.normal(ks[0], (N, D), jnp.float32)
    edge_index = jax.random.randint(ks[1], (2, E), 0, N, dtype=jnp.int32)
    W1 = jax.random.normal(ks[2], (D, H), jnp.float32) * (1.0 / np.sqrt(D))
    b1 = jnp.zeros((H,), jnp.float32)
    W2 = jax.random.normal(ks[3], (H, H), jnp.float32) * (1.0 / np.sqrt(H))
    b2 = jnp.zeros((H,), jnp.float32)
    W3 = jax.random.normal(ks[4], (H, C), jnp.float32) * (1.0 / np.sqrt(H))
    b3 = jnp.zeros((C,), jnp.float32)
    return {"x": x, "edge_index": edge_index, "W1": W1, "b1": b1, "W2": W2, "b2": b2, "W3": W3, "b3": b3}


def reference(x, edge_index, W1, b1, W2, b2, W3, b3):
    # dropout layers are identity in eval mode
    h = jax.nn.relu(gcn_conv(x, edge_index, W1, b1, N))
    h = jax.nn.relu(gcn_conv(h, edge_index, W2, b2, N))
    out = gcn_conv(h, edge_index, W3, b3, N)
    return out

if __name__ == "__main__":
    import jax
    _d = setup_inputs()
    print(jax.jit(kernel)(*tuple(_d.values())))

</pallas_src>

<mosaic_0001>
#map = affine_map<(d0, d1) -> (0, 0)>
#map1 = affine_map<(d0, d1) -> (0, 0, 0)>
module attributes {stable_mosaic.version = 14 : i64} {
  func.func @agg_kernel(%arg0: i32, %arg1: i32, %arg2: memref<10240x64xf32, #tpu.memory_space<hbm>>, %arg3: memref<32x40x256xi32, #tpu.memory_space<hbm>>, %arg4: memref<32x40x256xi32, #tpu.memory_space<hbm>>, %arg5: memref<10240x64xf32, #tpu.memory_space<hbm>>, %arg6: memref<2x10240x64xf32, #tpu.memory_space<hbm>>, %arg7: memref<40x256xi32, #tpu.memory_space<vmem>>, %arg8: memref<40x256xi32, #tpu.memory_space<vmem>>, %arg9: memref<256x64xf32, #tpu.memory_space<vmem>>, %arg10: memref<256x64xf32, #tpu.memory_space<vmem>>, %arg11: memref<256x64xf32, #tpu.memory_space<vmem>>, %arg12: memref<256x64xf32, #tpu.memory_space<vmem>>, %arg13: memref<10240x64xf32, #tpu.memory_space<vmem_shared>>, %arg14: memref<!tpu.dma_semaphore, #tpu.memory_space<semaphore_mem>>, %arg15: memref<!tpu.dma_semaphore, #tpu.memory_space<semaphore_mem>>, %arg16: memref<!tpu.dma_semaphore, #tpu.memory_space<semaphore_mem>>, %arg17: memref<!tpu.dma_semaphore, #tpu.memory_space<semaphore_mem>>) attributes {dimension_semantics = [#tpu.dimension_semantics<core_parallel>, #tpu.dimension_semantics<subcore_parallel>], iteration_bounds = array<i64: 2, 16>, scalar_prefetch = 0 : i64, scratch_operands = 11 : i64, tpu.core_type = #tpu.core_type<sc_vector_subcore>, window_params = [{transform_indices = #map}, {transform_indices = #map1}, {transform_indices = #map1}, {transform_indices = #map}, {transform_indices = #map1}]} {
    %mul3A = arith.constant 2 : i32
    %mul3A_0 = arith.muli %arg1, %mul3A : i32
    %add3A = arith.addi %mul3A_0, %arg0 : i32
    %mul3A_1 = arith.constant 640 : i32
    %mul3A_2 = arith.muli %arg1, %mul3A_1 : i32
    "tpu.region"() ({
      %run_scoped3A = tpu.sem_alloc : memref<!tpu.dma_semaphore, #tpu.memory_space<semaphore_mem>>
      %dma_start3A_28 = arith.constant 0 : i32
      %dma_start3A_29 = tpu.memref_slice %arg13[%mul3A_2, %dma_start3A_28] : memref<10240x64xf32, #tpu.memory_space<vmem_shared>> -> memref<640x64xf32, #tpu.memory_space<vmem_shared>>
      %dma_start3A_30 = arith.constant 0 : i32
      %dma_start3A_31 = tpu.memref_slice %arg5[%mul3A_2, %dma_start3A_30] : memref<10240x64xf32, #tpu.memory_space<hbm>> -> memref<640x64xf32, #tpu.memory_space<hbm>>
      tpu.enqueue_dma source(%dma_start3A_31 : memref<640x64xf32, #tpu.memory_space<hbm>>) target(%dma_start3A_29 : memref<640x64xf32, #tpu.memory_space<vmem_shared>>) target_semaphore(%run_scoped3A : memref<!tpu.dma_semaphore, #tpu.memory_space<semaphore_mem>>)
      %dma_wait3A = arith.constant 0 : i32
      %dma_wait3A_32 = tpu.memref_slice %arg13[%mul3A_2, %dma_wait3A] : memref<10240x64xf32, #tpu.memory_space<vmem_shared>> -> memref<640x64xf32, #tpu.memory_space<vmem_shared>>
      %dma_wait3A_33 = arith.constant 0 : i32
      %dma_wait3A_34 = tpu.memref_slice %arg5[%mul3A_2, %dma_wait3A_33] : memref<10240x64xf32, #tpu.memory_space<hbm>> -> memref<640x64xf32, #tpu.memory_space<hbm>>
      tpu.wait_dma2 semaphore(%run_scoped3A : memref<!tpu.dma_semaphore, #tpu.memory_space<semaphore_mem>>) src(%dma_wait3A_34 : memref<640x64xf32, #tpu.memory_space<hbm>>) dst(%dma_wait3A_32 : memref<640x64xf32, #tpu.memory_space<vmem_shared>>)
      tpu.yield
    }) : () -> ()
    "tpu.region"() ({
      %run_scoped3A = tpu.sem_alloc : memref<!tpu.dma_semaphore, #tpu.memory_space<semaphore_mem>>
      %dma_start3A_28 = arith.constant 0 : i32
      %dma_start3A_29 = arith.constant 0 : i32
      %dma_start3A_30 = tpu.memref_slice %arg3[%add3A, %dma_start3A_28, %dma_start3A_29] : memref<32x40x256xi32, #tpu.memory_space<hbm>> -> memref<1x40x256xi32, #tpu.memory_space<hbm>>
      %dma_start3A_31 = tpu.memref_squeeze %dma_start3A_30 : memref<1x40x256xi32, #tpu.memory_space<hbm>> -> memref<40x256xi32, #tpu.memory_space<hbm>>
      %dma_start3A_32 = arith.constant 0 : i32
      %dma_start3A_33 = arith.constant 0 : i32
      %dma_start3A_34 = tpu.memref_slice %arg3[%add3A, %dma_start3A_32, %dma_start3A_33] : memref<32x40x256xi32, #tpu.memory_space<hbm>> -> memref<1x40x256xi32, #tpu.memory_space<hbm>>
      %dma_start3A_35 = tpu.memref_squeeze %dma_start3A_34 : memref<1x40x256xi32, #tpu.memory_space<hbm>> -> memref<40x256xi32, #tpu.memory_space<hbm>>
      tpu.enqueue_dma source(%dma_start3A_35 : memref<40x256xi32, #tpu.memory_space<hbm>>) target(%arg7 : memref<40x256xi32, #tpu.memory_space<vmem>>) target_semaphore(%run_scoped3A : memref<!tpu.dma_semaphore, #tpu.memory_space<semaphore_mem>>)
      %dma_wait3A = arith.constant 0 : i32
      %dma_wait3A_36 = arith.constant 0 : i32
      %dma_wait3A_37 = tpu.memref_slice %arg3[%add3A, %dma_wait3A, %dma_wait3A_36] : memref<32x40x256xi32, #tpu.memory_space<hbm>> -> memref<1x40x256xi32, #tpu.memory_space<hbm>>
      %dma_wait3A_38 = tpu.memref_squeeze %dma_wait3A_37 : memref<1x40x256xi32, #tpu.memory_space<hbm>> -> memref<40x256xi32, #tpu.memory_space<hbm>>
      %dma_wait3A_39 = arith.constant 0 : i32
      %dma_wait3A_40 = arith.constant 0 : i32
      %dma_wait3A_41 = tpu.memref_slice %arg3[%add3A, %dma_wait3A_39, %dma_wait3A_40] : memref<32x40x256xi32, #tpu.memory_space<hbm>> -> memref<1x40x256xi32, #tpu.memory_space<hbm>>
      %dma_wait3A_42 = tpu.memref_squeeze %dma_wait3A_41 : memref<1x40x256xi32, #tpu.memory_space<hbm>> -> memref<40x256xi32, #tpu.memory_space<hbm>>
      tpu.wait_dma2 semaphore(%run_scoped3A : memref<!tpu.dma_semaphore, #tpu.memory_space<semaphore_mem>>) src(%dma_wait3A_42 : memref<40x256xi32, #tpu.memory_space<hbm>>) dst(%arg7 : memref<40x256xi32, #tpu.memory_space<vmem>>)
      tpu.yield
    }) : () -> ()
    "tpu.region"() ({
      %run_scoped3A = tpu.sem_alloc : memref<!tpu.dma_semaphore, #tpu.memory_space<semaphore_mem>>
      %dma_start3A_28 = arith.constant 0 : i32
      %dma_start3A_29 = arith.constant 0 : i32
      %dma_start3A_30 = tpu.memref_slice %arg4[%add3A, %dma_start3A_28, %dma_start3A_29] : memref<32x40x256xi32, #tpu.memory_space<hbm>> -> memref<1x40x256xi32, #tpu.memory_space<hbm>>
      %dma_start3A_31 = tpu.memref_squeeze %dma_start3A_30 : memref<1x40x256xi32, #tpu.memory_space<hbm>> -> memref<40x256xi32, #tpu.memory_space<hbm>>
      %dma_start3A_32 = arith.constant 0 : i32
      %dma_start3A_33 = arith.constant 0 : i32
      %dma_start3A_34 = tpu.memref_slice %arg4[%add3A, %dma_start3A_32, %dma_start3A_33] : memref<32x40x256xi32, #tpu.memory_space<hbm>> -> memref<1x40x256xi32, #tpu.memory_space<hbm>>
      %dma_start3A_35 = tpu.memref_squeeze %dma_start3A_34 : memref<1x40x256xi32, #tpu.memory_space<hbm>> -> memref<40x256xi32, #tpu.memory_space<hbm>>
      tpu.enqueue_dma source(%dma_start3A_35 : memref<40x256xi32, #tpu.memory_space<hbm>>) target(%arg8 : memref<40x256xi32, #tpu.memory_space<vmem>>) target_semaphore(%run_scoped3A : memref<!tpu.dma_semaphore, #tpu.memory_space<semaphore_mem>>)
      %dma_wait3A = arith.constant 0 : i32
      %dma_wait3A_36 = arith.constant 0 : i32
      %dma_wait3A_37 = tpu.memref_slice %arg4[%add3A, %dma_wait3A, %dma_wait3A_36] : memref<32x40x256xi32, #tpu.memory_space<hbm>> -> memref<1x40x256xi32, #tpu.memory_space<hbm>>
      %dma_wait3A_38 = tpu.memref_squeeze %dma_wait3A_37 : memref<1x40x256xi32, #tpu.memory_space<hbm>> -> memref<40x256xi32, #tpu.memory_space<hbm>>
      %dma_wait3A_39 = arith.constant 0 : i32
      %dma_wait3A_40 = arith.constant 0 : i32
      %dma_wait3A_41 = tpu.memref_slice %arg4[%add3A, %dma_wait3A_39, %dma_wait3A_40] : memref<32x40x256xi32, #tpu.memory_space<hbm>> -> memref<1x40x256xi32, #tpu.memory_space<hbm>>
      %dma_wait3A_42 = tpu.memref_squeeze %dma_wait3A_41 : memref<1x40x256xi32, #tpu.memory_space<hbm>> -> memref<40x256xi32, #tpu.memory_space<hbm>>
      tpu.wait_dma2 semaphore(%run_scoped3A : memref<!tpu.dma_semaphore, #tpu.memory_space<semaphore_mem>>) src(%dma_wait3A_42 : memref<40x256xi32, #tpu.memory_space<hbm>>) dst(%arg8 : memref<40x256xi32, #tpu.memory_space<vmem>>)
      tpu.yield
    }) : () -> ()
    %barrier3A = arith.constant 0 : index
    tpu.barrier barrier_id(%barrier3A)
    %dma_start3A = arith.constant 0 : i32
    %dma_start3A_3 = arith.constant 0 : i32
    %dma_start3A_4 = tpu.memref_slice %arg7[%dma_start3A, %dma_start3A_3] : memref<40x256xi32, #tpu.memory_space<vmem>> -> memref<1x256xi32, #tpu.memory_space<vmem>>
    %dma_start3A_5 = tpu.memref_squeeze %dma_start3A_4 : memref<1x256xi32, #tpu.memory_space<vmem>> -> memref<256xi32, #tpu.memory_space<vmem>>
    %dma_start3A_6 = arith.constant 0 : i32
    %dma_start3A_7 = arith.constant 0 : i32
    %dma_start3A_8 = tpu.memref_slice %arg2[%dma_start3A_6, %dma_start3A_7] : memref<10240x64xf32, #tpu.memory_space<hbm>> -> memref<10240x64xf32, #tpu.memory_space<hbm>>
    tpu.enqueue_indirect_dma source(%dma_start3A_8 : memref<10240x64xf32, #tpu.memory_space<hbm>>) target(%arg9 : memref<256x64xf32, #tpu.memory_space<vmem>>) offsets(%dma_start3A_5 : memref<256xi32, #tpu.memory_space<vmem>>) semaphore(%arg14 : memref<!tpu.dma_semaphore, #tpu.memory_space<semaphore_mem>>)
    %dma_start3A_9 = arith.constant 1 : i32
    %dma_start3A_10 = arith.constant 0 : i32
    %dma_start3A_11 = tpu.memref_slice %arg7[%dma_start3A_9, %dma_start3A_10] : memref<40x256xi32, #tpu.memory_space<vmem>> -> memref<1x256xi32, #tpu.memory_space<vmem>>
    %dma_start3A_12 = tpu.memref_squeeze %dma_start3A_11 : memref<1x256xi32, #tpu.memory_space<vmem>> -> memref<256xi32, #tpu.memory_space<vmem>>
    %dma_start3A_13 = arith.constant 0 : i32
    %dma_start3A_14 = arith.constant 0 : i32
    %dma_start3A_15 = tpu.memref_slice %arg2[%dma_start3A_13, %dma_start3A_14] : memref<10240x64xf32, #tpu.memory_space<hbm>> -> memref<10240x64xf32, #tpu.memory_space<hbm>>
    tpu.enqueue_indirect_dma source(%dma_start3A_15 : memref<10240x64xf32, #tpu.memory_space<hbm>>) target(%arg10 : memref<256x64xf32, #tpu.memory_space<vmem>>) offsets(%dma_start3A_12 : memref<256xi32, #tpu.memory_space<vmem>>) semaphore(%arg15 : memref<!tpu.dma_semaphore, #tpu.memory_space<semaphore_mem>>)
    %dma_start3A_16 = arith.constant 2 : i32
    %dma_start3A_17 = arith.constant 0 : i32
    %dma_start3A_18 = tpu.memref_slice %arg7[%dma_start3A_16, %dma_start3A_17] : memref<40x256xi32, #tpu.memory_space<vmem>> -> memref<1x256xi32, #tpu.memory_space<vmem>>
    %dma_start3A_19 = tpu.memref_squeeze %dma_start3A_18 : memref<1x256xi32, #tpu.memory_space<vmem>> -> memref<256xi32, #tpu.memory_space<vmem>>
    %dma_start3A_20 = arith.constant 0 : i32
    %dma_start3A_21 = arith.constant 0 : i32
    %dma_start3A_22 = tpu.memref_slice %arg2[%dma_start3A_20, %dma_start3A_21] : memref<10240x64xf32, #tpu.memory_space<hbm>> -> memref<10240x64xf32, #tpu.memory_space<hbm>>
    tpu.enqueue_indirect_dma source(%dma_start3A_22 : memref<10240x64xf32, #tpu.memory_space<hbm>>) target(%arg11 : memref<256x64xf32, #tpu.memory_space<vmem>>) offsets(%dma_start3A_19 : memref<256xi32, #tpu.memory_space<vmem>>) semaphore(%arg16 : memref<!tpu.dma_semaphore, #tpu.memory_space<semaphore_mem>>)
    %scan3A = arith.constant 0 : i32
    %scan3A_23 = arith.constant 10 : i32
    %scan3A_24 = arith.addi %scan3A, %scan3A_23 : i32
    %scan3A_25 = arith.constant 1 : i32
    scf.for %scan3A_28 = %scan3A to %scan3A_24 step %scan3A_25  : i32 {
      %mul3A_29 = arith.constant 1 : i32
      %mul3A_30 = arith.muli %scan3A_28, %mul3A_29 : i32
      %add3A_31 = arith.constant 0 : i32
      %add3A_32 = arith.addi %add3A_31, %mul3A_30 : i32
      %mul3A_33 = arith.constant 4 : i32
      %mul3A_34 = arith.muli %mul3A_33, %add3A_32 : i32
      %add3A_35 = arith.constant 0 : i32
      %add3A_36 = arith.addi %mul3A_34, %add3A_35 : i32
      %dma_wait3A = arith.constant 0 : i32
      %dma_wait3A_37 = tpu.memref_slice %arg7[%add3A_36, %dma_wait3A] : memref<40x256xi32, #tpu.memory_space<vmem>> -> memref<1x256xi32, #tpu.memory_space<vmem>>
      %dma_wait3A_38 = tpu.memref_squeeze %dma_wait3A_37 : memref<1x256xi32, #tpu.memory_space<vmem>> -> memref<256xi32, #tpu.memory_space<vmem>>
      %dma_wait3A_39 = arith.constant 0 : i32
      %dma_wait3A_40 = arith.constant 0 : i32
      %dma_wait3A_41 = tpu.memref_slice %arg2[%dma_wait3A_39, %dma_wait3A_40] : memref<10240x64xf32, #tpu.memory_space<hbm>> -> memref<10240x64xf32, #tpu.memory_space<hbm>>
      tpu.wait_indirect_dma semaphore(%arg14 : memref<!tpu.dma_semaphore, #tpu.memory_space<semaphore_mem>>) src(%dma_wait3A_41 : memref<10240x64xf32, #tpu.memory_space<hbm>>) dst(%arg9 : memref<256x64xf32, #tpu.memory_space<vmem>>)
      %add3A_42 = arith.constant 3 : i32
      %add3A_43 = arith.addi %add3A_36, %add3A_42 : i32
      %lt3A = arith.constant 40 : i32
      %lt3A_44 = arith.cmpi slt, %add3A_43, %lt3A : i32
      %convert_element_type3A = arith.extui %lt3A_44 : i1 to i32
      %cond3A = arith.constant 0 : i32
      %cond3A_45 = arith.cmpi ne, %convert_element_type3A, %cond3A : i32
      scf.if %cond3A_45 {
        %add3A_91 = arith.constant 3 : i32
        %add3A_92 = arith.addi %add3A_36, %add3A_91 : i32
        %dma_start3A_93 = arith.constant 0 : i32
        %dma_start3A_94 = tpu.memref_slice %arg7[%add3A_92, %dma_start3A_93] : memref<40x256xi32, #tpu.memory_space<vmem>> -> memref<1x256xi32, #tpu.memory_space<vmem>>
        %dma_start3A_95 = tpu.memref_squeeze %dma_start3A_94 : memref<1x256xi32, #tpu.memory_space<vmem>> -> memref<256xi32, #tpu.memory_space<vmem>>
        %dma_start3A_96 = arith.constant 0 : i32
        %dma_start3A_97 = arith.constant 0 : i32
        %dma_start3A_98 = tpu.memref_slice %arg2[%dma_start3A_96, %dma_start3A_97] : memref<10240x64xf32, #tpu.memory_space<hbm>> -> memref<10240x64xf32, #tpu.memory_space<hbm>>
        tpu.enqueue_indirect_dma source(%dma_start3A_98 : memref<10240x64xf32, #tpu.memory_space<hbm>>) target(%arg12 : memref<256x64xf32, #tpu.memory_space<vmem>>) offsets(%dma_start3A_95 : memref<256xi32, #tpu.memory_space<vmem>>) semaphore(%arg17 : memref<!tpu.dma_semaphore, #tpu.memory_space<semaphore_mem>>)
      } else {
      }
      "tpu.region"() ({
        %run_scoped3A = tpu.sem_alloc : memref<!tpu.dma_semaphore, #tpu.memory_space<semaphore_mem>>
        %dma_start3A_91 = arith.constant 0 : i32
        %dma_start3A_92 = tpu.memref_slice %arg8[%add3A_36, %dma_start3A_91] : memref<40x256xi32, #tpu.memory_space<vmem>> -> memref<1x256xi32, #tpu.memory_space<vmem>>
        %dma_start3A_93 = tpu.memref_squeeze %dma_start3A_92 : memref<1x256xi32, #tpu.memory_space<vmem>> -> memref<256xi32, #tpu.memory_space<vmem>>
        %dma_start3A_94 = arith.constant 0 : i32
        %dma_start3A_95 = arith.constant 0 : i32
        %dma_start3A_96 = tpu.memref_slice %arg13[%dma_start3A_94, %dma_start3A_95] : memref<10240x64xf32, #tpu.memory_space<vmem_shared>> -> memref<10240x64xf32, #tpu.memory_space<vmem_shared>>
        tpu.enqueue_indirect_dma source(%arg9 : memref<256x64xf32, #tpu.memory_space<vmem>>) target(%dma_start3A_96 : memref<10240x64xf32, #tpu.memory_space<vmem_shared>>) offsets(%dma_start3A_93 : memref<256xi32, #tpu.memory_space<vmem>>) semaphore(%run_scoped3A : memref<!tpu.dma_semaphore, #tpu.memory_space<semaphore_mem>>) {add = true}
        %dma_wait3A_97 = arith.constant 0 : i32
        %dma_wait3A_98 = tpu.memref_slice %arg8[%add3A_36, %dma_wait3A_97] : memref<40x256xi32, #tpu.memory_space<vmem>> -> memref<1x256xi32, #tpu.memory_space<vmem>>
        %dma_wait3A_99 = tpu.memref_squeeze %dma_wait3A_98 : memref<1x256xi32, #tpu.memory_space<vmem>> -> memref<256xi32, #tpu.memory_space<vmem>>
        %dma_wait3A_100 = arith.constant 0 : i32
        %dma_wait3A_101 = arith.constant 0 : i32
        %dma_wait3A_102 = tpu.memref_slice %arg13[%dma_wait3A_100, %dma_wait3A_101] : memref<10240x64xf32, #tpu.memory_space<vmem_shared>> -> memref<10240x64xf32, #tpu.memory_space<vmem_shared>>
        tpu.wait_indirect_dma semaphore(%run_scoped3A : memref<!tpu.dma_semaphore, #tpu.memory_space<semaphore_mem>>) src(%arg9 : memref<256x64xf32, #tpu.memory_space<vmem>>) dst(%dma_wait3A_102 : memref<10240x64xf32, #tpu.memory_space<vmem_shared>>)
        tpu.yield
      }) : () -> ()
      %add3A_46 = arith.constant 1 : i32
      %add3A_47 = arith.addi %mul3A_34, %add3A_46 : i32
      %dma_wait3A_48 = arith.constant 0 : i32
      %dma_wait3A_49 = tpu.memref_slice %arg7[%add3A_47, %dma_wait3A_48] : memref<40x256xi32, #tpu.memory_space<vmem>> -> memref<1x256xi32, #tpu.memory_space<vmem>>
      %dma_wait3A_50 = tpu.memref_squeeze %dma_wait3A_49 : memref<1x256xi32, #tpu.memory_space<vmem>> -> memref<256xi32, #tpu.memory_space<vmem>>
      %dma_wait3A_51 = arith.constant 0 : i32
      %dma_wait3A_52 = arith.constant 0 : i32
      %dma_wait3A_53 = tpu.memref_slice %arg2[%dma_wait3A_51, %dma_wait3A_52] : memref<10240x64xf32, #tpu.memory_space<hbm>> -> memref<10240x64xf32, #tpu.memory_space<hbm>>
      tpu.wait_indirect_dma semaphore(%arg15 : memref<!tpu.dma_semaphore, #tpu.memory_space<semaphore_mem>>) src(%dma_wait3A_53 : memref<10240x64xf32, #tpu.memory_space<hbm>>) dst(%arg10 : memref<256x64xf32, #tpu.memory_space<vmem>>)
      %add3A_54 = arith.constant 3 : i32
      %add3A_55 = arith.addi %add3A_47, %add3A_54 : i32
      %lt3A_56 = arith.constant 40 : i32
      %lt3A_57 = arith.cmpi slt, %add3A_55, %lt3A_56 : i32
      %convert_element_type3A_58 = arith.extui %lt3A_57 : i1 to i32
      %cond3A_59 = arith.constant 0 : i32
      %cond3A_60 = arith.cmpi ne, %convert_element_type3A_58, %cond3A_59 : i32
      scf.if %cond3A_60 {
        %add3A_91 = arith.constant 3 : i32
        %add3A_92 = arith.addi %add3A_47, %add3A_91 : i32
        %dma_start3A_93 = arith.constant 0 : i32
        %dma_start3A_94 = tpu.memref_slice %arg7[%add3A_92, %dma_start3A_93] : memref<40x256xi32, #tpu.memory_space<vmem>> -> memref<1x256xi32, #tpu.memory_space<vmem>>
        %dma_start3A_95 = tpu.memref_squeeze %dma_start3A_94 : memref<1x256xi32, #tpu.memory_space<vmem>> -> memref<256xi32, #tpu.memory_space<vmem>>
        %dma_start3A_96 = arith.constant 0 : i32
        %dma_start3A_97 = arith.constant 0 : i32
        %dma_start3A_98 = tpu.memref_slice %arg2[%dma_start3A_96, %dma_start3A_97] : memref<10240x64xf32, #tpu.memory_space<hbm>> -> memref<10240x64xf32, #tpu.memory_space<hbm>>
        tpu.enqueue_indirect_dma source(%dma_start3A_98 : memref<10240x64xf32, #tpu.memory_space<hbm>>) target(%arg9 : memref<256x64xf32, #tpu.memory_space<vmem>>) offsets(%dma_start3A_95 : memref<256xi32, #tpu.memory_space<vmem>>) semaphore(%arg14 : memref<!tpu.dma_semaphore, #tpu.memory_space<semaphore_mem>>)
      } else {
      }
      "tpu.region"() ({
        %run_scoped3A = tpu.sem_alloc : memref<!tpu.dma_semaphore, #tpu.memory_space<semaphore_mem>>
        %dma_start3A_91 = arith.constant 0 : i32
        %dma_start3A_92 = tpu.memref_slice %arg8[%add3A_47, %dma_start3A_91] : memref<40x256xi32, #tpu.memory_space<vmem>> -> memref<1x256xi32, #tpu.memory_space<vmem>>
        %dma_start3A_93 = tpu.memref_squeeze %dma_start3A_92 : memref<1x256xi32, #tpu.memory_space<vmem>> -> memref<256xi32, #tpu.memory_space<vmem>>
        %dma_start3A_94 = arith.constant 0 : i32
        %dma_start3A_95 = arith.constant 0 : i32
        %dma_start3A_96 = tpu.memref_slice %arg13[%dma_start3A_94, %dma_start3A_95] : memref<10240x64xf32, #tpu.memory_space<vmem_shared>> -> memref<10240x64xf32, #tpu.memory_space<vmem_shared>>
        tpu.enqueue_indirect_dma source(%arg10 : memref<256x64xf32, #tpu.memory_space<vmem>>) target(%dma_start3A_96 : memref<10240x64xf32, #tpu.memory_space<vmem_shared>>) offsets(%dma_start3A_93 : memref<256xi32, #tpu.memory_space<vmem>>) semaphore(%run_scoped3A : memref<!tpu.dma_semaphore, #tpu.memory_space<semaphore_mem>>) {add = true}
        %dma_wait3A_97 = arith.constant 0 : i32
        %dma_wait3A_98 = tpu.memref_slice %arg8[%add3A_47, %dma_wait3A_97] : memref<40x256xi32, #tpu.memory_space<vmem>> -> memref<1x256xi32, #tpu.memory_space<vmem>>
        %dma_wait3A_99 = tpu.memref_squeeze %dma_wait3A_98 : memref<1x256xi32, #tpu.memory_space<vmem>> -> memref<256xi32, #tpu.memory_space<vmem>>
        %dma_wait3A_100 = arith.constant 0 : i32
        %dma_wait3A_101 = arith.constant 0 : i32
        %dma_wait3A_102 = tpu.memref_slice %arg13[%dma_wait3A_100, %dma_wait3A_101] : memref<10240x64xf32, #tpu.memory_space<vmem_shared>> -> memref<10240x64xf32, #tpu.memory_space<vmem_shared>>
        tpu.wait_indirect_dma semaphore(%run_scoped3A : memref<!tpu.dma_semaphore, #tpu.memory_space<semaphore_mem>>) src(%arg10 : memref<256x64xf32, #tpu.memory_space<vmem>>) dst(%dma_wait3A_102 : memref<10240x64xf32, #tpu.memory_space<vmem_shared>>)
        tpu.yield
      }) : () -> ()
      %add3A_61 = arith.constant 2 : i32
      %add3A_62 = arith.addi %mul3A_34, %add3A_61 : i32
      %dma_wait3A_63 = arith.constant 0 : i32
      %dma_wait3A_64 = tpu.memref_slice %arg7[%add3A_62, %dma_wait3A_63] : memref<40x256xi32, #tpu.memory_space<vmem>> -> memref<1x256xi32, #tpu.memory_space<vmem>>
      %dma_wait3A_65 = tpu.memref_squeeze %dma_wait3A_64 : memref<1x256xi32, #tpu.memory_space<vmem>> -> memref<256xi32, #tpu.memory_space<vmem>>
      %dma_wait3A_66 = arith.constant 0 : i32
      %dma_wait3A_67 = arith.constant 0 : i32
      %dma_wait3A_68 = tpu.memref_slice %arg2[%dma_wait3A_66, %dma_wait3A_67] : memref<10240x64xf32, #tpu.memory_space<hbm>> -> memref<10240x64xf32, #tpu.memory_space<hbm>>
      tpu.wait_indirect_dma semaphore(%arg16 : memref<!tpu.dma_semaphore, #tpu.memory_space<semaphore_mem>>) src(%dma_wait3A_68 : memref<10240x64xf32, #tpu.memory_space<hbm>>) dst(%arg11 : memref<256x64xf32, #tpu.memory_space<vmem>>)
      %add3A_69 = arith.constant 3 : i32
      %add3A_70 = arith.addi %add3A_62, %add3A_69 : i32
      %lt3A_71 = arith.constant 40 : i32
      %lt3A_72 = arith.cmpi slt, %add3A_70, %lt3A_71 : i32
      %convert_element_type3A_73 = arith.extui %lt3A_72 : i1 to i32
      %cond3A_74 = arith.constant 0 : i32
      %cond3A_75 = arith.cmpi ne, %convert_element_type3A_73, %cond3A_74 : i32
      scf.if %cond3A_75 {
        %add3A_91 = arith.constant 3 : i32
        %add3A_92 = arith.addi %add3A_62, %add3A_91 : i32
        %dma_start3A_93 = arith.constant 0 : i32
        %dma_start3A_94 = tpu.memref_slice %arg7[%add3A_92, %dma_start3A_93] : memref<40x256xi32, #tpu.memory_space<vmem>> -> memref<1x256xi32, #tpu.memory_space<vmem>>
        %dma_start3A_95 = tpu.memref_squeeze %dma_start3A_94 : memref<1x256xi32, #tpu.memory_space<vmem>> -> memref<256xi32, #tpu.memory_space<vmem>>
        %dma_start3A_96 = arith.constant 0 : i32
        %dma_start3A_97 = arith.constant 0 : i32
        %dma_start3A_98 = tpu.memref_slice %arg2[%dma_start3A_96, %dma_start3A_97] : memref<10240x64xf32, #tpu.memory_space<hbm>> -> memref<10240x64xf32, #tpu.memory_space<hbm>>
        tpu.enqueue_indirect_dma source(%dma_start3A_98 : memref<10240x64xf32, #tpu.memory_space<hbm>>) target(%arg10 : memref<256x64xf32, #tpu.memory_space<vmem>>) offsets(%dma_start3A_95 : memref<256xi32, #tpu.memory_space<vmem>>) semaphore(%arg15 : memref<!tpu.dma_semaphore, #tpu.memory_space<semaphore_mem>>)
      } else {
      }
      "tpu.region"() ({
        %run_scoped3A = tpu.sem_alloc : memref<!tpu.dma_semaphore, #tpu.memory_space<semaphore_mem>>
        %dma_start3A_91 = arith.constant 0 : i32
        %dma_start3A_92 = tpu.memref_slice %arg8[%add3A_62, %dma_start3A_91] : memref<40x256xi32, #tpu.memory_space<vmem>> -> memref<1x256xi32, #tpu.memory_space<vmem>>
        %dma_start3A_93 = tpu.memref_squeeze %dma_start3A_92 : memref<1x256xi32, #tpu.memory_space<vmem>> -> memref<256xi32, #tpu.memory_space<vmem>>
        %dma_start3A_94 = arith.constant 0 : i32
        %dma_start3A_95 = arith.constant 0 : i32
        %dma_start3A_96 = tpu.memref_slice %arg13[%dma_start3A_94, %dma_start3A_95] : memref<10240x64xf32, #tpu.memory_space<vmem_shared>> -> memref<10240x64xf32, #tpu.memory_space<vmem_shared>>
        tpu.enqueue_indirect_dma source(%arg11 : memref<256x64xf32, #tpu.memory_space<vmem>>) target(%dma_start3A_96 : memref<10240x64xf32, #tpu.memory_space<vmem_shared>>) offsets(%dma_start3A_93 : memref<256xi32, #tpu.memory_space<vmem>>) semaphore(%run_scoped3A : memref<!tpu.dma_semaphore, #tpu.memory_space<semaphore_mem>>) {add = true}
        %dma_wait3A_97 = arith.constant 0 : i32
        %dma_wait3A_98 = tpu.memref_slice %arg8[%add3A_62, %dma_wait3A_97] : memref<40x256xi32, #tpu.memory_space<vmem>> -> memref<1x256xi32, #tpu.memory_space<vmem>>
        %dma_wait3A_99 = tpu.memref_squeeze %dma_wait3A_98 : memref<1x256xi32, #tpu.memory_space<vmem>> -> memref<256xi32, #tpu.memory_space<vmem>>
        %dma_wait3A_100 = arith.constant 0 : i32
        %dma_wait3A_101 = arith.constant 0 : i32
        %dma_wait3A_102 = tpu.memref_slice %arg13[%dma_wait3A_100, %dma_wait3A_101] : memref<10240x64xf32, #tpu.memory_space<vmem_shared>> -> memref<10240x64xf32, #tpu.memory_space<vmem_shared>>
        tpu.wait_indirect_dma semaphore(%run_scoped3A : memref<!tpu.dma_semaphore, #tpu.memory_space<semaphore_mem>>) src(%arg11 : memref<256x64xf32, #tpu.memory_space<vmem>>) dst(%dma_wait3A_102 : memref<10240x64xf32, #tpu.memory_space<vmem_shared>>)
        tpu.yield
      }) : () -> ()
      %add3A_76 = arith.constant 3 : i32
      %add3A_77 = arith.addi %mul3A_34, %add3A_76 : i32
      %dma_wait3A_78 = arith.constant 0 : i32
      %dma_wait3A_79 = tpu.memref_slice %arg7[%add3A_77, %dma_wait3A_78] : memref<40x256xi32, #tpu.memory_space<vmem>> -> memref<1x256xi32, #tpu.memory_space<vmem>>
      %dma_wait3A_80 = tpu.memref_squeeze %dma_wait3A_79 : memref<1x256xi32, #tpu.memory_space<vmem>> -> memref<256xi32, #tpu.memory_space<vmem>>
      %dma_wait3A_81 = arith.constant 0 : i32
      %dma_wait3A_82 = arith.constant 0 : i32
      %dma_wait3A_83 = tpu.memref_slice %arg2[%dma_wait3A_81, %dma_wait3A_82] : memref<10240x64xf32, #tpu.memory_space<hbm>> -> memref<10240x64xf32, #tpu.memory_space<hbm>>
      tpu.wait_indirect_dma semaphore(%arg17 : memref<!tpu.dma_semaphore, #tpu.memory_space<semaphore_mem>>) src(%dma_wait3A_83 : memref<10240x64xf32, #tpu.memory_space<hbm>>) dst(%arg12 : memref<256x64xf32, #tpu.memory_space<vmem>>)
      %add3A_84 = arith.constant 3 : i32
      %add3A_85 = arith.addi %add3A_77, %add3A_84 : i32
      %lt3A_86 = arith.constant 40 : i32
      %lt3A_87 = arith.cmpi slt, %add3A_85, %lt3A_86 : i32
      %convert_element_type3A_88 = arith.extui %lt3A_87 : i1 to i32
      %cond3A_89 = arith.constant 0 : i32
      %cond3A_90 = arith.cmpi ne, %convert_element_type3A_88, %cond3A_89 : i32
      scf.if %cond3A_90 {
        %add3A_91 = arith.constant 3 : i32
        %add3A_92 = arith.addi %add3A_77, %add3A_91 : i32
        %dma_start3A_93 = arith.constant 0 : i32
        %dma_start3A_94 = tpu.memref_slice %arg7[%add3A_92, %dma_start3A_93] : memref<40x256xi32, #tpu.memory_space<vmem>> -> memref<1x256xi32, #tpu.memory_space<vmem>>
        %dma_start3A_95 = tpu.memref_squeeze %dma_start3A_94 : memref<1x256xi32, #tpu.memory_space<vmem>> -> memref<256xi32, #tpu.memory_space<vmem>>
        %dma_start3A_96 = arith.constant 0 : i32
        %dma_start3A_97 = arith.constant 0 : i32
        %dma_start3A_98 = tpu.memref_slice %arg2[%dma_start3A_96, %dma_start3A_97] : memref<10240x64xf32, #tpu.memory_space<hbm>> -> memref<10240x64xf32, #tpu.memory_space<hbm>>
        tpu.enqueue_indirect_dma source(%dma_start3A_98 : memref<10240x64xf32, #tpu.memory_space<hbm>>) target(%arg11 : memref<256x64xf32, #tpu.memory_space<vmem>>) offsets(%dma_start3A_95 : memref<256xi32, #tpu.memory_space<vmem>>) semaphore(%arg16 : memref<!tpu.dma_semaphore, #tpu.memory_space<semaphore_mem>>)
      } else {
      }
      "tpu.region"() ({
        %run_scoped3A = tpu.sem_alloc : memref<!tpu.dma_semaphore, #tpu.memory_space<semaphore_mem>>
        %dma_start3A_91 = arith.constant 0 : i32
        %dma_start3A_92 = tpu.memref_slice %arg8[%add3A_77, %dma_start3A_91] : memref<40x256xi32, #tpu.memory_space<vmem>> -> memref<1x256xi32, #tpu.memory_space<vmem>>
        %dma_start3A_93 = tpu.memref_squeeze %dma_start3A_92 : memref<1x256xi32, #tpu.memory_space<vmem>> -> memref<256xi32, #tpu.memory_space<vmem>>
        %dma_start3A_94 = arith.constant 0 : i32
        %dma_start3A_95 = arith.constant 0 : i32
        %dma_start3A_96 = tpu.memref_slice %arg13[%dma_start3A_94, %dma_start3A_95] : memref<10240x64xf32, #tpu.memory_space<vmem_shared>> -> memref<10240x64xf32, #tpu.memory_space<vmem_shared>>
        tpu.enqueue_indirect_dma source(%arg12 : memref<256x64xf32, #tpu.memory_space<vmem>>) target(%dma_start3A_96 : memref<10240x64xf32, #tpu.memory_space<vmem_shared>>) offsets(%dma_start3A_93 : memref<256xi32, #tpu.memory_space<vmem>>) semaphore(%run_scoped3A : memref<!tpu.dma_semaphore, #tpu.memory_space<semaphore_mem>>) {add = true}
        %dma_wait3A_97 = arith.constant 0 : i32
        %dma_wait3A_98 = tpu.memref_slice %arg8[%add3A_77, %dma_wait3A_97] : memref<40x256xi32, #tpu.memory_space<vmem>> -> memref<1x256xi32, #tpu.memory_space<vmem>>
        %dma_wait3A_99 = tpu.memref_squeeze %dma_wait3A_98 : memref<1x256xi32, #tpu.memory_space<vmem>> -> memref<256xi32, #tpu.memory_space<vmem>>
        %dma_wait3A_100 = arith.constant 0 : i32
        %dma_wait3A_101 = arith.constant 0 : i32
        %dma_wait3A_102 = tpu.memref_slice %arg13[%dma_wait3A_100, %dma_wait3A_101] : memref<10240x64xf32, #tpu.memory_space<vmem_shared>> -> memref<10240x64xf32, #tpu.memory_space<vmem_shared>>
        tpu.wait_indirect_dma semaphore(%run_scoped3A : memref<!tpu.dma_semaphore, #tpu.memory_space<semaphore_mem>>) src(%arg12 : memref<256x64xf32, #tpu.memory_space<vmem>>) dst(%dma_wait3A_102 : memref<10240x64xf32, #tpu.memory_space<vmem_shared>>)
        tpu.yield
      }) : () -> ()
    }
    %scan3A_26 = arith.constant 10 : i32
    %barrier3A_27 = arith.constant 0 : index
    tpu.barrier barrier_id(%barrier3A_27)
    "tpu.region"() ({
      %run_scoped3A = tpu.sem_alloc : memref<!tpu.dma_semaphore, #tpu.memory_space<semaphore_mem>>
      %dma_start3A_28 = arith.constant 0 : i32
      %dma_start3A_29 = tpu.memref_slice %arg6[%arg0, %mul3A_2, %dma_start3A_28] : memref<2x10240x64xf32, #tpu.memory_space<hbm>> -> memref<1x640x64xf32, #tpu.memory_space<hbm>>
      %dma_start3A_30 = tpu.memref_squeeze %dma_start3A_29 : memref<1x640x64xf32, #tpu.memory_space<hbm>> -> memref<640x64xf32, #tpu.memory_space<hbm>>
      %dma_start3A_31 = arith.constant 0 : i32
      %dma_start3A_32 = tpu.memref_slice %arg13[%mul3A_2, %dma_start3A_31] : memref<10240x64xf32, #tpu.memory_space<vmem_shared>> -> memref<640x64xf32, #tpu.memory_space<vmem_shared>>
      tpu.enqueue_dma source(%dma_start3A_32 : memref<640x64xf32, #tpu.memory_space<vmem_shared>>) target(%dma_start3A_30 : memref<640x64xf32, #tpu.memory_space<hbm>>) target_semaphore(%run_scoped3A : memref<!tpu.dma_semaphore, #tpu.memory_space<semaphore_mem>>)
      %dma_wait3A = arith.constant 0 : i32
      %dma_wait3A_33 = tpu.memref_slice %arg6[%arg0, %mul3A_2, %dma_wait3A] : memref<2x10240x64xf32, #tpu.memory_space<hbm>> -> memref<1x640x64xf32, #tpu.memory_space<hbm>>
      %dma_wait3A_34 = tpu.memref_squeeze %dma_wait3A_33 : memref<1x640x64xf32, #tpu.memory_space<hbm>> -> memref<640x64xf32, #tpu.memory_space<hbm>>
      %dma_wait3A_35 = arith.constant 0 : i32
      %dma_wait3A_36 = tpu.memref_slice %arg13[%mul3A_2, %dma_wait3A_35] : memref<10240x64xf32, #tpu.memory_space<vmem_shared>> -> memref<640x64xf32, #tpu.memory_space<vmem_shared>>
      tpu.wait_dma2 semaphore(%run_scoped3A : memref<!tpu.dma_semaphore, #tpu.memory_space<semaphore_mem>>) src(%dma_wait3A_36 : memref<640x64xf32, #tpu.memory_space<vmem_shared>>) dst(%dma_wait3A_34 : memref<640x64xf32, #tpu.memory_space<hbm>>)
      tpu.yield
    }) : () -> ()
    return
  }
}

#map = affine_map<(d0, d1) -> (0, 0)>
#map1 = affine_map<(d0, d1) -> (0, 0, 0)>
module attributes {stable_mosaic.version = 14 : i64} {
  func.func @agg_kernel(%arg0: i32, %arg1: i32, %arg2: memref<10240x16xf32, #tpu.memory_space<hbm>>, %arg3: memref<32x20x512xi32, #tpu.memory_space<hbm>>, %arg4: memref<32x20x512xi32, #tpu.memory_space<hbm>>, %arg5: memref<10240x16xf32, #tpu.memory_space<hbm>>, %arg6: memref<2x10240x16xf32, #tpu.memory_space<hbm>>, %arg7: memref<20x512xi32, #tpu.memory_space<vmem>>, %arg8: memref<20x512xi32, #tpu.memory_space<vmem>>, %arg9: memref<512x16xf32, #tpu.memory_space<vmem>>, %arg10: memref<512x16xf32, #tpu.memory_space<vmem>>, %arg11: memref<512x16xf32, #tpu.memory_space<vmem>>, %arg12: memref<512x16xf32, #tpu.memory_space<vmem>>, %arg13: memref<10240x16xf32, #tpu.memory_space<vmem_shared>>, %arg14: memref<!tpu.dma_semaphore, #tpu.memory_space<semaphore_mem>>, %arg15: memref<!tpu.dma_semaphore, #tpu.memory_space<semaphore_mem>>, %arg16: memref<!tpu.dma_semaphore, #tpu.memory_space<semaphore_mem>>, %arg17: memref<!tpu.dma_semaphore, #tpu.memory_space<semaphore_mem>>) attributes {dimension_semantics = [#tpu.dimension_semantics<core_parallel>, #tpu.dimension_semantics<subcore_parallel>], iteration_bounds = array<i64: 2, 16>, scalar_prefetch = 0 : i64, scratch_operands = 11 : i64, tpu.core_type = #tpu.core_type<sc_vector_subcore>, window_params = [{transform_indices = #map}, {transform_indices = #map1}, {transform_indices = #map1}, {transform_indices = #map}, {transform_indices = #map1}]} {
    %mul3A = arith.constant 2 : i32
    %mul3A_0 = arith.muli %arg1, %mul3A : i32
    %add3A = arith.addi %mul3A_0, %arg0 : i32
    %mul3A_1 = arith.constant 640 : i32
    %mul3A_2 = arith.muli %arg1, %mul3A_1 : i32
    "tpu.region"() ({
      %run_scoped3A = tpu.sem_alloc : memref<!tpu.dma_semaphore, #tpu.memory_space<semaphore_mem>>
      %dma_start3A_28 = arith.constant 0 : i32
      %dma_start3A_29 = tpu.memref_slice %arg13[%mul3A_2, %dma_start3A_28] : memref<10240x16xf32, #tpu.memory_space<vmem_shared>> -> memref<640x16xf32, #tpu.memory_space<vmem_shared>>
      %dma_start3A_30 = arith.constant 0 : i32
      %dma_start3A_31 = tpu.memref_slice %arg5[%mul3A_2, %dma_start3A_30] : memref<10240x16xf32, #tpu.memory_space<hbm>> -> memref<640x16xf32, #tpu.memory_space<hbm>>
      tpu.enqueue_dma source(%dma_start3A_31 : memref<640x16xf32, #tpu.memory_space<hbm>>) target(%dma_start3A_29 : memref<640x16xf32, #tpu.memory_space<vmem_shared>>) target_semaphore(%run_scoped3A : memref<!tpu.dma_semaphore, #tpu.memory_space<semaphore_mem>>)
      %dma_wait3A = arith.constant 0 : i32
      %dma_wait3A_32 = tpu.memref_slice %arg13[%mul3A_2, %dma_wait3A] : memref<10240x16xf32, #tpu.memory_space<vmem_shared>> -> memref<640x16xf32, #tpu.memory_space<vmem_shared>>
      %dma_wait3A_33 = arith.constant 0 : i32
      %dma_wait3A_34 = tpu.memref_slice %arg5[%mul3A_2, %dma_wait3A_33] : memref<10240x16xf32, #tpu.memory_space<hbm>> -> memref<640x16xf32, #tpu.memory_space<hbm>>
      tpu.wait_dma2 semaphore(%run_scoped3A : memref<!tpu.dma_semaphore, #tpu.memory_space<semaphore_mem>>) src(%dma_wait3A_34 : memref<640x16xf32, #tpu.memory_space<hbm>>) dst(%dma_wait3A_32 : memref<640x16xf32, #tpu.memory_space<vmem_shared>>)
      tpu.yield
    }) : () -> ()
    "tpu.region"() ({
      %run_scoped3A = tpu.sem_alloc : memref<!tpu.dma_semaphore, #tpu.memory_space<semaphore_mem>>
      %dma_start3A_28 = arith.constant 0 : i32
      %dma_start3A_29 = arith.constant 0 : i32
      %dma_start3A_30 = tpu.memref_slice %arg3[%add3A, %dma_start3A_28, %dma_start3A_29] : memref<32x20x512xi32, #tpu.memory_space<hbm>> -> memref<1x20x512xi32, #tpu.memory_space<hbm>>
      %dma_start3A_31 = tpu.memref_squeeze %dma_start3A_30 : memref<1x20x512xi32, #tpu.memory_space<hbm>> -> memref<20x512xi32, #tpu.memory_space<hbm>>
      %dma_start3A_32 = arith.constant 0 : i32
      %dma_start3A_33 = arith.constant 0 : i32
      %dma_start3A_34 = tpu.memref_slice %arg3[%add3A, %dma_start3A_32, %dma_start3A_33] : memref<32x20x512xi32, #tpu.memory_space<hbm>> -> memref<1x20x512xi32, #tpu.memory_space<hbm>>
      %dma_start3A_35 = tpu.memref_squeeze %dma_start3A_34 : memref<1x20x512xi32, #tpu.memory_space<hbm>> -> memref<20x512xi32, #tpu.memory_space<hbm>>
      tpu.enqueue_dma source(%dma_start3A_35 : memref<20x512xi32, #tpu.memory_space<hbm>>) target(%arg7 : memref<20x512xi32, #tpu.memory_space<vmem>>) target_semaphore(%run_scoped3A : memref<!tpu.dma_semaphore, #tpu.memory_space<semaphore_mem>>)
      %dma_wait3A = arith.constant 0 : i32
      %dma_wait3A_36 = arith.constant 0 : i32
      %dma_wait3A_37 = tpu.memref_slice %arg3[%add3A, %dma_wait3A, %dma_wait3A_36] : memref<32x20x512xi32, #tpu.memory_space<hbm>> -> memref<1x20x512xi32, #tpu.memory_space<hbm>>
      %dma_wait3A_38 = tpu.memref_squeeze %dma_wait3A_37 : memref<1x20x512xi32, #tpu.memory_space<hbm>> -> memref<20x512xi32, #tpu.memory_space<hbm>>
      %dma_wait3A_39 = arith.constant 0 : i32
      %dma_wait3A_40 = arith.constant 0 : i32
      %dma_wait3A_41 = tpu.memref_slice %arg3[%add3A, %dma_wait3A_39, %dma_wait3A_40] : memref<32x20x512xi32, #tpu.memory_space<hbm>> -> memref<1x20x512xi32, #tpu.memory_space<hbm>>
      %dma_wait3A_42 = tpu.memref_squeeze %dma_wait3A_41 : memref<1x20x512xi32, #tpu.memory_space<hbm>> -> memref<20x512xi32, #tpu.memory_space<hbm>>
      tpu.wait_dma2 semaphore(%run_scoped3A : memref<!tpu.dma_semaphore, #tpu.memory_space<semaphore_mem>>) src(%dma_wait3A_42 : memref<20x512xi32, #tpu.memory_space<hbm>>) dst(%arg7 : memref<20x512xi32, #tpu.memory_space<vmem>>)
      tpu.yield
    }) : () -> ()
    "tpu.region"() ({
      %run_scoped3A = tpu.sem_alloc : memref<!tpu.dma_semaphore, #tpu.memory_space<semaphore_mem>>
      %dma_start3A_28 = arith.constant 0 : i32
      %dma_start3A_29 = arith.constant 0 : i32
      %dma_start3A_30 = tpu.memref_slice %arg4[%add3A, %dma_start3A_28, %dma_start3A_29] : memref<32x20x512xi32, #tpu.memory_space<hbm>> -> memref<1x20x512xi32, #tpu.memory_space<hbm>>
      %dma_start3A_31 = tpu.memref_squeeze %dma_start3A_30 : memref<1x20x512xi32, #tpu.memory_space<hbm>> -> memref<20x512xi32, #tpu.memory_space<hbm>>
      %dma_start3A_32 = arith.constant 0 : i32
      %dma_start3A_33 = arith.constant 0 : i32
      %dma_start3A_34 = tpu.memref_slice %arg4[%add3A, %dma_start3A_32, %dma_start3A_33] : memref<32x20x512xi32, #tpu.memory_space<hbm>> -> memref<1x20x512xi32, #tpu.memory_space<hbm>>
      %dma_start3A_35 = tpu.memref_squeeze %dma_start3A_34 : memref<1x20x512xi32, #tpu.memory_space<hbm>> -> memref<20x512xi32, #tpu.memory_space<hbm>>
      tpu.enqueue_dma source(%dma_start3A_35 : memref<20x512xi32, #tpu.memory_space<hbm>>) target(%arg8 : memref<20x512xi32, #tpu.memory_space<vmem>>) target_semaphore(%run_scoped3A : memref<!tpu.dma_semaphore, #tpu.memory_space<semaphore_mem>>)
      %dma_wait3A = arith.constant 0 : i32
      %dma_wait3A_36 = arith.constant 0 : i32
      %dma_wait3A_37 = tpu.memref_slice %arg4[%add3A, %dma_wait3A, %dma_wait3A_36] : memref<32x20x512xi32, #tpu.memory_space<hbm>> -> memref<1x20x512xi32, #tpu.memory_space<hbm>>
      %dma_wait3A_38 = tpu.memref_squeeze %dma_wait3A_37 : memref<1x20x512xi32, #tpu.memory_space<hbm>> -> memref<20x512xi32, #tpu.memory_space<hbm>>
      %dma_wait3A_39 = arith.constant 0 : i32
      %dma_wait3A_40 = arith.constant 0 : i32
      %dma_wait3A_41 = tpu.memref_slice %arg4[%add3A, %dma_wait3A_39, %dma_wait3A_40] : memref<32x20x512xi32, #tpu.memory_space<hbm>> -> memref<1x20x512xi32, #tpu.memory_space<hbm>>
      %dma_wait3A_42 = tpu.memref_squeeze %dma_wait3A_41 : memref<1x20x512xi32, #tpu.memory_space<hbm>> -> memref<20x512xi32, #tpu.memory_space<hbm>>
      tpu.wait_dma2 semaphore(%run_scoped3A : memref<!tpu.dma_semaphore, #tpu.memory_space<semaphore_mem>>) src(%dma_wait3A_42 : memref<20x512xi32, #tpu.memory_space<hbm>>) dst(%arg8 : memref<20x512xi32, #tpu.memory_space<vmem>>)
      tpu.yield
    }) : () -> ()
    %barrier3A = arith.constant 0 : index
    tpu.barrier barrier_id(%barrier3A)
    %dma_start3A = arith.constant 0 : i32
    %dma_start3A_3 = arith.constant 0 : i32
    %dma_start3A_4 = tpu.memref_slice %arg7[%dma_start3A, %dma_start3A_3] : memref<20x512xi32, #tpu.memory_space<vmem>> -> memref<1x512xi32, #tpu.memory_space<vmem>>
    %dma_start3A_5 = tpu.memref_squeeze %dma_start3A_4 : memref<1x512xi32, #tpu.memory_space<vmem>> -> memref<512xi32, #tpu.memory_space<vmem>>
    %dma_start3A_6 = arith.constant 0 : i32
    %dma_start3A_7 = arith.constant 0 : i32
    %dma_start3A_8 = tpu.memref_slice %arg2[%dma_start3A_6, %dma_start3A_7] : memref<10240x16xf32, #tpu.memory_space<hbm>> -> memref<10240x16xf32, #tpu.memory_space<hbm>>
    tpu.enqueue_indirect_dma source(%dma_start3A_8 : memref<10240x16xf32, #tpu.memory_space<hbm>>) target(%arg9 : memref<512x16xf32, #tpu.memory_space<vmem>>) offsets(%dma_start3A_5 : memref<512xi32, #tpu.memory_space<vmem>>) semaphore(%arg14 : memref<!tpu.dma_semaphore, #tpu.memory_space<semaphore_mem>>)
    %dma_start3A_9 = arith.constant 1 : i32
    %dma_start3A_10 = arith.constant 0 : i32
    %dma_start3A_11 = tpu.memref_slice %arg7[%dma_start3A_9, %dma_start3A_10] : memref<20x512xi32, #tpu.memory_space<vmem>> -> memref<1x512xi32, #tpu.memory_space<vmem>>
    %dma_start3A_12 = tpu.memref_squeeze %dma_start3A_11 : memref<1x512xi32, #tpu.memory_space<vmem>> -> memref<512xi32, #tpu.memory_space<vmem>>
    %dma_start3A_13 = arith.constant 0 : i32
    %dma_start3A_14 = arith.constant 0 : i32
    %dma_start3A_15 = tpu.memref_slice %arg2[%dma_start3A_13, %dma_start3A_14] : memref<10240x16xf32, #tpu.memory_space<hbm>> -> memref<10240x16xf32, #tpu.memory_space<hbm>>
    tpu.enqueue_indirect_dma source(%dma_start3A_15 : memref<10240x16xf32, #tpu.memory_space<hbm>>) target(%arg10 : memref<512x16xf32, #tpu.memory_space<vmem>>) offsets(%dma_start3A_12 : memref<512xi32, #tpu.memory_space<vmem>>) semaphore(%arg15 : memref<!tpu.dma_semaphore, #tpu.memory_space<semaphore_mem>>)
    %dma_start3A_16 = arith.constant 2 : i32
    %dma_start3A_17 = arith.constant 0 : i32
    %dma_start3A_18 = tpu.memref_slice %arg7[%dma_start3A_16, %dma_start3A_17] : memref<20x512xi32, #tpu.memory_space<vmem>> -> memref<1x512xi32, #tpu.memory_space<vmem>>
    %dma_start3A_19 = tpu.memref_squeeze %dma_start3A_18 : memref<1x512xi32, #tpu.memory_space<vmem>> -> memref<512xi32, #tpu.memory_space<vmem>>
    %dma_start3A_20 = arith.constant 0 : i32
    %dma_start3A_21 = arith.constant 0 : i32
    %dma_start3A_22 = tpu.memref_slice %arg2[%dma_start3A_20, %dma_start3A_21] : memref<10240x16xf32, #tpu.memory_space<hbm>> -> memref<10240x16xf32, #tpu.memory_space<hbm>>
    tpu.enqueue_indirect_dma source(%dma_start3A_22 : memref<10240x16xf32, #tpu.memory_space<hbm>>) target(%arg11 : memref<512x16xf32, #tpu.memory_space<vmem>>) offsets(%dma_start3A_19 : memref<512xi32, #tpu.memory_space<vmem>>) semaphore(%arg16 : memref<!tpu.dma_semaphore, #tpu.memory_space<semaphore_mem>>)
    %scan3A = arith.constant 0 : i32
    %scan3A_23 = arith.constant 5 : i32
    %scan3A_24 = arith.addi %scan3A, %scan3A_23 : i32
    %scan3A_25 = arith.constant 1 : i32
    scf.for %scan3A_28 = %scan3A to %scan3A_24 step %scan3A_25  : i32 {
      %mul3A_29 = arith.constant 1 : i32
      %mul3A_30 = arith.muli %scan3A_28, %mul3A_29 : i32
      %add3A_31 = arith.constant 0 : i32
      %add3A_32 = arith.addi %add3A_31, %mul3A_30 : i32
      %mul3A_33 = arith.constant 4 : i32
      %mul3A_34 = arith.muli %mul3A_33, %add3A_32 : i32
      %add3A_35 = arith.constant 0 : i32
      %add3A_36 = arith.addi %mul3A_34, %add3A_35 : i32
      %dma_wait3A = arith.constant 0 : i32
      %dma_wait3A_37 = tpu.memref_slice %arg7[%add3A_36, %dma_wait3A] : memref<20x512xi32, #tpu.memory_space<vmem>> -> memref<1x512xi32, #tpu.memory_space<vmem>>
      %dma_wait3A_38 = tpu.memref_squeeze %dma_wait3A_37 : memref<1x512xi32, #tpu.memory_space<vmem>> -> memref<512xi32, #tpu.memory_space<vmem>>
      %dma_wait3A_39 = arith.constant 0 : i32
      %dma_wait3A_40 = arith.constant 0 : i32
      %dma_wait3A_41 = tpu.memref_slice %arg2[%dma_wait3A_39, %dma_wait3A_40] : memref<10240x16xf32, #tpu.memory_space<hbm>> -> memref<10240x16xf32, #tpu.memory_space<hbm>>
      tpu.wait_indirect_dma semaphore(%arg14 : memref<!tpu.dma_semaphore, #tpu.memory_space<semaphore_mem>>) src(%dma_wait3A_41 : memref<10240x16xf32, #tpu.memory_space<hbm>>) dst(%arg9 : memref<512x16xf32, #tpu.memory_space<vmem>>)
      %add3A_42 = arith.constant 3 : i32
      %add3A_43 = arith.addi %add3A_36, %add3A_42 : i32
      %lt3A = arith.constant 20 : i32
      %lt3A_44 = arith.cmpi slt, %add3A_43, %lt3A : i32
      %convert_element_type3A = arith.extui %lt3A_44 : i1 to i32
      %cond3A = arith.constant 0 : i32
      %cond3A_45 = arith.cmpi ne, %convert_element_type3A, %cond3A : i32
      scf.if %cond3A_45 {
        %add3A_91 = arith.constant 3 : i32
        %add3A_92 = arith.addi %add3A_36, %add3A_91 : i32
        %dma_start3A_93 = arith.constant 0 : i32
        %dma_start3A_94 = tpu.memref_slice %arg7[%add3A_92, %dma_start3A_93] : memref<20x512xi32, #tpu.memory_space<vmem>> -> memref<1x512xi32, #tpu.memory_space<vmem>>
        %dma_start3A_95 = tpu.memref_squeeze %dma_start3A_94 : memref<1x512xi32, #tpu.memory_space<vmem>> -> memref<512xi32, #tpu.memory_space<vmem>>
        %dma_start3A_96 = arith.constant 0 : i32
        %dma_start3A_97 = arith.constant 0 : i32
        %dma_start3A_98 = tpu.memref_slice %arg2[%dma_start3A_96, %dma_start3A_97] : memref<10240x16xf32, #tpu.memory_space<hbm>> -> memref<10240x16xf32, #tpu.memory_space<hbm>>
        tpu.enqueue_indirect_dma source(%dma_start3A_98 : memref<10240x16xf32, #tpu.memory_space<hbm>>) target(%arg12 : memref<512x16xf32, #tpu.memory_space<vmem>>) offsets(%dma_start3A_95 : memref<512xi32, #tpu.memory_space<vmem>>) semaphore(%arg17 : memref<!tpu.dma_semaphore, #tpu.memory_space<semaphore_mem>>)
      } else {
      }
      "tpu.region"() ({
        %run_scoped3A = tpu.sem_alloc : memref<!tpu.dma_semaphore, #tpu.memory_space<semaphore_mem>>
        %dma_start3A_91 = arith.constant 0 : i32
        %dma_start3A_92 = tpu.memref_slice %arg8[%add3A_36, %dma_start3A_91] : memref<20x512xi32, #tpu.memory_space<vmem>> -> memref<1x512xi32, #tpu.memory_space<vmem>>
        %dma_start3A_93 = tpu.memref_squeeze %dma_start3A_92 : memref<1x512xi32, #tpu.memory_space<vmem>> -> memref<512xi32, #tpu.memory_space<vmem>>
        %dma_start3A_94 = arith.constant 0 : i32
        %dma_start3A_95 = arith.constant 0 : i32
        %dma_start3A_96 = tpu.memref_slice %arg13[%dma_start3A_94, %dma_start3A_95] : memref<10240x16xf32, #tpu.memory_space<vmem_shared>> -> memref<10240x16xf32, #tpu.memory_space<vmem_shared>>
        tpu.enqueue_indirect_dma source(%arg9 : memref<512x16xf32, #tpu.memory_space<vmem>>) target(%dma_start3A_96 : memref<10240x16xf32, #tpu.memory_space<vmem_shared>>) offsets(%dma_start3A_93 : memref<512xi32, #tpu.memory_space<vmem>>) semaphore(%run_scoped3A : memref<!tpu.dma_semaphore, #tpu.memory_space<semaphore_mem>>) {add = true}
        %dma_wait3A_97 = arith.constant 0 : i32
        %dma_wait3A_98 = tpu.memref_slice %arg8[%add3A_36, %dma_wait3A_97] : memref<20x512xi32, #tpu.memory_space<vmem>> -> memref<1x512xi32, #tpu.memory_space<vmem>>
        %dma_wait3A_99 = tpu.memref_squeeze %dma_wait3A_98 : memref<1x512xi32, #tpu.memory_space<vmem>> -> memref<512xi32, #tpu.memory_space<vmem>>
        %dma_wait3A_100 = arith.constant 0 : i32
        %dma_wait3A_101 = arith.constant 0 : i32
        %dma_wait3A_102 = tpu.memref_slice %arg13[%dma_wait3A_100, %dma_wait3A_101] : memref<10240x16xf32, #tpu.memory_space<vmem_shared>> -> memref<10240x16xf32, #tpu.memory_space<vmem_shared>>
        tpu.wait_indirect_dma semaphore(%run_scoped3A : memref<!tpu.dma_semaphore, #tpu.memory_space<semaphore_mem>>) src(%arg9 : memref<512x16xf32, #tpu.memory_space<vmem>>) dst(%dma_wait3A_102 : memref<10240x16xf32, #tpu.memory_space<vmem_shared>>)
        tpu.yield
      }) : () -> ()
      %add3A_46 = arith.constant 1 : i32
      %add3A_47 = arith.addi %mul3A_34, %add3A_46 : i32
      %dma_wait3A_48 = arith.constant 0 : i32
      %dma_wait3A_49 = tpu.memref_slice %arg7[%add3A_47, %dma_wait3A_48] : memref<20x512xi32, #tpu.memory_space<vmem>> -> memref<1x512xi32, #tpu.memory_space<vmem>>
      %dma_wait3A_50 = tpu.memref_squeeze %dma_wait3A_49 : memref<1x512xi32, #tpu.memory_space<vmem>> -> memref<512xi32, #tpu.memory_space<vmem>>
      %dma_wait3A_51 = arith.constant 0 : i32
      %dma_wait3A_52 = arith.constant 0 : i32
      %dma_wait3A_53 = tpu.memref_slice %arg2[%dma_wait3A_51, %dma_wait3A_52] : memref<10240x16xf32, #tpu.memory_space<hbm>> -> memref<10240x16xf32, #tpu.memory_space<hbm>>
      tpu.wait_indirect_dma semaphore(%arg15 : memref<!tpu.dma_semaphore, #tpu.memory_space<semaphore_mem>>) src(%dma_wait3A_53 : memref<10240x16xf32, #tpu.memory_space<hbm>>) dst(%arg10 : memref<512x16xf32, #tpu.memory_space<vmem>>)
      %add3A_54 = arith.constant 3 : i32
      %add3A_55 = arith.addi %add3A_47, %add3A_54 : i32
      %lt3A_56 = arith.constant 20 : i32
      %lt3A_57 = arith.cmpi slt, %add3A_55, %lt3A_56 : i32
      %convert_element_type3A_58 = arith.extui %lt3A_57 : i1 to i32
      %cond3A_59 = arith.constant 0 : i32
      %cond3A_60 = arith.cmpi ne, %convert_element_type3A_58, %cond3A_59 : i32
      scf.if %cond3A_60 {
        %add3A_91 = arith.constant 3 : i32
        %add3A_92 = arith.addi %add3A_47, %add3A_91 : i32
        %dma_start3A_93 = arith.constant 0 : i32
        %dma_start3A_94 = tpu.memref_slice %arg7[%add3A_92, %dma_start3A_93] : memref<20x512xi32, #tpu.memory_space<vmem>> -> memref<1x512xi32, #tpu.memory_space<vmem>>
        %dma_start3A_95 = tpu.memref_squeeze %dma_start3A_94 : memref<1x512xi32, #tpu.memory_space<vmem>> -> memref<512xi32, #tpu.memory_space<vmem>>
        %dma_start3A_96 = arith.constant 0 : i32
        %dma_start3A_97 = arith.constant 0 : i32
        %dma_start3A_98 = tpu.memref_slice %arg2[%dma_start3A_96, %dma_start3A_97] : memref<10240x16xf32, #tpu.memory_space<hbm>> -> memref<10240x16xf32, #tpu.memory_space<hbm>>
        tpu.enqueue_indirect_dma source(%dma_start3A_98 : memref<10240x16xf32, #tpu.memory_space<hbm>>) target(%arg9 : memref<512x16xf32, #tpu.memory_space<vmem>>) offsets(%dma_start3A_95 : memref<512xi32, #tpu.memory_space<vmem>>) semaphore(%arg14 : memref<!tpu.dma_semaphore, #tpu.memory_space<semaphore_mem>>)
      } else {
      }
      "tpu.region"() ({
        %run_scoped3A = tpu.sem_alloc : memref<!tpu.dma_semaphore, #tpu.memory_space<semaphore_mem>>
        %dma_start3A_91 = arith.constant 0 : i32
        %dma_start3A_92 = tpu.memref_slice %arg8[%add3A_47, %dma_start3A_91] : memref<20x512xi32, #tpu.memory_space<vmem>> -> memref<1x512xi32, #tpu.memory_space<vmem>>
        %dma_start3A_93 = tpu.memref_squeeze %dma_start3A_92 : memref<1x512xi32, #tpu.memory_space<vmem>> -> memref<512xi32, #tpu.memory_space<vmem>>
        %dma_start3A_94 = arith.constant 0 : i32
        %dma_start3A_95 = arith.constant 0 : i32
        %dma_start3A_96 = tpu.memref_slice %arg13[%dma_start3A_94, %dma_start3A_95] : memref<10240x16xf32, #tpu.memory_space<vmem_shared>> -> memref<10240x16xf32, #tpu.memory_space<vmem_shared>>
        tpu.enqueue_indirect_dma source(%arg10 : memref<512x16xf32, #tpu.memory_space<vmem>>) target(%dma_start3A_96 : memref<10240x16xf32, #tpu.memory_space<vmem_shared>>) offsets(%dma_start3A_93 : memref<512xi32, #tpu.memory_space<vmem>>) semaphore(%run_scoped3A : memref<!tpu.dma_semaphore, #tpu.memory_space<semaphore_mem>>) {add = true}
        %dma_wait3A_97 = arith.constant 0 : i32
        %dma_wait3A_98 = tpu.memref_slice %arg8[%add3A_47, %dma_wait3A_97] : memref<20x512xi32, #tpu.memory_space<vmem>> -> memref<1x512xi32, #tpu.memory_space<vmem>>
        %dma_wait3A_99 = tpu.memref_squeeze %dma_wait3A_98 : memref<1x512xi32, #tpu.memory_space<vmem>> -> memref<512xi32, #tpu.memory_space<vmem>>
        %dma_wait3A_100 = arith.constant 0 : i32
        %dma_wait3A_101 = arith.constant 0 : i32
        %dma_wait3A_102 = tpu.memref_slice %arg13[%dma_wait3A_100, %dma_wait3A_101] : memref<10240x16xf32, #tpu.memory_space<vmem_shared>> -> memref<10240x16xf32, #tpu.memory_space<vmem_shared>>
        tpu.wait_indirect_dma semaphore(%run_scoped3A : memref<!tpu.dma_semaphore, #tpu.memory_space<semaphore_mem>>) src(%arg10 : memref<512x16xf32, #tpu.memory_space<vmem>>) dst(%dma_wait3A_102 : memref<10240x16xf32, #tpu.memory_space<vmem_shared>>)
        tpu.yield
      }) : () -> ()
      %add3A_61 = arith.constant 2 : i32
      %add3A_62 = arith.addi %mul3A_34, %add3A_61 : i32
      %dma_wait3A_63 = arith.constant 0 : i32
      %dma_wait3A_64 = tpu.memref_slice %arg7[%add3A_62, %dma_wait3A_63] : memref<20x512xi32, #tpu.memory_space<vmem>> -> memref<1x512xi32, #tpu.memory_space<vmem>>
      %dma_wait3A_65 = tpu.memref_squeeze %dma_wait3A_64 : memref<1x512xi32, #tpu.memory_space<vmem>> -> memref<512xi32, #tpu.memory_space<vmem>>
      %dma_wait3A_66 = arith.constant 0 : i32
      %dma_wait3A_67 = arith.constant 0 : i32
      %dma_wait3A_68 = tpu.memref_slice %arg2[%dma_wait3A_66, %dma_wait3A_67] : memref<10240x16xf32, #tpu.memory_space<hbm>> -> memref<10240x16xf32, #tpu.memory_space<hbm>>
      tpu.wait_indirect_dma semaphore(%arg16 : memref<!tpu.dma_semaphore, #tpu.memory_space<semaphore_mem>>) src(%dma_wait3A_68 : memref<10240x16xf32, #tpu.memory_space<hbm>>) dst(%arg11 : memref<512x16xf32, #tpu.memory_space<vmem>>)
      %add3A_69 = arith.constant 3 : i32
      %add3A_70 = arith.addi %add3A_62, %add3A_69 : i32
      %lt3A_71 = arith.constant 20 : i32
      %lt3A_72 = arith.cmpi slt, %add3A_70, %lt3A_71 : i32
      %convert_element_type3A_73 = arith.extui %lt3A_72 : i1 to i32
      %cond3A_74 = arith.constant 0 : i32
      %cond3A_75 = arith.cmpi ne, %convert_element_type3A_73, %cond3A_74 : i32
      scf.if %cond3A_75 {
        %add3A_91 = arith.constant 3 : i32
        %add3A_92 = arith.addi %add3A_62, %add3A_91 : i32
        %dma_start3A_93 = arith.constant 0 : i32
        %dma_start3A_94 = tpu.memref_slice %arg7[%add3A_92, %dma_start3A_93] : memref<20x512xi32, #tpu.memory_space<vmem>> -> memref<1x512xi32, #tpu.memory_space<vmem>>
        %dma_start3A_95 = tpu.memref_squeeze %dma_start3A_94 : memref<1x512xi32, #tpu.memory_space<vmem>> -> memref<512xi32, #tpu.memory_space<vmem>>
        %dma_start3A_96 = arith.constant 0 : i32
        %dma_start3A_97 = arith.constant 0 : i32
        %dma_start3A_98 = tpu.memref_slice %arg2[%dma_start3A_96, %dma_start3A_97] : memref<10240x16xf32, #tpu.memory_space<hbm>> -> memref<10240x16xf32, #tpu.memory_space<hbm>>
        tpu.enqueue_indirect_dma source(%dma_start3A_98 : memref<10240x16xf32, #tpu.memory_space<hbm>>) target(%arg10 : memref<512x16xf32, #tpu.memory_space<vmem>>) offsets(%dma_start3A_95 : memref<512xi32, #tpu.memory_space<vmem>>) semaphore(%arg15 : memref<!tpu.dma_semaphore, #tpu.memory_space<semaphore_mem>>)
      } else {
      }
      "tpu.region"() ({
        %run_scoped3A = tpu.sem_alloc : memref<!tpu.dma_semaphore, #tpu.memory_space<semaphore_mem>>
        %dma_start3A_91 = arith.constant 0 : i32
        %dma_start3A_92 = tpu.memref_slice %arg8[%add3A_62, %dma_start3A_91] : memref<20x512xi32, #tpu.memory_space<vmem>> -> memref<1x512xi32, #tpu.memory_space<vmem>>
        %dma_start3A_93 = tpu.memref_squeeze %dma_start3A_92 : memref<1x512xi32, #tpu.memory_space<vmem>> -> memref<512xi32, #tpu.memory_space<vmem>>
        %dma_start3A_94 = arith.constant 0 : i32
        %dma_start3A_95 = arith.constant 0 : i32
        %dma_start3A_96 = tpu.memref_slice %arg13[%dma_start3A_94, %dma_start3A_95] : memref<10240x16xf32, #tpu.memory_space<vmem_shared>> -> memref<10240x16xf32, #tpu.memory_space<vmem_shared>>
        tpu.enqueue_indirect_dma source(%arg11 : memref<512x16xf32, #tpu.memory_space<vmem>>) target(%dma_start3A_96 : memref<10240x16xf32, #tpu.memory_space<vmem_shared>>) offsets(%dma_start3A_93 : memref<512xi32, #tpu.memory_space<vmem>>) semaphore(%run_scoped3A : memref<!tpu.dma_semaphore, #tpu.memory_space<semaphore_mem>>) {add = true}
        %dma_wait3A_97 = arith.constant 0 : i32
        %dma_wait3A_98 = tpu.memref_slice %arg8[%add3A_62, %dma_wait3A_97] : memref<20x512xi32, #tpu.memory_space<vmem>> -> memref<1x512xi32, #tpu.memory_space<vmem>>
        %dma_wait3A_99 = tpu.memref_squeeze %dma_wait3A_98 : memref<1x512xi32, #tpu.memory_space<vmem>> -> memref<512xi32, #tpu.memory_space<vmem>>
        %dma_wait3A_100 = arith.constant 0 : i32
        %dma_wait3A_101 = arith.constant 0 : i32
        %dma_wait3A_102 = tpu.memref_slice %arg13[%dma_wait3A_100, %dma_wait3A_101] : memref<10240x16xf32, #tpu.memory_space<vmem_shared>> -> memref<10240x16xf32, #tpu.memory_space<vmem_shared>>
        tpu.wait_indirect_dma semaphore(%run_scoped3A : memref<!tpu.dma_semaphore, #tpu.memory_space<semaphore_mem>>) src(%arg11 : memref<512x16xf32, #tpu.memory_space<vmem>>) dst(%dma_wait3A_102 : memref<10240x16xf32, #tpu.memory_space<vmem_shared>>)
        tpu.yield
      }) : () -> ()
      %add3A_76 = arith.constant 3 : i32
      %add3A_77 = arith.addi %mul3A_34, %add3A_76 : i32
      %dma_wait3A_78 = arith.constant 0 : i32
      %dma_wait3A_79 = tpu.memref_slice %arg7[%add3A_77, %dma_wait3A_78] : memref<20x512xi32, #tpu.memory_space<vmem>> -> memref<1x512xi32, #tpu.memory_space<vmem>>
      %dma_wait3A_80 = tpu.memref_squeeze %dma_wait3A_79 : memref<1x512xi32, #tpu.memory_space<vmem>> -> memref<512xi32, #tpu.memory_space<vmem>>
      %dma_wait3A_81 = arith.constant 0 : i32
      %dma_wait3A_82 = arith.constant 0 : i32
      %dma_wait3A_83 = tpu.memref_slice %arg2[%dma_wait3A_81, %dma_wait3A_82] : memref<10240x16xf32, #tpu.memory_space<hbm>> -> memref<10240x16xf32, #tpu.memory_space<hbm>>
      tpu.wait_indirect_dma semaphore(%arg17 : memref<!tpu.dma_semaphore, #tpu.memory_space<semaphore_mem>>) src(%dma_wait3A_83 : memref<10240x16xf32, #tpu.memory_space<hbm>>) dst(%arg12 : memref<512x16xf32, #tpu.memory_space<vmem>>)
      %add3A_84 = arith.constant 3 : i32
      %add3A_85 = arith.addi %add3A_77, %add3A_84 : i32
      %lt3A_86 = arith.constant 20 : i32
      %lt3A_87 = arith.cmpi slt, %add3A_85, %lt3A_86 : i32
      %convert_element_type3A_88 = arith.extui %lt3A_87 : i1 to i32
      %cond3A_89 = arith.constant 0 : i32
      %cond3A_90 = arith.cmpi ne, %convert_element_type3A_88, %cond3A_89 : i32
      scf.if %cond3A_90 {
        %add3A_91 = arith.constant 3 : i32
        %add3A_92 = arith.addi %add3A_77, %add3A_91 : i32
        %dma_start3A_93 = arith.constant 0 : i32
        %dma_start3A_94 = tpu.memref_slice %arg7[%add3A_92, %dma_start3A_93] : memref<20x512xi32, #tpu.memory_space<vmem>> -> memref<1x512xi32, #tpu.memory_space<vmem>>
        %dma_start3A_95 = tpu.memref_squeeze %dma_start3A_94 : memref<1x512xi32, #tpu.memory_space<vmem>> -> memref<512xi32, #tpu.memory_space<vmem>>
        %dma_start3A_96 = arith.constant 0 : i32
        %dma_start3A_97 = arith.constant 0 : i32
        %dma_start3A_98 = tpu.memref_slice %arg2[%dma_start3A_96, %dma_start3A_97] : memref<10240x16xf32, #tpu.memory_space<hbm>> -> memref<10240x16xf32, #tpu.memory_space<hbm>>
        tpu.enqueue_indirect_dma source(%dma_start3A_98 : memref<10240x16xf32, #tpu.memory_space<hbm>>) target(%arg11 : memref<512x16xf32, #tpu.memory_space<vmem>>) offsets(%dma_start3A_95 : memref<512xi32, #tpu.memory_space<vmem>>) semaphore(%arg16 : memref<!tpu.dma_semaphore, #tpu.memory_space<semaphore_mem>>)
      } else {
      }
      "tpu.region"() ({
        %run_scoped3A = tpu.sem_alloc : memref<!tpu.dma_semaphore, #tpu.memory_space<semaphore_mem>>
        %dma_start3A_91 = arith.constant 0 : i32
        %dma_start3A_92 = tpu.memref_slice %arg8[%add3A_77, %dma_start3A_91] : memref<20x512xi32, #tpu.memory_space<vmem>> -> memref<1x512xi32, #tpu.memory_space<vmem>>
        %dma_start3A_93 = tpu.memref_squeeze %dma_start3A_92 : memref<1x512xi32, #tpu.memory_space<vmem>> -> memref<512xi32, #tpu.memory_space<vmem>>
        %dma_start3A_94 = arith.constant 0 : i32
        %dma_start3A_95 = arith.constant 0 : i32
        %dma_start3A_96 = tpu.memref_slice %arg13[%dma_start3A_94, %dma_start3A_95] : memref<10240x16xf32, #tpu.memory_space<vmem_shared>> -> memref<10240x16xf32, #tpu.memory_space<vmem_shared>>
        tpu.enqueue_indirect_dma source(%arg12 : memref<512x16xf32, #tpu.memory_space<vmem>>) target(%dma_start3A_96 : memref<10240x16xf32, #tpu.memory_space<vmem_shared>>) offsets(%dma_start3A_93 : memref<512xi32, #tpu.memory_space<vmem>>) semaphore(%run_scoped3A : memref<!tpu.dma_semaphore, #tpu.memory_space<semaphore_mem>>) {add = true}
        %dma_wait3A_97 = arith.constant 0 : i32
        %dma_wait3A_98 = tpu.memref_slice %arg8[%add3A_77, %dma_wait3A_97] : memref<20x512xi32, #tpu.memory_space<vmem>> -> memref<1x512xi32, #tpu.memory_space<vmem>>
        %dma_wait3A_99 = tpu.memref_squeeze %dma_wait3A_98 : memref<1x512xi32, #tpu.memory_space<vmem>> -> memref<512xi32, #tpu.memory_space<vmem>>
        %dma_wait3A_100 = arith.constant 0 : i32
        %dma_wait3A_101 = arith.constant 0 : i32
        %dma_wait3A_102 = tpu.memref_slice %arg13[%dma_wait3A_100, %dma_wait3A_101] : memref<10240x16xf32, #tpu.memory_space<vmem_shared>> -> memref<10240x16xf32, #tpu.memory_space<vmem_shared>>
        tpu.wait_indirect_dma semaphore(%run_scoped3A : memref<!tpu.dma_semaphore, #tpu.memory_space<semaphore_mem>>) src(%arg12 : memref<512x16xf32, #tpu.memory_space<vmem>>) dst(%dma_wait3A_102 : memref<10240x16xf32, #tpu.memory_space<vmem_shared>>)
        tpu.yield
      }) : () -> ()
    }
    %scan3A_26 = arith.constant 5 : i32
    %barrier3A_27 = arith.constant 0 : index
    tpu.barrier barrier_id(%barrier3A_27)
    "tpu.region"() ({
      %run_scoped3A = tpu.sem_alloc : memref<!tpu.dma_semaphore, #tpu.memory_space<semaphore_mem>>
      %dma_start3A_28 = arith.constant 0 : i32
      %dma_start3A_29 = tpu.memref_slice %arg6[%arg0, %mul3A_2, %dma_start3A_28] : memref<2x10240x16xf32, #tpu.memory_space<hbm>> -> memref<1x640x16xf32, #tpu.memory_space<hbm>>
      %dma_start3A_30 = tpu.memref_squeeze %dma_start3A_29 : memref<1x640x16xf32, #tpu.memory_space<hbm>> -> memref<640x16xf32, #tpu.memory_space<hbm>>
      %dma_start3A_31 = arith.constant 0 : i32
      %dma_start3A_32 = tpu.memref_slice %arg13[%mul3A_2, %dma_start3A_31] : memref<10240x16xf32, #tpu.memory_space<vmem_shared>> -> memref<640x16xf32, #tpu.memory_space<vmem_shared>>
      tpu.enqueue_dma source(%dma_start3A_32 : memref<640x16xf32, #tpu.memory_space<vmem_shared>>) target(%dma_start3A_30 : memref<640x16xf32, #tpu.memory_space<hbm>>) target_semaphore(%run_scoped3A : memref<!tpu.dma_semaphore, #tpu.memory_space<semaphore_mem>>)
      %dma_wait3A = arith.constant 0 : i32
      %dma_wait3A_33 = tpu.memref_slice %arg6[%arg0, %mul3A_2, %dma_wait3A] : memref<2x10240x16xf32, #tpu.memory_space<hbm>> -> memref<1x640x16xf32, #tpu.memory_space<hbm>>
      %dma_wait3A_34 = tpu.memref_squeeze %dma_wait3A_33 : memref<1x640x16xf32, #tpu.memory_space<hbm>> -> memref<640x16xf32, #tpu.memory_space<hbm>>
      %dma_wait3A_35 = arith.constant 0 : i32
      %dma_wait3A_36 = tpu.memref_slice %arg13[%mul3A_2, %dma_wait3A_35] : memref<10240x16xf32, #tpu.memory_space<vmem_shared>> -> memref<640x16xf32, #tpu.memory_space<vmem_shared>>
      tpu.wait_dma2 semaphore(%run_scoped3A : memref<!tpu.dma_semaphore, #tpu.memory_space<semaphore_mem>>) src(%dma_wait3A_36 : memref<640x16xf32, #tpu.memory_space<vmem_shared>>) dst(%dma_wait3A_34 : memref<640x16xf32, #tpu.memory_space<hbm>>)
      tpu.yield
    }) : () -> ()
    return
  }
}

#map = affine_map<(d0, d1) -> (0, 0, 0)>
#map1 = affine_map<(d0, d1) -> (0, 0)>
module attributes {stable_mosaic.version = 14 : i64} {
  func.func @count_kernel(%arg0: i32, %arg1: i32, %arg2: memref<32x20x512xi32, #tpu.memory_space<hbm>>, %arg3: memref<10240x16xf32, #tpu.memory_space<hbm>>, %arg4: memref<512x16xf32, #tpu.memory_space<hbm>>, %arg5: memref<2x10240x16xf32, #tpu.memory_space<hbm>>, %arg6: memref<20x512xi32, #tpu.memory_space<vmem>>, %arg7: memref<512x16xf32, #tpu.memory_space<vmem>>, %arg8: memref<10240x16xf32, #tpu.memory_space<vmem_shared>>) attributes {dimension_semantics = [#tpu.dimension_semantics<core_parallel>, #tpu.dimension_semantics<subcore_parallel>], iteration_bounds = array<i64: 2, 16>, scalar_prefetch = 0 : i64, scratch_operands = 3 : i64, tpu.core_type = #tpu.core_type<sc_vector_subcore>, window_params = [{transform_indices = #map}, {transform_indices = #map1}, {transform_indices = #map1}, {transform_indices = #map}]} {
    %mul3A = arith.constant 2 : i32
    %mul3A_0 = arith.muli %arg1, %mul3A : i32
    %add3A = arith.addi %mul3A_0, %arg0 : i32
    %mul3A_1 = arith.constant 640 : i32
    %mul3A_2 = arith.muli %arg1, %mul3A_1 : i32
    "tpu.region"() ({
      %run_scoped3A = tpu.sem_alloc : memref<!tpu.dma_semaphore, #tpu.memory_space<semaphore_mem>>
      %dma_start3A = arith.constant 0 : i32
      %dma_start3A_8 = tpu.memref_slice %arg8[%mul3A_2, %dma_start3A] : memref<10240x16xf32, #tpu.memory_space<vmem_shared>> -> memref<640x16xf32, #tpu.memory_space<vmem_shared>>
      %dma_start3A_9 = arith.constant 0 : i32
      %dma_start3A_10 = tpu.memref_slice %arg3[%mul3A_2, %dma_start3A_9] : memref<10240x16xf32, #tpu.memory_space<hbm>> -> memref<640x16xf32, #tpu.memory_space<hbm>>
      tpu.enqueue_dma source(%dma_start3A_10 : memref<640x16xf32, #tpu.memory_space<hbm>>) target(%dma_start3A_8 : memref<640x16xf32, #tpu.memory_space<vmem_shared>>) target_semaphore(%run_scoped3A : memref<!tpu.dma_semaphore, #tpu.memory_space<semaphore_mem>>)
      %dma_wait3A = arith.constant 0 : i32
      %dma_wait3A_11 = tpu.memref_slice %arg8[%mul3A_2, %dma_wait3A] : memref<10240x16xf32, #tpu.memory_space<vmem_shared>> -> memref<640x16xf32, #tpu.memory_space<vmem_shared>>
      %dma_wait3A_12 = arith.constant 0 : i32
      %dma_wait3A_13 = tpu.memref_slice %arg3[%mul3A_2, %dma_wait3A_12] : memref<10240x16xf32, #tpu.memory_space<hbm>> -> memref<640x16xf32, #tpu.memory_space<hbm>>
      tpu.wait_dma2 semaphore(%run_scoped3A : memref<!tpu.dma_semaphore, #tpu.memory_space<semaphore_mem>>) src(%dma_wait3A_13 : memref<640x16xf32, #tpu.memory_space<hbm>>) dst(%dma_wait3A_11 : memref<640x16xf32, #tpu.memory_space<vmem_shared>>)
      tpu.yield
    }) : () -> ()
    "tpu.region"() ({
      %run_scoped3A = tpu.sem_alloc : memref<!tpu.dma_semaphore, #tpu.memory_space<semaphore_mem>>
      tpu.enqueue_dma source(%arg4 : memref<512x16xf32, #tpu.memory_space<hbm>>) target(%arg7 : memref<512x16xf32, #tpu.memory_space<vmem>>) target_semaphore(%run_scoped3A : memref<!tpu.dma_semaphore, #tpu.memory_space<semaphore_mem>>)
      tpu.wait_dma2 semaphore(%run_scoped3A : memref<!tpu.dma_semaphore, #tpu.memory_space<semaphore_mem>>) src(%arg4 : memref<512x16xf32, #tpu.memory_space<hbm>>) dst(%arg7 : memref<512x16xf32, #tpu.memory_space<vmem>>)
      tpu.yield
    }) : () -> ()
    "tpu.region"() ({
      %run_scoped3A = tpu.sem_alloc : memref<!tpu.dma_semaphore, #tpu.memory_space<semaphore_mem>>
      %dma_start3A = arith.constant 0 : i32
      %dma_start3A_8 = arith.constant 0 : i32
      %dma_start3A_9 = tpu.memref_slice %arg2[%add3A, %dma_start3A, %dma_start3A_8] : memref<32x20x512xi32, #tpu.memory_space<hbm>> -> memref<1x20x512xi32, #tpu.memory_space<hbm>>
      %dma_start3A_10 = tpu.memref_squeeze %dma_start3A_9 : memref<1x20x512xi32, #tpu.memory_space<hbm>> -> memref<20x512xi32, #tpu.memory_space<hbm>>
      %dma_start3A_11 = arith.constant 0 : i32
      %dma_start3A_12 = arith.constant 0 : i32
      %dma_start3A_13 = tpu.memref_slice %arg2[%add3A, %dma_start3A_11, %dma_start3A_12] : memref<32x20x512xi32, #tpu.memory_space<hbm>> -> memref<1x20x512xi32, #tpu.memory_space<hbm>>
      %dma_start3A_14 = tpu.memref_squeeze %dma_start3A_13 : memref<1x20x512xi32, #tpu.memory_space<hbm>> -> memref<20x512xi32, #tpu.memory_space<hbm>>
      tpu.enqueue_dma source(%dma_start3A_14 : memref<20x512xi32, #tpu.memory_space<hbm>>) target(%arg6 : memref<20x512xi32, #tpu.memory_space<vmem>>) target_semaphore(%run_scoped3A : memref<!tpu.dma_semaphore, #tpu.memory_space<semaphore_mem>>)
      %dma_wait3A = arith.constant 0 : i32
      %dma_wait3A_15 = arith.constant 0 : i32
      %dma_wait3A_16 = tpu.memref_slice %arg2[%add3A, %dma_wait3A, %dma_wait3A_15] : memref<32x20x512xi32, #tpu.memory_space<hbm>> -> memref<1x20x512xi32, #tpu.memory_space<hbm>>
      %dma_wait3A_17 = tpu.memref_squeeze %dma_wait3A_16 : memref<1x20x512xi32, #tpu.memory_space<hbm>> -> memref<20x512xi32, #tpu.memory_space<hbm>>
      %dma_wait3A_18 = arith.constant 0 : i32
      %dma_wait3A_19 = arith.constant 0 : i32
      %dma_wait3A_20 = tpu.memref_slice %arg2[%add3A, %dma_wait3A_18, %dma_wait3A_19] : memref<32x20x512xi32, #tpu.memory_space<hbm>> -> memref<1x20x512xi32, #tpu.memory_space<hbm>>
      %dma_wait3A_21 = tpu.memref_squeeze %dma_wait3A_20 : memref<1x20x512xi32, #tpu.memory_space<hbm>> -> memref<20x512xi32, #tpu.memory_space<hbm>>
      tpu.wait_dma2 semaphore(%run_scoped3A : memref<!tpu.dma_semaphore, #tpu.memory_space<semaphore_mem>>) src(%dma_wait3A_21 : memref<20x512xi32, #tpu.memory_space<hbm>>) dst(%arg6 : memref<20x512xi32, #tpu.memory_space<vmem>>)
      tpu.yield
    }) : () -> ()
    %barrier3A = arith.constant 0 : index
    tpu.barrier barrier_id(%barrier3A)
    %scan3A = arith.constant 0 : i32
    %scan3A_3 = arith.constant 20 : i32
    %scan3A_4 = arith.addi %scan3A, %scan3A_3 : i32
    %scan3A_5 = arith.constant 1 : i32
    scf.for %scan3A_8 = %scan3A to %scan3A_4 step %scan3A_5  : i32 {
      %mul3A_9 = arith.constant 1 : i32
      %mul3A_10 = arith.muli %scan3A_8, %mul3A_9 : i32
      %add3A_11 = arith.constant 0 : i32
      %add3A_12 = arith.addi %add3A_11, %mul3A_10 : i32
      "tpu.region"() ({
        %run_scoped3A = tpu.sem_alloc : memref<!tpu.dma_semaphore, #tpu.memory_space<semaphore_mem>>
        %dma_start3A = arith.constant 0 : i32
        %dma_start3A_13 = tpu.memref_slice %arg6[%add3A_12, %dma_start3A] : memref<20x512xi32, #tpu.memory_space<vmem>> -> memref<1x512xi32, #tpu.memory_space<vmem>>
        %dma_start3A_14 = tpu.memref_squeeze %dma_start3A_13 : memref<1x512xi32, #tpu.memory_space<vmem>> -> memref<512xi32, #tpu.memory_space<vmem>>
        %dma_start3A_15 = arith.constant 0 : i32
        %dma_start3A_16 = arith.constant 0 : i32
        %dma_start3A_17 = tpu.memref_slice %arg8[%dma_start3A_15, %dma_start3A_16] : memref<10240x16xf32, #tpu.memory_space<vmem_shared>> -> memref<10240x16xf32, #tpu.memory_space<vmem_shared>>
        tpu.enqueue_indirect_dma source(%arg7 : memref<512x16xf32, #tpu.memory_space<vmem>>) target(%dma_start3A_17 : memref<10240x16xf32, #tpu.memory_space<vmem_shared>>) offsets(%dma_start3A_14 : memref<512xi32, #tpu.memory_space<vmem>>) semaphore(%run_scoped3A : memref<!tpu.dma_semaphore, #tpu.memory_space<semaphore_mem>>) {add = true}
        %dma_wait3A = arith.constant 0 : i32
        %dma_wait3A_18 = tpu.memref_slice %arg6[%add3A_12, %dma_wait3A] : memref<20x512xi32, #tpu.memory_space<vmem>> -> memref<1x512xi32, #tpu.memory_space<vmem>>
        %dma_wait3A_19 = tpu.memref_squeeze %dma_wait3A_18 : memref<1x512xi32, #tpu.memory_space<vmem>> -> memref<512xi32, #tpu.memory_space<vmem>>
        %dma_wait3A_20 = arith.constant 0 : i32
        %dma_wait3A_21 = arith.constant 0 : i32
        %dma_wait3A_22 = tpu.memref_slice %arg8[%dma_wait3A_20, %dma_wait3A_21] : memref<10240x16xf32, #tpu.memory_space<vmem_shared>> -> memref<10240x16xf32, #tpu.memory_space<vmem_shared>>
        tpu.wait_indirect_dma semaphore(%run_scoped3A : memref<!tpu.dma_semaphore, #tpu.memory_space<semaphore_mem>>) src(%arg7 : memref<512x16xf32, #tpu.memory_space<vmem>>) dst(%dma_wait3A_22 : memref<10240x16xf32, #tpu.memory_space<vmem_shared>>)
        tpu.yield
      }) : () -> ()
    }
    %scan3A_6 = arith.constant 20 : i32
    %barrier3A_7 = arith.constant 0 : index
    tpu.barrier barrier_id(%barrier3A_7)
    "tpu.region"() ({
      %run_scoped3A = tpu.sem_alloc : memref<!tpu.dma_semaphore, #tpu.memory_space<semaphore_mem>>
      %dma_start3A = arith.constant 0 : i32
      %dma_start3A_8 = tpu.memref_slice %arg5[%arg0, %mul3A_2, %dma_start3A] : memref<2x10240x16xf32, #tpu.memory_space<hbm>> -> memref<1x640x16xf32, #tpu.memory_space<hbm>>
      %dma_start3A_9 = tpu.memref_squeeze %dma_start3A_8 : memref<1x640x16xf32, #tpu.memory_space<hbm>> -> memref<640x16xf32, #tpu.memory_space<hbm>>
      %dma_start3A_10 = arith.constant 0 : i32
      %dma_start3A_11 = tpu.memref_slice %arg8[%mul3A_2, %dma_start3A_10] : memref<10240x16xf32, #tpu.memory_space<vmem_shared>> -> memref<640x16xf32, #tpu.memory_space<vmem_shared>>
      tpu.enqueue_dma source(%dma_start3A_11 : memref<640x16xf32, #tpu.memory_space<vmem_shared>>) target(%dma_start3A_9 : memref<640x16xf32, #tpu.memory_space<hbm>>) target_semaphore(%run_scoped3A : memref<!tpu.dma_semaphore, #tpu.memory_space<semaphore_mem>>)
      %dma_wait3A = arith.constant 0 : i32
      %dma_wait3A_12 = tpu.memref_slice %arg5[%arg0, %mul3A_2, %dma_wait3A] : memref<2x10240x16xf32, #tpu.memory_space<hbm>> -> memref<1x640x16xf32, #tpu.memory_space<hbm>>
      %dma_wait3A_13 = tpu.memref_squeeze %dma_wait3A_12 : memref<1x640x16xf32, #tpu.memory_space<hbm>> -> memref<640x16xf32, #tpu.memory_space<hbm>>
      %dma_wait3A_14 = arith.constant 0 : i32
      %dma_wait3A_15 = tpu.memref_slice %arg8[%mul3A_2, %dma_wait3A_14] : memref<10240x16xf32, #tpu.memory_space<vmem_shared>> -> memref<640x16xf32, #tpu.memory_space<vmem_shared>>
      tpu.wait_dma2 semaphore(%run_scoped3A : memref<!tpu.dma_semaphore, #tpu.memory_space<semaphore_mem>>) src(%dma_wait3A_15 : memref<640x16xf32, #tpu.memory_space<vmem_shared>>) dst(%dma_wait3A_13 : memref<640x16xf32, #tpu.memory_space<hbm>>)
      tpu.yield
    }) : () -> ()
    return
  }
}

#map = affine_map<(d0, d1) -> (0, 0)>
#map1 = affine_map<(d0, d1) -> (0, 0, 0)>
module attributes {stable_mosaic.version = 14 : i64} {
  func.func @agg_kernel(%arg0: i32, %arg1: i32, %arg2: memref<10240x64xf32, #tpu.memory_space<hbm>>, %arg3: memref<32x40x256xi32, #tpu.memory_space<hbm>>, %arg4: memref<32x40x256xi32, #tpu.memory_space<hbm>>, %arg5: memref<10240x64xf32, #tpu.memory_space<hbm>>, %arg6: memref<2x10240x64xf32, #tpu.memory_space<hbm>>, %arg7: memref<40x256xi32, #tpu.memory_space<vmem>>, %arg8: memref<40x256xi32, #tpu.memory_space<vmem>>, %arg9: memref<256x64xf32, #tpu.memory_space<vmem>>, %arg10: memref<256x64xf32, #tpu.memory_space<vmem>>, %arg11: memref<256x64xf32, #tpu.memory_space<vmem>>, %arg12: memref<256x64xf32, #tpu.memory_space<vmem>>, %arg13: memref<10240x64xf32, #tpu.memory_space<vmem_shared>>, %arg14: memref<!tpu.dma_semaphore, #tpu.memory_space<semaphore_mem>>, %arg15: memref<!tpu.dma_semaphore, #tpu.memory_space<semaphore_mem>>, %arg16: memref<!tpu.dma_semaphore, #tpu.memory_space<semaphore_mem>>, %arg17: memref<!tpu.dma_semaphore, #tpu.memory_space<semaphore_mem>>) attributes {dimension_semantics = [#tpu.dimension_semantics<core_parallel>, #tpu.dimension_semantics<subcore_parallel>], iteration_bounds = array<i64: 2, 16>, scalar_prefetch = 0 : i64, scratch_operands = 11 : i64, tpu.core_type = #tpu.core_type<sc_vector_subcore>, window_params = [{transform_indices = #map}, {transform_indices = #map1}, {transform_indices = #map1}, {transform_indices = #map}, {transform_indices = #map1}]} {
    %mul3A = arith.constant 2 : i32
    %mul3A_0 = arith.muli %arg1, %mul3A : i32
    %add3A = arith.addi %mul3A_0, %arg0 : i32
    %mul3A_1 = arith.constant 640 : i32
    %mul3A_2 = arith.muli %arg1, %mul3A_1 : i32
    "tpu.region"() ({
      %run_scoped3A = tpu.sem_alloc : memref<!tpu.dma_semaphore, #tpu.memory_space<semaphore_mem>>
      %dma_start3A_28 = arith.constant 0 : i32
      %dma_start3A_29 = tpu.memref_slice %arg13[%mul3A_2, %dma_start3A_28] : memref<10240x64xf32, #tpu.memory_space<vmem_shared>> -> memref<640x64xf32, #tpu.memory_space<vmem_shared>>
      %dma_start3A_30 = arith.constant 0 : i32
      %dma_start3A_31 = tpu.memref_slice %arg5[%mul3A_2, %dma_start3A_30] : memref<10240x64xf32, #tpu.memory_space<hbm>> -> memref<640x64xf32, #tpu.memory_space<hbm>>
      tpu.enqueue_dma source(%dma_start3A_31 : memref<640x64xf32, #tpu.memory_space<hbm>>) target(%dma_start3A_29 : memref<640x64xf32, #tpu.memory_space<vmem_shared>>) target_semaphore(%run_scoped3A : memref<!tpu.dma_semaphore, #tpu.memory_space<semaphore_mem>>)
      %dma_wait3A = arith.constant 0 : i32
      %dma_wait3A_32 = tpu.memref_slice %arg13[%mul3A_2, %dma_wait3A] : memref<10240x64xf32, #tpu.memory_space<vmem_shared>> -> memref<640x64xf32, #tpu.memory_space<vmem_shared>>
      %dma_wait3A_33 = arith.constant 0 : i32
      %dma_wait3A_34 = tpu.memref_slice %arg5[%mul3A_2, %dma_wait3A_33] : memref<10240x64xf32, #tpu.memory_space<hbm>> -> memref<640x64xf32, #tpu.memory_space<hbm>>
      tpu.wait_dma2 semaphore(%run_scoped3A : memref<!tpu.dma_semaphore, #tpu.memory_space<semaphore_mem>>) src(%dma_wait3A_34 : memref<640x64xf32, #tpu.memory_space<hbm>>) dst(%dma_wait3A_32 : memref<640x64xf32, #tpu.memory_space<vmem_shared>>)
      tpu.yield
    }) : () -> ()
    "tpu.region"() ({
      %run_scoped3A = tpu.sem_alloc : memref<!tpu.dma_semaphore, #tpu.memory_space<semaphore_mem>>
      %dma_start3A_28 = arith.constant 0 : i32
      %dma_start3A_29 = arith.constant 0 : i32
      %dma_start3A_30 = tpu.memref_slice %arg3[%add3A, %dma_start3A_28, %dma_start3A_29] : memref<32x40x256xi32, #tpu.memory_space<hbm>> -> memref<1x40x256xi32, #tpu.memory_space<hbm>>
      %dma_start3A_31 = tpu.memref_squeeze %dma_start3A_30 : memref<1x40x256xi32, #tpu.memory_space<hbm>> -> memref<40x256xi32, #tpu.memory_space<hbm>>
      %dma_start3A_32 = arith.constant 0 : i32
      %dma_start3A_33 = arith.constant 0 : i32
      %dma_start3A_34 = tpu.memref_slice %arg3[%add3A, %dma_start3A_32, %dma_start3A_33] : memref<32x40x256xi32, #tpu.memory_space<hbm>> -> memref<1x40x256xi32, #tpu.memory_space<hbm>>
      %dma_start3A_35 = tpu.memref_squeeze %dma_start3A_34 : memref<1x40x256xi32, #tpu.memory_space<hbm>> -> memref<40x256xi32, #tpu.memory_space<hbm>>
      tpu.enqueue_dma source(%dma_start3A_35 : memref<40x256xi32, #tpu.memory_space<hbm>>) target(%arg7 : memref<40x256xi32, #tpu.memory_space<vmem>>) target_semaphore(%run_scoped3A : memref<!tpu.dma_semaphore, #tpu.memory_space<semaphore_mem>>)
      %dma_wait3A = arith.constant 0 : i32
      %dma_wait3A_36 = arith.constant 0 : i32
      %dma_wait3A_37 = tpu.memref_slice %arg3[%add3A, %dma_wait3A, %dma_wait3A_36] : memref<32x40x256xi32, #tpu.memory_space<hbm>> -> memref<1x40x256xi32, #tpu.memory_space<hbm>>
      %dma_wait3A_38 = tpu.memref_squeeze %dma_wait3A_37 : memref<1x40x256xi32, #tpu.memory_space<hbm>> -> memref<40x256xi32, #tpu.memory_space<hbm>>
      %dma_wait3A_39 = arith.constant 0 : i32
      %dma_wait3A_40 = arith.constant 0 : i32
      %dma_wait3A_41 = tpu.memref_slice %arg3[%add3A, %dma_wait3A_39, %dma_wait3A_40] : memref<32x40x256xi32, #tpu.memory_space<hbm>> -> memref<1x40x256xi32, #tpu.memory_space<hbm>>
      %dma_wait3A_42 = tpu.memref_squeeze %dma_wait3A_41 : memref<1x40x256xi32, #tpu.memory_space<hbm>> -> memref<40x256xi32, #tpu.memory_space<hbm>>
      tpu.wait_dma2 semaphore(%run_scoped3A : memref<!tpu.dma_semaphore, #tpu.memory_space<semaphore_mem>>) src(%dma_wait3A_42 : memref<40x256xi32, #tpu.memory_space<hbm>>) dst(%arg7 : memref<40x256xi32, #tpu.memory_space<vmem>>)
      tpu.yield
    }) : () -> ()
    "tpu.region"() ({
      %run_scoped3A = tpu.sem_alloc : memref<!tpu.dma_semaphore, #tpu.memory_space<semaphore_mem>>
      %dma_start3A_28 = arith.constant 0 : i32
      %dma_start3A_29 = arith.constant 0 : i32
      %dma_start3A_30 = tpu.memref_slice %arg4[%add3A, %dma_start3A_28, %dma_start3A_29] : memref<32x40x256xi32, #tpu.memory_space<hbm>> -> memref<1x40x256xi32, #tpu.memory_space<hbm>>
      %dma_start3A_31 = tpu.memref_squeeze %dma_start3A_30 : memref<1x40x256xi32, #tpu.memory_space<hbm>> -> memref<40x256xi32, #tpu.memory_space<hbm>>
      %dma_start3A_32 = arith.constant 0 : i32
      %dma_start3A_33 = arith.constant 0 : i32
      %dma_start3A_34 = tpu.memref_slice %arg4[%add3A, %dma_start3A_32, %dma_start3A_33] : memref<32x40x256xi32, #tpu.memory_space<hbm>> -> memref<1x40x256xi32, #tpu.memory_space<hbm>>
      %dma_start3A_35 = tpu.memref_squeeze %dma_start3A_34 : memref<1x40x256xi32, #tpu.memory_space<hbm>> -> memref<40x256xi32, #tpu.memory_space<hbm>>
      tpu.enqueue_dma source(%dma_start3A_35 : memref<40x256xi32, #tpu.memory_space<hbm>>) target(%arg8 : memref<40x256xi32, #tpu.memory_space<vmem>>) target_semaphore(%run_scoped3A : memref<!tpu.dma_semaphore, #tpu.memory_space<semaphore_mem>>)
      %dma_wait3A = arith.constant 0 : i32
      %dma_wait3A_36 = arith.constant 0 : i32
      %dma_wait3A_37 = tpu.memref_slice %arg4[%add3A, %dma_wait3A, %dma_wait3A_36] : memref<32x40x256xi32, #tpu.memory_space<hbm>> -> memref<1x40x256xi32, #tpu.memory_space<hbm>>
      %dma_wait3A_38 = tpu.memref_squeeze %dma_wait3A_37 : memref<1x40x256xi32, #tpu.memory_space<hbm>> -> memref<40x256xi32, #tpu.memory_space<hbm>>
      %dma_wait3A_39 = arith.constant 0 : i32
      %dma_wait3A_40 = arith.constant 0 : i32
      %dma_wait3A_41 = tpu.memref_slice %arg4[%add3A, %dma_wait3A_39, %dma_wait3A_40] : memref<32x40x256xi32, #tpu.memory_space<hbm>> -> memref<1x40x256xi32, #tpu.memory_space<hbm>>
      %dma_wait3A_42 = tpu.memref_squeeze %dma_wait3A_41 : memref<1x40x256xi32, #tpu.memory_space<hbm>> -> memref<40x256xi32, #tpu.memory_space<hbm>>
      tpu.wait_dma2 semaphore(%run_scoped3A : memref<!tpu.dma_semaphore, #tpu.memory_space<semaphore_mem>>) src(%dma_wait3A_42 : memref<40x256xi32, #tpu.memory_space<hbm>>) dst(%arg8 : memref<40x256xi32, #tpu.memory_space<vmem>>)
      tpu.yield
    }) : () -> ()
    %barrier3A = arith.constant 0 : index
    tpu.barrier barrier_id(%barrier3A)
    %dma_start3A = arith.constant 0 : i32
    %dma_start3A_3 = arith.constant 0 : i32
    %dma_start3A_4 = tpu.memref_slice %arg7[%dma_start3A, %dma_start3A_3] : memref<40x256xi32, #tpu.memory_space<vmem>> -> memref<1x256xi32, #tpu.memory_space<vmem>>
    %dma_start3A_5 = tpu.memref_squeeze %dma_start3A_4 : memref<1x256xi32, #tpu.memory_space<vmem>> -> memref<256xi32, #tpu.memory_space<vmem>>
    %dma_start3A_6 = arith.constant 0 : i32
    %dma_start3A_7 = arith.constant 0 : i32
    %dma_start3A_8 = tpu.memref_slice %arg2[%dma_start3A_6, %dma_start3A_7] : memref<10240x64xf32, #tpu.memory_space<hbm>> -> memref<10240x64xf32, #tpu.memory_space<hbm>>
    tpu.enqueue_indirect_dma source(%dma_start3A_8 : memref<10240x64xf32, #tpu.memory_space<hbm>>) target(%arg9 : memref<256x64xf32, #tpu.memory_space<vmem>>) offsets(%dma_start3A_5 : memref<256xi32, #tpu.memory_space<vmem>>) semaphore(%arg14 : memref<!tpu.dma_semaphore, #tpu.memory_space<semaphore_mem>>)
    %dma_start3A_9 = arith.constant 1 : i32
    %dma_start3A_10 = arith.constant 0 : i32
    %dma_start3A_11 = tpu.memref_slice %arg7[%dma_start3A_9, %dma_start3A_10] : memref<40x256xi32, #tpu.memory_space<vmem>> -> memref<1x256xi32, #tpu.memory_space<vmem>>
    %dma_start3A_12 = tpu.memref_squeeze %dma_start3A_11 : memref<1x256xi32, #tpu.memory_space<vmem>> -> memref<256xi32, #tpu.memory_space<vmem>>
    %dma_start3A_13 = arith.constant 0 : i32
    %dma_start3A_14 = arith.constant 0 : i32
    %dma_start3A_15 = tpu.memref_slice %arg2[%dma_start3A_13, %dma_start3A_14] : memref<10240x64xf32, #tpu.memory_space<hbm>> -> memref<10240x64xf32, #tpu.memory_space<hbm>>
    tpu.enqueue_indirect_dma source(%dma_start3A_15 : memref<10240x64xf32, #tpu.memory_space<hbm>>) target(%arg10 : memref<256x64xf32, #tpu.memory_space<vmem>>) offsets(%dma_start3A_12 : memref<256xi32, #tpu.memory_space<vmem>>) semaphore(%arg15 : memref<!tpu.dma_semaphore, #tpu.memory_space<semaphore_mem>>)
    %dma_start3A_16 = arith.constant 2 : i32
    %dma_start3A_17 = arith.constant 0 : i32
    %dma_start3A_18 = tpu.memref_slice %arg7[%dma_start3A_16, %dma_start3A_17] : memref<40x256xi32, #tpu.memory_space<vmem>> -> memref<1x256xi32, #tpu.memory_space<vmem>>
    %dma_start3A_19 = tpu.memref_squeeze %dma_start3A_18 : memref<1x256xi32, #tpu.memory_space<vmem>> -> memref<256xi32, #tpu.memory_space<vmem>>
    %dma_start3A_20 = arith.constant 0 : i32
    %dma_start3A_21 = arith.constant 0 : i32
    %dma_start3A_22 = tpu.memref_slice %arg2[%dma_start3A_20, %dma_start3A_21] : memref<10240x64xf32, #tpu.memory_space<hbm>> -> memref<10240x64xf32, #tpu.memory_space<hbm>>
    tpu.enqueue_indirect_dma source(%dma_start3A_22 : memref<10240x64xf32, #tpu.memory_space<hbm>>) target(%arg11 : memref<256x64xf32, #tpu.memory_space<vmem>>) offsets(%dma_start3A_19 : memref<256xi32, #tpu.memory_space<vmem>>) semaphore(%arg16 : memref<!tpu.dma_semaphore, #tpu.memory_space<semaphore_mem>>)
    %scan3A = arith.constant 0 : i32
    %scan3A_23 = arith.constant 10 : i32
    %scan3A_24 = arith.addi %scan3A, %scan3A_23 : i32
    %scan3A_25 = arith.constant 1 : i32
    scf.for %scan3A_28 = %scan3A to %scan3A_24 step %scan3A_25  : i32 {
      %mul3A_29 = arith.constant 1 : i32
      %mul3A_30 = arith.muli %scan3A_28, %mul3A_29 : i32
      %add3A_31 = arith.constant 0 : i32
      %add3A_32 = arith.addi %add3A_31, %mul3A_30 : i32
      %mul3A_33 = arith.constant 4 : i32
      %mul3A_34 = arith.muli %mul3A_33, %add3A_32 : i32
      %add3A_35 = arith.constant 0 : i32
      %add3A_36 = arith.addi %mul3A_34, %add3A_35 : i32
      %dma_wait3A = arith.constant 0 : i32
      %dma_wait3A_37 = tpu.memref_slice %arg7[%add3A_36, %dma_wait3A] : memref<40x256xi32, #tpu.memory_space<vmem>> -> memref<1x256xi32, #tpu.memory_space<vmem>>
      %dma_wait3A_38 = tpu.memref_squeeze %dma_wait3A_37 : memref<1x256xi32, #tpu.memory_space<vmem>> -> memref<256xi32, #tpu.memory_space<vmem>>
      %dma_wait3A_39 = arith.constant 0 : i32
      %dma_wait3A_40 = arith.constant 0 : i32
      %dma_wait3A_41 = tpu.memref_slice %arg2[%dma_wait3A_39, %dma_wait3A_40] : memref<10240x64xf32, #tpu.memory_space<hbm>> -> memref<10240x64xf32, #tpu.memory_space<hbm>>
      tpu.wait_indirect_dma semaphore(%arg14 : memref<!tpu.dma_semaphore, #tpu.memory_space<semaphore_mem>>) src(%dma_wait3A_41 : memref<10240x64xf32, #tpu.memory_space<hbm>>) dst(%arg9 : memref<256x64xf32, #tpu.memory_space<vmem>>)
      %add3A_42 = arith.constant 3 : i32
      %add3A_43 = arith.addi %add3A_36, %add3A_42 : i32
      %lt3A = arith.constant 40 : i32
      %lt3A_44 = arith.cmpi slt, %add3A_43, %lt3A : i32
      %convert_element_type3A = arith.extui %lt3A_44 : i1 to i32
      %cond3A = arith.constant 0 : i32
      %cond3A_45 = arith.cmpi ne, %convert_element_type3A, %cond3A : i32
      scf.if %cond3A_45 {
        %add3A_91 = arith.constant 3 : i32
        %add3A_92 = arith.addi %add3A_36, %add3A_91 : i32
        %dma_start3A_93 = arith.constant 0 : i32
        %dma_start3A_94 = tpu.memref_slice %arg7[%add3A_92, %dma_start3A_93] : memref<40x256xi32, #tpu.memory_space<vmem>> -> memref<1x256xi32, #tpu.memory_space<vmem>>
        %dma_start3A_95 = tpu.memref_squeeze %dma_start3A_94 : memref<1x256xi32, #tpu.memory_space<vmem>> -> memref<256xi32, #tpu.memory_space<vmem>>
        %dma_start3A_96 = arith.constant 0 : i32
        %dma_start3A_97 = arith.constant 0 : i32
        %dma_start3A_98 = tpu.memref_slice %arg2[%dma_start3A_96, %dma_start3A_97] : memref<10240x64xf32, #tpu.memory_space<hbm>> -> memref<10240x64xf32, #tpu.memory_space<hbm>>
        tpu.enqueue_indirect_dma source(%dma_start3A_98 : memref<10240x64xf32, #tpu.memory_space<hbm>>) target(%arg12 : memref<256x64xf32, #tpu.memory_space<vmem>>) offsets(%dma_start3A_95 : memref<256xi32, #tpu.memory_space<vmem>>) semaphore(%arg17 : memref<!tpu.dma_semaphore, #tpu.memory_space<semaphore_mem>>)
      } else {
      }
      "tpu.region"() ({
        %run_scoped3A = tpu.sem_alloc : memref<!tpu.dma_semaphore, #tpu.memory_space<semaphore_mem>>
        %dma_start3A_91 = arith.constant 0 : i32
        %dma_start3A_92 = tpu.memref_slice %arg8[%add3A_36, %dma_start3A_91] : memref<40x256xi32, #tpu.memory_space<vmem>> -> memref<1x256xi32, #tpu.memory_space<vmem>>
        %dma_start3A_93 = tpu.memref_squeeze %dma_start3A_92 : memref<1x256xi32, #tpu.memory_space<vmem>> -> memref<256xi32, #tpu.memory_space<vmem>>
        %dma_start3A_94 = arith.constant 0 : i32
        %dma_start3A_95 = arith.constant 0 : i32
        %dma_start3A_96 = tpu.memref_slice %arg13[%dma_start3A_94, %dma_start3A_95] : memref<10240x64xf32, #tpu.memory_space<vmem_shared>> -> memref<10240x64xf32, #tpu.memory_space<vmem_shared>>
        tpu.enqueue_indirect_dma source(%arg9 : memref<256x64xf32, #tpu.memory_space<vmem>>) target(%dma_start3A_96 : memref<10240x64xf32, #tpu.memory_space<vmem_shared>>) offsets(%dma_start3A_93 : memref<256xi32, #tpu.memory_space<vmem>>) semaphore(%run_scoped3A : memref<!tpu.dma_semaphore, #tpu.memory_space<semaphore_mem>>) {add = true}
        %dma_wait3A_97 = arith.constant 0 : i32
        %dma_wait3A_98 = tpu.memref_slice %arg8[%add3A_36, %dma_wait3A_97] : memref<40x256xi32, #tpu.memory_space<vmem>> -> memref<1x256xi32, #tpu.memory_space<vmem>>
        %dma_wait3A_99 = tpu.memref_squeeze %dma_wait3A_98 : memref<1x256xi32, #tpu.memory_space<vmem>> -> memref<256xi32, #tpu.memory_space<vmem>>
        %dma_wait3A_100 = arith.constant 0 : i32
        %dma_wait3A_101 = arith.constant 0 : i32
        %dma_wait3A_102 = tpu.memref_slice %arg13[%dma_wait3A_100, %dma_wait3A_101] : memref<10240x64xf32, #tpu.memory_space<vmem_shared>> -> memref<10240x64xf32, #tpu.memory_space<vmem_shared>>
        tpu.wait_indirect_dma semaphore(%run_scoped3A : memref<!tpu.dma_semaphore, #tpu.memory_space<semaphore_mem>>) src(%arg9 : memref<256x64xf32, #tpu.memory_space<vmem>>) dst(%dma_wait3A_102 : memref<10240x64xf32, #tpu.memory_space<vmem_shared>>)
        tpu.yield
      }) : () -> ()
      %add3A_46 = arith.constant 1 : i32
      %add3A_47 = arith.addi %mul3A_34, %add3A_46 : i32
      %dma_wait3A_48 = arith.constant 0 : i32
      %dma_wait3A_49 = tpu.memref_slice %arg7[%add3A_47, %dma_wait3A_48] : memref<40x256xi32, #tpu.memory_space<vmem>> -> memref<1x256xi32, #tpu.memory_space<vmem>>
      %dma_wait3A_50 = tpu.memref_squeeze %dma_wait3A_49 : memref<1x256xi32, #tpu.memory_space<vmem>> -> memref<256xi32, #tpu.memory_space<vmem>>
      %dma_wait3A_51 = arith.constant 0 : i32
      %dma_wait3A_52 = arith.constant 0 : i32
      %dma_wait3A_53 = tpu.memref_slice %arg2[%dma_wait3A_51, %dma_wait3A_52] : memref<10240x64xf32, #tpu.memory_space<hbm>> -> memref<10240x64xf32, #tpu.memory_space<hbm>>
      tpu.wait_indirect_dma semaphore(%arg15 : memref<!tpu.dma_semaphore, #tpu.memory_space<semaphore_mem>>) src(%dma_wait3A_53 : memref<10240x64xf32, #tpu.memory_space<hbm>>) dst(%arg10 : memref<256x64xf32, #tpu.memory_space<vmem>>)
      %add3A_54 = arith.constant 3 : i32
      %add3A_55 = arith.addi %add3A_47, %add3A_54 : i32
      %lt3A_56 = arith.constant 40 : i32
      %lt3A_57 = arith.cmpi slt, %add3A_55, %lt3A_56 : i32
      %convert_element_type3A_58 = arith.extui %lt3A_57 : i1 to i32
      %cond3A_59 = arith.constant 0 : i32
      %cond3A_60 = arith.cmpi ne, %convert_element_type3A_58, %cond3A_59 : i32
      scf.if %cond3A_60 {
        %add3A_91 = arith.constant 3 : i32
        %add3A_92 = arith.addi %add3A_47, %add3A_91 : i32
        %dma_start3A_93 = arith.constant 0 : i32
        %dma_start3A_94 = tpu.memref_slice %arg7[%add3A_92, %dma_start3A_93] : memref<40x256xi32, #tpu.memory_space<vmem>> -> memref<1x256xi32, #tpu.memory_space<vmem>>
        %dma_start3A_95 = tpu.memref_squeeze %dma_start3A_94 : memref<1x256xi32, #tpu.memory_space<vmem>> -> memref<256xi32, #tpu.memory_space<vmem>>
        %dma_start3A_96 = arith.constant 0 : i32
        %dma_start3A_97 = arith.constant 0 : i32
        %dma_start3A_98 = tpu.memref_slice %arg2[%dma_start3A_96, %dma_start3A_97] : memref<10240x64xf32, #tpu.memory_space<hbm>> -> memref<10240x64xf32, #tpu.memory_space<hbm>>
        tpu.enqueue_indirect_dma source(%dma_start3A_98 : memref<10240x64xf32, #tpu.memory_space<hbm>>) target(%arg9 : memref<256x64xf32, #tpu.memory_space<vmem>>) offsets(%dma_start3A_95 : memref<256xi32, #tpu.memory_space<vmem>>) semaphore(%arg14 : memref<!tpu.dma_semaphore, #tpu.memory_space<semaphore_mem>>)
      } else {
      }
      "tpu.region"() ({
        %run_scoped3A = tpu.sem_alloc : memref<!tpu.dma_semaphore, #tpu.memory_space<semaphore_mem>>
        %dma_start3A_91 = arith.constant 0 : i32
        %dma_start3A_92 = tpu.memref_slice %arg8[%add3A_47, %dma_start3A_91] : memref<40x256xi32, #tpu.memory_space<vmem>> -> memref<1x256xi32, #tpu.memory_space<vmem>>
        %dma_start3A_93 = tpu.memref_squeeze %dma_start3A_92 : memref<1x256xi32, #tpu.memory_space<vmem>> -> memref<256xi32, #tpu.memory_space<vmem>>
        %dma_start3A_94 = arith.constant 0 : i32
        %dma_start3A_95 = arith.constant 0 : i32
        %dma_start3A_96 = tpu.memref_slice %arg13[%dma_start3A_94, %dma_start3A_95] : memref<10240x64xf32, #tpu.memory_space<vmem_shared>> -> memref<10240x64xf32, #tpu.memory_space<vmem_shared>>
        tpu.enqueue_indirect_dma source(%arg10 : memref<256x64xf32, #tpu.memory_space<vmem>>) target(%dma_start3A_96 : memref<10240x64xf32, #tpu.memory_space<vmem_shared>>) offsets(%dma_start3A_93 : memref<256xi32, #tpu.memory_space<vmem>>) semaphore(%run_scoped3A : memref<!tpu.dma_semaphore, #tpu.memory_space<semaphore_mem>>) {add = true}
        %dma_wait3A_97 = arith.constant 0 : i32
        %dma_wait3A_98 = tpu.memref_slice %arg8[%add3A_47, %dma_wait3A_97] : memref<40x256xi32, #tpu.memory_space<vmem>> -> memref<1x256xi32, #tpu.memory_space<vmem>>
        %dma_wait3A_99 = tpu.memref_squeeze %dma_wait3A_98 : memref<1x256xi32, #tpu.memory_space<vmem>> -> memref<256xi32, #tpu.memory_space<vmem>>
        %dma_wait3A_100 = arith.constant 0 : i32
        %dma_wait3A_101 = arith.constant 0 : i32
        %dma_wait3A_102 = tpu.memref_slice %arg13[%dma_wait3A_100, %dma_wait3A_101] : memref<10240x64xf32, #tpu.memory_space<vmem_shared>> -> memref<10240x64xf32, #tpu.memory_space<vmem_shared>>
        tpu.wait_indirect_dma semaphore(%run_scoped3A : memref<!tpu.dma_semaphore, #tpu.memory_space<semaphore_mem>>) src(%arg10 : memref<256x64xf32, #tpu.memory_space<vmem>>) dst(%dma_wait3A_102 : memref<10240x64xf32, #tpu.memory_space<vmem_shared>>)
        tpu.yield
      }) : () -> ()
      %add3A_61 = arith.constant 2 : i32
      %add3A_62 = arith.addi %mul3A_34, %add3A_61 : i32
      %dma_wait3A_63 = arith.constant 0 : i32
      %dma_wait3A_64 = tpu.memref_slice %arg7[%add3A_62, %dma_wait3A_63] : memref<40x256xi32, #tpu.memory_space<vmem>> -> memref<1x256xi32, #tpu.memory_space<vmem>>
      %dma_wait3A_65 = tpu.memref_squeeze %dma_wait3A_64 : memref<1x256xi32, #tpu.memory_space<vmem>> -> memref<256xi32, #tpu.memory_space<vmem>>
      %dma_wait3A_66 = arith.constant 0 : i32
      %dma_wait3A_67 = arith.constant 0 : i32
      %dma_wait3A_68 = tpu.memref_slice %arg2[%dma_wait3A_66, %dma_wait3A_67] : memref<10240x64xf32, #tpu.memory_space<hbm>> -> memref<10240x64xf32, #tpu.memory_space<hbm>>
      tpu.wait_indirect_dma semaphore(%arg16 : memref<!tpu.dma_semaphore, #tpu.memory_space<semaphore_mem>>) src(%dma_wait3A_68 : memref<10240x64xf32, #tpu.memory_space<hbm>>) dst(%arg11 : memref<256x64xf32, #tpu.memory_space<vmem>>)
      %add3A_69 = arith.constant 3 : i32
      %add3A_70 = arith.addi %add3A_62, %add3A_69 : i32
      %lt3A_71 = arith.constant 40 : i32
      %lt3A_72 = arith.cmpi slt, %add3A_70, %lt3A_71 : i32
      %convert_element_type3A_73 = arith.extui %lt3A_72 : i1 to i32
      %cond3A_74 = arith.constant 0 : i32
      %cond3A_75 = arith.cmpi ne, %convert_element_type3A_73, %cond3A_74 : i32
      scf.if %cond3A_75 {
        %add3A_91 = arith.constant 3 : i32
        %add3A_92 = arith.addi %add3A_62, %add3A_91 : i32
        %dma_start3A_93 = arith.constant 0 : i32
        %dma_start3A_94 = tpu.memref_slice %arg7[%add3A_92, %dma_start3A_93] : memref<40x256xi32, #tpu.memory_space<vmem>> -> memref<1x256xi32, #tpu.memory_space<vmem>>
        %dma_start3A_95 = tpu.memref_squeeze %dma_start3A_94 : memref<1x256xi32, #tpu.memory_space<vmem>> -> memref<256xi32, #tpu.memory_space<vmem>>
        %dma_start3A_96 = arith.constant 0 : i32
        %dma_start3A_97 = arith.constant 0 : i32
        %dma_start3A_98 = tpu.memref_slice %arg2[%dma_start3A_96, %dma_start3A_97] : memref<10240x64xf32, #tpu.memory_space<hbm>> -> memref<10240x64xf32, #tpu.memory_space<hbm>>
        tpu.enqueue_indirect_dma source(%dma_start3A_98 : memref<10240x64xf32, #tpu.memory_space<hbm>>) target(%arg10 : memref<256x64xf32, #tpu.memory_space<vmem>>) offsets(%dma_start3A_95 : memref<256xi32, #tpu.memory_space<vmem>>) semaphore(%arg15 : memref<!tpu.dma_semaphore, #tpu.memory_space<semaphore_mem>>)
      } else {
      }
      "tpu.region"() ({
        %run_scoped3A = tpu.sem_alloc : memref<!tpu.dma_semaphore, #tpu.memory_space<semaphore_mem>>
        %dma_start3A_91 = arith.constant 0 : i32
        %dma_start3A_92 = tpu.memref_slice %arg8[%add3A_62, %dma_start3A_91] : memref<40x256xi32, #tpu.memory_space<vmem>> -> memref<1x256xi32, #tpu.memory_space<vmem>>
        %dma_start3A_93 = tpu.memref_squeeze %dma_start3A_92 : memref<1x256xi32, #tpu.memory_space<vmem>> -> memref<256xi32, #tpu.memory_space<vmem>>
        %dma_start3A_94 = arith.constant 0 : i32
        %dma_start3A_95 = arith.constant 0 : i32
        %dma_start3A_96 = tpu.memref_slice %arg13[%dma_start3A_94, %dma_start3A_95] : memref<10240x64xf32, #tpu.memory_space<vmem_shared>> -> memref<10240x64xf32, #tpu.memory_space<vmem_shared>>
        tpu.enqueue_indirect_dma source(%arg11 : memref<256x64xf32, #tpu.memory_space<vmem>>) target(%dma_start3A_96 : memref<10240x64xf32, #tpu.memory_space<vmem_shared>>) offsets(%dma_start3A_93 : memref<256xi32, #tpu.memory_space<vmem>>) semaphore(%run_scoped3A : memref<!tpu.dma_semaphore, #tpu.memory_space<semaphore_mem>>) {add = true}
        %dma_wait3A_97 = arith.constant 0 : i32
        %dma_wait3A_98 = tpu.memref_slice %arg8[%add3A_62, %dma_wait3A_97] : memref<40x256xi32, #tpu.memory_space<vmem>> -> memref<1x256xi32, #tpu.memory_space<vmem>>
        %dma_wait3A_99 = tpu.memref_squeeze %dma_wait3A_98 : memref<1x256xi32, #tpu.memory_space<vmem>> -> memref<256xi32, #tpu.memory_space<vmem>>
        %dma_wait3A_100 = arith.constant 0 : i32
        %dma_wait3A_101 = arith.constant 0 : i32
        %dma_wait3A_102 = tpu.memref_slice %arg13[%dma_wait3A_100, %dma_wait3A_101] : memref<10240x64xf32, #tpu.memory_space<vmem_shared>> -> memref<10240x64xf32, #tpu.memory_space<vmem_shared>>
        tpu.wait_indirect_dma semaphore(%run_scoped3A : memref<!tpu.dma_semaphore, #tpu.memory_space<semaphore_mem>>) src(%arg11 : memref<256x64xf32, #tpu.memory_space<vmem>>) dst(%dma_wait3A_102 : memref<10240x64xf32, #tpu.memory_space<vmem_shared>>)
        tpu.yield
      }) : () -> ()
      %add3A_76 = arith.constant 3 : i32
      %add3A_77 = arith.addi %mul3A_34, %add3A_76 : i32
      %dma_wait3A_78 = arith.constant 0 : i32
      %dma_wait3A_79 = tpu.memref_slice %arg7[%add3A_77, %dma_wait3A_78] : memref<40x256xi32, #tpu.memory_space<vmem>> -> memref<1x256xi32, #tpu.memory_space<vmem>>
      %dma_wait3A_80 = tpu.memref_squeeze %dma_wait3A_79 : memref<1x256xi32, #tpu.memory_space<vmem>> -> memref<256xi32, #tpu.memory_space<vmem>>
      %dma_wait3A_81 = arith.constant 0 : i32
      %dma_wait3A_82 = arith.constant 0 : i32
      %dma_wait3A_83 = tpu.memref_slice %arg2[%dma_wait3A_81, %dma_wait3A_82] : memref<10240x64xf32, #tpu.memory_space<hbm>> -> memref<10240x64xf32, #tpu.memory_space<hbm>>
      tpu.wait_indirect_dma semaphore(%arg17 : memref<!tpu.dma_semaphore, #tpu.memory_space<semaphore_mem>>) src(%dma_wait3A_83 : memref<10240x64xf32, #tpu.memory_space<hbm>>) dst(%arg12 : memref<256x64xf32, #tpu.memory_space<vmem>>)
      %add3A_84 = arith.constant 3 : i32
      %add3A_85 = arith.addi %add3A_77, %add3A_84 : i32
      %lt3A_86 = arith.constant 40 : i32
      %lt3A_87 = arith.cmpi slt, %add3A_85, %lt3A_86 : i32
      %convert_element_type3A_88 = arith.extui %lt3A_87 : i1 to i32
      %cond3A_89 = arith.constant 0 : i32
      %cond3A_90 = arith.cmpi ne, %convert_element_type3A_88, %cond3A_89 : i32
      scf.if %cond3A_90 {
        %add3A_91 = arith.constant 3 : i32
        %add3A_92 = arith.addi %add3A_77, %add3A_91 : i32
        %dma_start3A_93 = arith.constant 0 : i32
        %dma_start3A_94 = tpu.memref_slice %arg7[%add3A_92, %dma_start3A_93] : memref<40x256xi32, #tpu.memory_space<vmem>> -> memref<1x256xi32, #tpu.memory_space<vmem>>
        %dma_start3A_95 = tpu.memref_squeeze %dma_start3A_94 : memref<1x256xi32, #tpu.memory_space<vmem>> -> memref<256xi32, #tpu.memory_space<vmem>>
        %dma_start3A_96 = arith.constant 0 : i32
        %dma_start3A_97 = arith.constant 0 : i32
        %dma_start3A_98 = tpu.memref_slice %arg2[%dma_start3A_96, %dma_start3A_97] : memref<10240x64xf32, #tpu.memory_space<hbm>> -> memref<10240x64xf32, #tpu.memory_space<hbm>>
        tpu.enqueue_indirect_dma source(%dma_start3A_98 : memref<10240x64xf32, #tpu.memory_space<hbm>>) target(%arg11 : memref<256x64xf32, #tpu.memory_space<vmem>>) offsets(%dma_start3A_95 : memref<256xi32, #tpu.memory_space<vmem>>) semaphore(%arg16 : memref<!tpu.dma_semaphore, #tpu.memory_space<semaphore_mem>>)
      } else {
      }
      "tpu.region"() ({
        %run_scoped3A = tpu.sem_alloc : memref<!tpu.dma_semaphore, #tpu.memory_space<semaphore_mem>>
        %dma_start3A_91 = arith.constant 0 : i32
        %dma_start3A_92 = tpu.memref_slice %arg8[%add3A_77, %dma_start3A_91] : memref<40x256xi32, #tpu.memory_space<vmem>> -> memref<1x256xi32, #tpu.memory_space<vmem>>
        %dma_start3A_93 = tpu.memref_squeeze %dma_start3A_92 : memref<1x256xi32, #tpu.memory_space<vmem>> -> memref<256xi32, #tpu.memory_space<vmem>>
        %dma_start3A_94 = arith.constant 0 : i32
        %dma_start3A_95 = arith.constant 0 : i32
        %dma_start3A_96 = tpu.memref_slice %arg13[%dma_start3A_94, %dma_start3A_95] : memref<10240x64xf32, #tpu.memory_space<vmem_shared>> -> memref<10240x64xf32, #tpu.memory_space<vmem_shared>>
        tpu.enqueue_indirect_dma source(%arg12 : memref<256x64xf32, #tpu.memory_space<vmem>>) target(%dma_start3A_96 : memref<10240x64xf32, #tpu.memory_space<vmem_shared>>) offsets(%dma_start3A_93 : memref<256xi32, #tpu.memory_space<vmem>>) semaphore(%run_scoped3A : memref<!tpu.dma_semaphore, #tpu.memory_space<semaphore_mem>>) {add = true}
        %dma_wait3A_97 = arith.constant 0 : i32
        %dma_wait3A_98 = tpu.memref_slice %arg8[%add3A_77, %dma_wait3A_97] : memref<40x256xi32, #tpu.memory_space<vmem>> -> memref<1x256xi32, #tpu.memory_space<vmem>>
        %dma_wait3A_99 = tpu.memref_squeeze %dma_wait3A_98 : memref<1x256xi32, #tpu.memory_space<vmem>> -> memref<256xi32, #tpu.memory_space<vmem>>
        %dma_wait3A_100 = arith.constant 0 : i32
        %dma_wait3A_101 = arith.constant 0 : i32
        %dma_wait3A_102 = tpu.memref_slice %arg13[%dma_wait3A_100, %dma_wait3A_101] : memref<10240x64xf32, #tpu.memory_space<vmem_shared>> -> memref<10240x64xf32, #tpu.memory_space<vmem_shared>>
        tpu.wait_indirect_dma semaphore(%run_scoped3A : memref<!tpu.dma_semaphore, #tpu.memory_space<semaphore_mem>>) src(%arg12 : memref<256x64xf32, #tpu.memory_space<vmem>>) dst(%dma_wait3A_102 : memref<10240x64xf32, #tpu.memory_space<vmem_shared>>)
        tpu.yield
      }) : () -> ()
    }
    %scan3A_26 = arith.constant 10 : i32
    %barrier3A_27 = arith.constant 0 : index
    tpu.barrier barrier_id(%barrier3A_27)
    "tpu.region"() ({
      %run_scoped3A = tpu.sem_alloc : memref<!tpu.dma_semaphore, #tpu.memory_space<semaphore_mem>>
      %dma_start3A_28 = arith.constant 0 : i32
      %dma_start3A_29 = tpu.memref_slice %arg6[%arg0, %mul3A_2, %dma_start3A_28] : memref<2x10240x64xf32, #tpu.memory_space<hbm>> -> memref<1x640x64xf32, #tpu.memory_space<hbm>>
      %dma_start3A_30 = tpu.memref_squeeze %dma_start3A_29 : memref<1x640x64xf32, #tpu.memory_space<hbm>> -> memref<640x64xf32, #tpu.memory_space<hbm>>
      %dma_start3A_31 = arith.constant 0 : i32
      %dma_start3A_32 = tpu.memref_slice %arg13[%mul3A_2, %dma_start3A_31] : memref<10240x64xf32, #tpu.memory_space<vmem_shared>> -> memref<640x64xf32, #tpu.memory_space<vmem_shared>>
      tpu.enqueue_dma source(%dma_start3A_32 : memref<640x64xf32, #tpu.memory_space<vmem_shared>>) target(%dma_start3A_30 : memref<640x64xf32, #tpu.memory_space<hbm>>) target_semaphore(%run_scoped3A : memref<!tpu.dma_semaphore, #tpu.memory_space<semaphore_mem>>)
      %dma_wait3A = arith.constant 0 : i32
      %dma_wait3A_33 = tpu.memref_slice %arg6[%arg0, %mul3A_2, %dma_wait3A] : memref<2x10240x64xf32, #tpu.memory_space<hbm>> -> memref<1x640x64xf32, #tpu.memory_space<hbm>>
      %dma_wait3A_34 = tpu.memref_squeeze %dma_wait3A_33 : memref<1x640x64xf32, #tpu.memory_space<hbm>> -> memref<640x64xf32, #tpu.memory_space<hbm>>
      %dma_wait3A_35 = arith.constant 0 : i32
      %dma_wait3A_36 = tpu.memref_slice %arg13[%mul3A_2, %dma_wait3A_35] : memref<10240x64xf32, #tpu.memory_space<vmem_shared>> -> memref<640x64xf32, #tpu.memory_space<vmem_shared>>
      tpu.wait_dma2 semaphore(%run_scoped3A : memref<!tpu.dma_semaphore, #tpu.memory_space<semaphore_mem>>) src(%dma_wait3A_36 : memref<640x64xf32, #tpu.memory_space<vmem_shared>>) dst(%dma_wait3A_34 : memref<640x64xf32, #tpu.memory_space<hbm>>)
      tpu.yield
    }) : () -> ()
    return
  }
}

module attributes {stable_mosaic.version = 14 : i64} {
  func.func @_tc_mm_body(%arg0: i32, %arg1: memref<5120x128xf32, #tpu.memory_space<vmem>>, %arg2: memref<128x64xf32, #tpu.memory_space<vmem>>, %arg3: memref<5120x64xf32, #tpu.memory_space<vmem>>) attributes {dimension_semantics = [#tpu.dimension_semantics<arbitrary>], iteration_bounds = array<i64: 2>, scalar_prefetch = 0 : i64, scratch_operands = 0 : i64, tpu.core_type = #tpu.core_type<tc>, window_params = [{transform_indices = @transform_0, window_bounds = array<i64: 5120, 128>}, {pipeline_mode = #tpu.pipeline_mode<synchronous>, transform_indices = @transform_1, window_bounds = array<i64: 128, 64>}, {transform_indices = @transform_2, window_bounds = array<i64: 5120, 64>}]} {
    %get3A = arith.constant 0 : index
    %get3A_0 = arith.constant 0 : index
    %get3A_1 = vector.load %arg1[%get3A, %get3A_0] : memref<5120x128xf32, #tpu.memory_space<vmem>>, vector<5120x128xf32>
    %get3A_2 = arith.constant 0 : index
    %get3A_3 = arith.constant 0 : index
    %get3A_4 = vector.load %arg2[%get3A_2, %get3A_3] : memref<128x64xf32, #tpu.memory_space<vmem>>, vector<128x64xf32>
    %dot_general3A = arith.constant dense<0.000000e+00> : vector<5120x64xf32>
    %dot_general3A_5 = tpu.matmul %get3A_1, %get3A_4, %dot_general3A {dimension_numbers = #tpu.dot_dimension_numbers<[1], [0], [0], [1], [0, 0, 1, 1], [], []>, transpose_lhs_hint = false} : vector<5120x128xf32>, vector<128x64xf32>, vector<5120x64xf32> -> vector<5120x64xf32>
    %swap3A = arith.constant 0 : index
    %swap3A_6 = arith.constant 0 : index
    %swap3A_7 = vector.load %arg3[%swap3A, %swap3A_6] : memref<5120x64xf32, #tpu.memory_space<vmem>>, vector<5120x64xf32>
    tpu.vector_store %arg3[%swap3A, %swap3A_6], %dot_general3A_5 {strides = array<i32>} : memref<5120x64xf32, #tpu.memory_space<vmem>>, vector<5120x64xf32>,
    return
  }
  func.func @transform_0(%arg0: i32) -> (i32, i32) {
    %c0_i32 = arith.constant 0 : i32
    %c0_i32_0 = arith.constant 0 : i32
    return %arg0, %c0_i32 : i32, i32
  }
  func.func @transform_1(%arg0: i32) -> (i32, i32) {
    %c0_i32 = arith.constant 0 : i32
    %c0_i32_0 = arith.constant 0 : i32
    %c0_i32_1 = arith.constant 0 : i32
    return %c0_i32, %c0_i32_0 : i32, i32
  }
  func.func @transform_2(%arg0: i32) -> (i32, i32) {
    %c0_i32 = arith.constant 0 : i32
    %c0_i32_0 = arith.constant 0 : i32
    return %arg0, %c0_i32 : i32, i32
  }
}

module attributes {stable_mosaic.version = 14 : i64} {
  func.func @_tc1_body(%arg0: i32, %arg1: memref<5120x64xf32, #tpu.memory_space<vmem>>, %arg2: memref<2x5120x16xf32, #tpu.memory_space<vmem>>, %arg3: memref<5120x64xf32, #tpu.memory_space<vmem>>, %arg4: memref<5120x16xf32, #tpu.memory_space<vmem>>) attributes {dimension_semantics = [#tpu.dimension_semantics<arbitrary>], iteration_bounds = array<i64: 2>, scalar_prefetch = 0 : i64, scratch_operands = 0 : i64, tpu.core_type = #tpu.core_type<tc>, window_params = [{transform_indices = @transform_0, window_bounds = array<i64: 5120, 64>}, {transform_indices = @transform_1, window_bounds = array<i64: 2, 5120, 16>}, {transform_indices = @transform_2, window_bounds = array<i64: 5120, 64>}, {transform_indices = @transform_3, window_bounds = array<i64: 5120, 16>}]} {
    %get3A = arith.constant 0 : index
    %get3A_0 = arith.constant 0 : index
    %get3A_1 = arith.constant 0 : index
    %get3A_2 = vector.load %arg2[%get3A, %get3A_0, %get3A_1] : memref<2x5120x16xf32, #tpu.memory_space<vmem>>, vector<1x5120x16xf32>
    %get3A_3 = vector.shape_cast %get3A_2 : vector<1x5120x16xf32> to vector<5120x16xf32>
    %get3A_4 = arith.constant 1 : index
    %get3A_5 = arith.constant 0 : index
    %get3A_6 = arith.constant 0 : index
    %get3A_7 = vector.load %arg2[%get3A_4, %get3A_5, %get3A_6] : memref<2x5120x16xf32, #tpu.memory_space<vmem>>, vector<1x5120x16xf32>
    %get3A_8 = vector.shape_cast %get3A_7 : vector<1x5120x16xf32> to vector<5120x16xf32>
    %add3A = arith.addf %get3A_3, %get3A_8 : vector<5120x16xf32>
    %add3A_9 = arith.constant 1.000000e+00 : f32
    %add3A_10 = vector.broadcast %add3A_9 : f32 to vector<5120x16xf32>
    %add3A_11 = arith.addf %add3A, %add3A_10 : vector<5120x16xf32>
    %rsqrt3A = math.rsqrt %add3A_11 : vector<5120x16xf32>
    %swap3A = arith.constant 0 : index
    %swap3A_12 = arith.constant 0 : index
    %swap3A_13 = vector.load %arg4[%swap3A, %swap3A_12] : memref<5120x16xf32, #tpu.memory_space<vmem>>, vector<5120x16xf32>
    tpu.vector_store %arg4[%swap3A, %swap3A_12], %rsqrt3A {strides = array<i32>} : memref<5120x16xf32, #tpu.memory_space<vmem>>, vector<5120x16xf32>,
    %get3A_14 = arith.constant 0 : index
    %get3A_15 = arith.constant 0 : index
    %get3A_16 = vector.load %arg1[%get3A_14, %get3A_15] : memref<5120x64xf32, #tpu.memory_space<vmem>>, vector<5120x64xf32>
    %slice3A = vector.extract_strided_slice %rsqrt3A {offsets = [0, 0], sizes = [5120, 1], strides = [1, 1]} : vector<5120x16xf32> to vector<5120x1xf32>
    %mul3A = vector.broadcast %slice3A : vector<5120x1xf32> to vector<5120x64xf32>
    %mul3A_17 = arith.mulf %get3A_16, %mul3A : vector<5120x64xf32>
    %swap3A_18 = arith.constant 0 : index
    %swap3A_19 = arith.constant 0 : index
    %swap3A_20 = vector.load %arg3[%swap3A_18, %swap3A_19] : memref<5120x64xf32, #tpu.memory_space<vmem>>, vector<5120x64xf32>
    tpu.vector_store %arg3[%swap3A_18, %swap3A_19], %mul3A_17 {strides = array<i32>} : memref<5120x64xf32, #tpu.memory_space<vmem>>, vector<5120x64xf32>,
    return
  }
  func.func @transform_0(%arg0: i32) -> (i32, i32) {
    %c0_i32 = arith.constant 0 : i32
    %c0_i32_0 = arith.constant 0 : i32
    return %arg0, %c0_i32 : i32, i32
  }
  func.func @transform_1(%arg0: i32) -> (i32, i32, i32) {
    %c0_i32 = arith.constant 0 : i32
    %c0_i32_0 = arith.constant 0 : i32
    %c0_i32_1 = arith.constant 0 : i32
    return %c0_i32, %arg0, %c0_i32_0 : i32, i32, i32
  }
  func.func @transform_2(%arg0: i32) -> (i32, i32) {
    %c0_i32 = arith.constant 0 : i32
    %c0_i32_0 = arith.constant 0 : i32
    return %arg0, %c0_i32 : i32, i32
  }
  func.func @transform_3(%arg0: i32) -> (i32, i32) {
    %c0_i32 = arith.constant 0 : i32
    %c0_i32_0 = arith.constant 0 : i32
    return %arg0, %c0_i32 : i32, i32
  }
}

module attributes {stable_mosaic.version = 14 : i64} {
  func.func @_tc_mid_body(%arg0: i32, %arg1: memref<2x5120x64xf32, #tpu.memory_space<vmem>>, %arg2: memref<5120x64xf32, #tpu.memory_space<vmem>>, %arg3: memref<5120x16xf32, #tpu.memory_space<vmem>>, %arg4: memref<1x64xf32, #tpu.memory_space<vmem>>, %arg5: memref<64x64xf32, #tpu.memory_space<vmem>>, %arg6: memref<5120x64xf32, #tpu.memory_space<vmem>>) attributes {dimension_semantics = [#tpu.dimension_semantics<arbitrary>], iteration_bounds = array<i64: 2>, scalar_prefetch = 0 : i64, scratch_operands = 0 : i64, tpu.core_type = #tpu.core_type<tc>, window_params = [{transform_indices = @transform_0, window_bounds = array<i64: 2, 5120, 64>}, {transform_indices = @transform_1, window_bounds = array<i64: 5120, 64>}, {transform_indices = @transform_2, window_bounds = array<i64: 5120, 16>}, {pipeline_mode = #tpu.pipeline_mode<synchronous>, transform_indices = @transform_3, window_bounds = array<i64: 1, 64>}, {pipeline_mode = #tpu.pipeline_mode<synchronous>, transform_indices = @transform_4, window_bounds = array<i64: 64, 64>}, {transform_indices = @transform_5, window_bounds = array<i64: 5120, 64>}]} {
    %get3A = arith.constant 0 : index
    %get3A_0 = arith.constant 0 : index
    %get3A_1 = arith.constant 0 : index
    %get3A_2 = vector.load %arg1[%get3A, %get3A_0, %get3A_1] : memref<2x5120x64xf32, #tpu.memory_space<vmem>>, vector<1x5120x64xf32>
    %get3A_3 = vector.shape_cast %get3A_2 : vector<1x5120x64xf32> to vector<5120x64xf32>
    %get3A_4 = arith.constant 1 : index
    %get3A_5 = arith.constant 0 : index
    %get3A_6 = arith.constant 0 : index
    %get3A_7 = vector.load %arg1[%get3A_4, %get3A_5, %get3A_6] : memref<2x5120x64xf32, #tpu.memory_space<vmem>>, vector<1x5120x64xf32>
    %get3A_8 = vector.shape_cast %get3A_7 : vector<1x5120x64xf32> to vector<5120x64xf32>
    %add3A = arith.addf %get3A_3, %get3A_8 : vector<5120x64xf32>
    %get3A_9 = arith.constant 0 : index
    %get3A_10 = arith.constant 0 : index
    %get3A_11 = vector.load %arg2[%get3A_9, %get3A_10] : memref<5120x64xf32, #tpu.memory_space<vmem>>, vector<5120x64xf32>
    %add3A_12 = arith.addf %add3A, %get3A_11 : vector<5120x64xf32>
    %get3A_13 = arith.constant 0 : index
    %get3A_14 = arith.constant 0 : index
    %get3A_15 = vector.load %arg3[%get3A_13, %get3A_14] : memref<5120x16xf32, #tpu.memory_space<vmem>>, vector<5120x1xf32>
    %mul3A = vector.broadcast %get3A_15 : vector<5120x1xf32> to vector<5120x64xf32>
    %mul3A_16 = arith.mulf %add3A_12, %mul3A : vector<5120x64xf32>
    %get3A_17 = arith.constant 0 : index
    %get3A_18 = arith.constant 0 : index
    %get3A_19 = vector.load %arg4[%get3A_17, %get3A_18] : memref<1x64xf32, #tpu.memory_space<vmem>>, vector<1x64xf32>
    %add3A_20 = vector.broadcast %get3A_19 : vector<1x64xf32> to vector<5120x64xf32>
    %add3A_21 = arith.addf %mul3A_16, %add3A_20 : vector<5120x64xf32>
    %max3A = arith.constant 0.000000e+00 : f32
    %max3A_22 = vector.broadcast %max3A : f32 to vector<5120x64xf32>
    %max3A_23 = arith.maximumf %add3A_21, %max3A_22 : vector<5120x64xf32>
    %get3A_24 = arith.constant 0 : index
    %get3A_25 = arith.constant 0 : index
    %get3A_26 = vector.load %arg5[%get3A_24, %get3A_25] : memref<64x64xf32, #tpu.memory_space<vmem>>, vector<64x64xf32>
    %dot_general3A = arith.constant dense<0.000000e+00> : vector<5120x64xf32>
    %dot_general3A_27 = tpu.matmul %max3A_23, %get3A_26, %dot_general3A {dimension_numbers = #tpu.dot_dimension_numbers<[1], [0], [0], [1], [0, 0, 1, 1], [], []>, transpose_lhs_hint = false} : vector<5120x64xf32>, vector<64x64xf32>, vector<5120x64xf32> -> vector<5120x64xf32>
    %mul3A_28 = vector.broadcast %get3A_15 : vector<5120x1xf32> to vector<5120x64xf32>
    %mul3A_29 = arith.mulf %dot_general3A_27, %mul3A_28 : vector<5120x64xf32>
    %swap3A = arith.constant 0 : index
    %swap3A_30 = arith.constant 0 : index
    %swap3A_31 = vector.load %arg6[%swap3A, %swap3A_30] : memref<5120x64xf32, #tpu.memory_space<vmem>>, vector<5120x64xf32>
    tpu.vector_store %arg6[%swap3A, %swap3A_30], %mul3A_29 {strides = array<i32>} : memref<5120x64xf32, #tpu.memory_space<vmem>>, vector<5120x64xf32>,
    return
  }
  func.func @transform_0(%arg0: i32) -> (i32, i32, i32) {
    %c0_i32 = arith.constant 0 : i32
    %c0_i32_0 = arith.constant 0 : i32
    %c0_i32_1 = arith.constant 0 : i32
    return %c0_i32, %arg0, %c0_i32_0 : i32, i32, i32
  }
  func.func @transform_1(%arg0: i32) -> (i32, i32) {
    %c0_i32 = arith.constant 0 : i32
    %c0_i32_0 = arith.constant 0 : i32
    return %arg0, %c0_i32 : i32, i32
  }
  func.func @transform_2(%arg0: i32) -> (i32, i32) {
    %c0_i32 = arith.constant 0 : i32
    %c0_i32_0 = arith.constant 0 : i32
    return %arg0, %c0_i32 : i32, i32
  }
  func.func @transform_3(%arg0: i32) -> (i32, i32) {
    %c0_i32 = arith.constant 0 : i32
    %c0_i32_0 = arith.constant 0 : i32
    %c0_i32_1 = arith.constant 0 : i32
    return %c0_i32, %c0_i32_0 : i32, i32
  }
  func.func @transform_4(%arg0: i32) -> (i32, i32) {
    %c0_i32 = arith.constant 0 : i32
    %c0_i32_0 = arith.constant 0 : i32
    %c0_i32_1 = arith.constant 0 : i32
    return %c0_i32, %c0_i32_0 : i32, i32
  }
  func.func @transform_5(%arg0: i32) -> (i32, i32) {
    %c0_i32 = arith.constant 0 : i32
    %c0_i32_0 = arith.constant 0 : i32
    return %arg0, %c0_i32 : i32, i32
  }
}

module attributes {stable_mosaic.version = 14 : i64} {
  func.func @_tc_mid_body(%arg0: i32, %arg1: memref<2x5120x64xf32, #tpu.memory_space<vmem>>, %arg2: memref<5120x64xf32, #tpu.memory_space<vmem>>, %arg3: memref<5120x16xf32, #tpu.memory_space<vmem>>, %arg4: memref<1x64xf32, #tpu.memory_space<vmem>>, %arg5: memref<64x16xf32, #tpu.memory_space<vmem>>, %arg6: memref<5120x16xf32, #tpu.memory_space<vmem>>) attributes {dimension_semantics = [#tpu.dimension_semantics<arbitrary>], iteration_bounds = array<i64: 2>, scalar_prefetch = 0 : i64, scratch_operands = 0 : i64, tpu.core_type = #tpu.core_type<tc>, window_params = [{transform_indices = @transform_0, window_bounds = array<i64: 2, 5120, 64>}, {transform_indices = @transform_1, window_bounds = array<i64: 5120, 64>}, {transform_indices = @transform_2, window_bounds = array<i64: 5120, 16>}, {pipeline_mode = #tpu.pipeline_mode<synchronous>, transform_indices = @transform_3, window_bounds = array<i64: 1, 64>}, {pipeline_mode = #tpu.pipeline_mode<synchronous>, transform_indices = @transform_4, window_bounds = array<i64: 64, 16>}, {transform_indices = @transform_5, window_bounds = array<i64: 5120, 16>}]} {
    %get3A = arith.constant 0 : index
    %get3A_0 = arith.constant 0 : index
    %get3A_1 = arith.constant 0 : index
    %get3A_2 = vector.load %arg1[%get3A, %get3A_0, %get3A_1] : memref<2x5120x64xf32, #tpu.memory_space<vmem>>, vector<1x5120x64xf32>
    %get3A_3 = vector.shape_cast %get3A_2 : vector<1x5120x64xf32> to vector<5120x64xf32>
    %get3A_4 = arith.constant 1 : index
    %get3A_5 = arith.constant 0 : index
    %get3A_6 = arith.constant 0 : index
    %get3A_7 = vector.load %arg1[%get3A_4, %get3A_5, %get3A_6] : memref<2x5120x64xf32, #tpu.memory_space<vmem>>, vector<1x5120x64xf32>
    %get3A_8 = vector.shape_cast %get3A_7 : vector<1x5120x64xf32> to vector<5120x64xf32>
    %add3A = arith.addf %get3A_3, %get3A_8 : vector<5120x64xf32>
    %get3A_9 = arith.constant 0 : index
    %get3A_10 = arith.constant 0 : index
    %get3A_11 = vector.load %arg2[%get3A_9, %get3A_10] : memref<5120x64xf32, #tpu.memory_space<vmem>>, vector<5120x64xf32>
    %add3A_12 = arith.addf %add3A, %get3A_11 : vector<5120x64xf32>
    %get3A_13 = arith.constant 0 : index
    %get3A_14 = arith.constant 0 : index
    %get3A_15 = vector.load %arg3[%get3A_13, %get3A_14] : memref<5120x16xf32, #tpu.memory_space<vmem>>, vector<5120x1xf32>
    %mul3A = vector.broadcast %get3A_15 : vector<5120x1xf32> to vector<5120x64xf32>
    %mul3A_16 = arith.mulf %add3A_12, %mul3A : vector<5120x64xf32>
    %get3A_17 = arith.constant 0 : index
    %get3A_18 = arith.constant 0 : index
    %get3A_19 = vector.load %arg4[%get3A_17, %get3A_18] : memref<1x64xf32, #tpu.memory_space<vmem>>, vector<1x64xf32>
    %add3A_20 = vector.broadcast %get3A_19 : vector<1x64xf32> to vector<5120x64xf32>
    %add3A_21 = arith.addf %mul3A_16, %add3A_20 : vector<5120x64xf32>
    %max3A = arith.constant 0.000000e+00 : f32
    %max3A_22 = vector.broadcast %max3A : f32 to vector<5120x64xf32>
    %max3A_23 = arith.maximumf %add3A_21, %max3A_22 : vector<5120x64xf32>
    %get3A_24 = arith.constant 0 : index
    %get3A_25 = arith.constant 0 : index
    %get3A_26 = vector.load %arg5[%get3A_24, %get3A_25] : memref<64x16xf32, #tpu.memory_space<vmem>>, vector<64x16xf32>
    %dot_general3A = arith.constant dense<0.000000e+00> : vector<5120x16xf32>
    %dot_general3A_27 = tpu.matmul %max3A_23, %get3A_26, %dot_general3A {dimension_numbers = #tpu.dot_dimension_numbers<[1], [0], [0], [1], [0, 0, 1, 1], [], []>, transpose_lhs_hint = false} : vector<5120x64xf32>, vector<64x16xf32>, vector<5120x16xf32> -> vector<5120x16xf32>
    %mul3A_28 = vector.broadcast %get3A_15 : vector<5120x1xf32> to vector<5120x16xf32>
    %mul3A_29 = arith.mulf %dot_general3A_27, %mul3A_28 : vector<5120x16xf32>
    %swap3A = arith.constant 0 : index
    %swap3A_30 = arith.constant 0 : index
    %swap3A_31 = vector.load %arg6[%swap3A, %swap3A_30] : memref<5120x16xf32, #tpu.memory_space<vmem>>, vector<5120x16xf32>
    tpu.vector_store %arg6[%swap3A, %swap3A_30], %mul3A_29 {strides = array<i32>} : memref<5120x16xf32, #tpu.memory_space<vmem>>, vector<5120x16xf32>,
    return
  }
  func.func @transform_0(%arg0: i32) -> (i32, i32, i32) {
    %c0_i32 = arith.constant 0 : i32
    %c0_i32_0 = arith.constant 0 : i32
    %c0_i32_1 = arith.constant 0 : i32
    return %c0_i32, %arg0, %c0_i32_0 : i32, i32, i32
  }
  func.func @transform_1(%arg0: i32) -> (i32, i32) {
    %c0_i32 = arith.constant 0 : i32
    %c0_i32_0 = arith.constant 0 : i32
    return %arg0, %c0_i32 : i32, i32
  }
  func.func @transform_2(%arg0: i32) -> (i32, i32) {
    %c0_i32 = arith.constant 0 : i32
    %c0_i32_0 = arith.constant 0 : i32
    return %arg0, %c0_i32 : i32, i32
  }
  func.func @transform_3(%arg0: i32) -> (i32, i32) {
    %c0_i32 = arith.constant 0 : i32
    %c0_i32_0 = arith.constant 0 : i32
    %c0_i32_1 = arith.constant 0 : i32
    return %c0_i32, %c0_i32_0 : i32, i32
  }
  func.func @transform_4(%arg0: i32) -> (i32, i32) {
    %c0_i32 = arith.constant 0 : i32
    %c0_i32_0 = arith.constant 0 : i32
    %c0_i32_1 = arith.constant 0 : i32
    return %c0_i32, %c0_i32_0 : i32, i32
  }
  func.func @transform_5(%arg0: i32) -> (i32, i32) {
    %c0_i32 = arith.constant 0 : i32
    %c0_i32_0 = arith.constant 0 : i32
    return %arg0, %c0_i32 : i32, i32
  }
}

module attributes {stable_mosaic.version = 14 : i64} {
  func.func @_tc_out_body(%arg0: i32, %arg1: memref<2x5120x16xf32, #tpu.memory_space<vmem>>, %arg2: memref<5120x16xf32, #tpu.memory_space<vmem>>, %arg3: memref<5120x16xf32, #tpu.memory_space<vmem>>, %arg4: memref<1x16xf32, #tpu.memory_space<vmem>>, %arg5: memref<5120x16xf32, #tpu.memory_space<vmem>>) attributes {dimension_semantics = [#tpu.dimension_semantics<arbitrary>], iteration_bounds = array<i64: 2>, scalar_prefetch = 0 : i64, scratch_operands = 0 : i64, tpu.core_type = #tpu.core_type<tc>, window_params = [{transform_indices = @transform_0, window_bounds = array<i64: 2, 5120, 16>}, {transform_indices = @transform_1, window_bounds = array<i64: 5120, 16>}, {transform_indices = @transform_2, window_bounds = array<i64: 5120, 16>}, {pipeline_mode = #tpu.pipeline_mode<synchronous>, transform_indices = @transform_3, window_bounds = array<i64: 1, 16>}, {transform_indices = @transform_4, window_bounds = array<i64: 5120, 16>}]} {
    %get3A = arith.constant 0 : index
    %get3A_0 = arith.constant 0 : index
    %get3A_1 = arith.constant 0 : index
    %get3A_2 = vector.load %arg1[%get3A, %get3A_0, %get3A_1] : memref<2x5120x16xf32, #tpu.memory_space<vmem>>, vector<1x5120x16xf32>
    %get3A_3 = vector.shape_cast %get3A_2 : vector<1x5120x16xf32> to vector<5120x16xf32>
    %get3A_4 = arith.constant 1 : index
    %get3A_5 = arith.constant 0 : index
    %get3A_6 = arith.constant 0 : index
    %get3A_7 = vector.load %arg1[%get3A_4, %get3A_5, %get3A_6] : memref<2x5120x16xf32, #tpu.memory_space<vmem>>, vector<1x5120x16xf32>
    %get3A_8 = vector.shape_cast %get3A_7 : vector<1x5120x16xf32> to vector<5120x16xf32>
    %add3A = arith.addf %get3A_3, %get3A_8 : vector<5120x16xf32>
    %get3A_9 = arith.constant 0 : index
    %get3A_10 = arith.constant 0 : index
    %get3A_11 = vector.load %arg2[%get3A_9, %get3A_10] : memref<5120x16xf32, #tpu.memory_space<vmem>>, vector<5120x16xf32>
    %add3A_12 = arith.addf %add3A, %get3A_11 : vector<5120x16xf32>
    %get3A_13 = arith.constant 0 : index
    %get3A_14 = arith.constant 0 : index
    %get3A_15 = vector.load %arg3[%get3A_13, %get3A_14] : memref<5120x16xf32, #tpu.memory_space<vmem>>, vector<5120x1xf32>
    %mul3A = vector.broadcast %get3A_15 : vector<5120x1xf32> to vector<5120x16xf32>
    %mul3A_16 = arith.mulf %add3A_12, %mul3A : vector<5120x16xf32>
    %get3A_17 = arith.constant 0 : index
    %get3A_18 = arith.constant 0 : index
    %get3A_19 = vector.load %arg4[%get3A_17, %get3A_18] : memref<1x16xf32, #tpu.memory_space<vmem>>, vector<1x16xf32>
    %add3A_20 = vector.broadcast %get3A_19 : vector<1x16xf32> to vector<5120x16xf32>
    %add3A_21 = arith.addf %mul3A_16, %add3A_20 : vector<5120x16xf32>
    %swap3A = arith.constant 0 : index
    %swap3A_22 = arith.constant 0 : index
    %swap3A_23 = vector.load %arg5[%swap3A, %swap3A_22] : memref<5120x16xf32, #tpu.memory_space<vmem>>, vector<5120x16xf32>
    tpu.vector_store %arg5[%swap3A, %swap3A_22], %add3A_21 {strides = array<i32>} : memref<5120x16xf32, #tpu.memory_space<vmem>>, vector<5120x16xf32>,
    return
  }
  func.func @transform_0(%arg0: i32) -> (i32, i32, i32) {
    %c0_i32 = arith.constant 0 : i32
    %c0_i32_0 = arith.constant 0 : i32
    %c0_i32_1 = arith.constant 0 : i32
    return %c0_i32, %arg0, %c0_i32_0 : i32, i32, i32
  }
  func.func @transform_1(%arg0: i32) -> (i32, i32) {
    %c0_i32 = arith.constant 0 : i32
    %c0_i32_0 = arith.constant 0 : i32
    return %arg0, %c0_i32 : i32, i32
  }
  func.func @transform_2(%arg0: i32) -> (i32, i32) {
    %c0_i32 = arith.constant 0 : i32
    %c0_i32_0 = arith.constant 0 : i32
    return %arg0, %c0_i32 : i32, i32
  }
  func.func @transform_3(%arg0: i32) -> (i32, i32) {
    %c0_i32 = arith.constant 0 : i32
    %c0_i32_0 = arith.constant 0 : i32
    %c0_i32_1 = arith.constant 0 : i32
    return %c0_i32, %c0_i32_0 : i32, i32
  }
  func.func @transform_4(%arg0: i32) -> (i32, i32) {
    %c0_i32 = arith.constant 0 : i32
    %c0_i32_0 = arith.constant 0 : i32
    return %arg0, %c0_i32 : i32, i32
  }
}

</mosaic_0001>

<sc_bundles>
// kernel: kernel.11.cloned.1.call-start
scs
__scs_entry_jumppad:
0x0: {  	(pc) =	sbr.rel $0x88, $3  }
0x1: {  	(tag) =	ssettag $0x0;
	lr =	simm.s32 $0x1  }
0x2: {  	[smem:$0x3F99] =	sst lr;
	_ =	strace $0xD0000000  }
0x3: {  	_ = 	snop  }
0x4: {  	_ = 	snop  }
0x5: {  	_ = 	snop  }
0x6: {  	_ = 	snop  }
0x7: {  	_ = 	snop  }
__scs_overlays_trampoline_lowered:
0x8: {  	[smem:$0x3FA8] =	sst s0  }
0x9: {  	[smem:$0x3FA9] =	sst s1  }
0xa: {  	[smem:$0x3FAA] =	sst s2  }
0xb: {  	[smem:$0x3FAB] =	sst s3  }
0xc: {  	[smem:$0x3FAC] =	sst s4  }
0xd: {  	[smem:$0x3FAD] =	sst s5  }
0xe: {  	[smem:$0x3FAE] =	sst s6  }
0xf: {  	[smem:$0x3FAF] =	sst s7  }
0x10: {  	[smem:$0x3FB0] =	sst s8  }
0x11: {  	[smem:$0x3FB1] =	sst s9;
	s0 =	simm.s32 @!p0 $0x0  }
0x12: {  	s1 =	sld [smem:$0x3F97];
	s0 =	simm.s32 @p0 $0x1  }
0x13: {  	[smem:$0x3FB2] =	sst s0;
	s0 =	simm.s32 @!p1 $0x0  }
0x14: {  	s2 =	sld [smem:$0x3F96];
	s0 =	simm.s32 @p1 $0x1  }
0x15: {  	[smem:$0x3FB3] =	sst s0;
	s0 =	simm.s32 @!p2 $0x0  }
0x16: {  	s3 =	sld [smem:$0x3FDB];
	s0 =	simm.s32 @p2 $0x1  }
0x17: {  	s4 =	simm.s32 $0x1BF5;
	[smem:$0x3FB5] =	sst s0  }
0x18: {  	s0 =	sld [smem:$0x3F98];
	_ =	swait.ge [sflag:s4], $0x0  }
0x19: {  	s7 =	sld [smem:$0x3F99]  }
0x1a: {  	s8 =	sadd.s32 $0xFFFFE003, lr  }
0x1b: {  	s9 =	sadd.s32 $0xFFFFFEF7, lr;
	s5 =	simm.s32 $0xFFFFFFFF;
	p2 =	slt.u32 s8, $0xFFFFF086  }
0x1c: {  	p1 =	slt.u32 s9, $0xF7A;
	s5 =	simm.s32 @!p2 $0x0  }
0x1d: {  	s5 =	simm.s32 @p1 $0x1;
	p0 =	seq.s32 s7, s2  }
0x1e: {  	s7 =	smul.u32 @!p0 $0xF7A, s2;
	p2 =	seq.s32 @!p0 s5, $0x0  }
0x1f: {  	s9 =	smul.u32 $0xF7A, s1;
	s8 =	simm.s32 @!p0 $0x1BF5;
	p2 =	por !p2, p0  }
0x20: {  	[sflag:s8] =	ssyncset.s32 @!p0 $0xFFFFF086;
	s6 =	sadd.s32 @!p0 s3, s7;
	s7 =	simm.s32 @!p0 $0x108  }
0x21: {  	s3 =	sadd.s32 s3, s9;
	s6 =	sadd.s32 @!p0 $0x88, s6;
	s7 =	simm.s32 @p2 $0x1082  }
0x22: {  	[simem:s7], [sflag:s8] =	dma.local @!p0 [hbm:s6], $0xF7A  }
0x23: {  	s9 =	sor.u32 $0xD0000000, s2;
	s6 =	simm.s32 $0x108;
	_ =	swait.ge @!p0 [sflag:s8], $0x0  }
0x24: {  	s3 =	sadd.s32 $0x88, s3;
	s6 =	simm.s32 @!p1 $0x1082;
	[sflag:s4] =	ssyncset.s32 $0xFFFFF086  }
0x25: {  	[simem:s6], [sflag:s4] =	dma.local [hbm:s3], $0xF7A  }
0x26: {  	[smem:$0x3F99] =	sst s1;
	(tag) =	ssettag s2;
	_ =	strace s9  }
0x27: {  	s1 =	sld [smem:$0x3FA9]  }
0x28: {  	s2 =	sld [smem:$0x3FAA]  }
0x29: {  	s4 =	sld [smem:$0x3FAC]  }
0x2a: {  	p0 =	seq.s32 s5, $0x0;
	s5 =	sld [smem:$0x3FAD]  }
0x2b: {  	s6 =	sld [smem:$0x3FAE]  }
0x2c: {  	s7 =	sld [smem:$0x3FAF]  }
0x2d: {  	s3 =	simm.s32 $0x108;
	s8 =	sld [smem:$0x3FB0]  }
0x2e: {  	s3 =	simm.s32 @!p0 $0x1082;
	s9 =	sld [smem:$0x3FB1]  }
0x2f: {  	lr =	sadd.s32 s0, s3;
	s0 =	sld [smem:$0x3FA8]  }
0x30: {  	s3 =	sld [smem:$0x3FAB]  }
0x31: {  	[smem:$0x3FB4] =	sst s10  }
0x32: {  	s10 =	sld [smem:$0x3FB2];
	_ =	sdelay $0x3  }
0x33: {  	p0 =	seq.s32 s10, $0x1;
	s10 =	sld [smem:$0x3FB4];
	_ =	sdelay $0x3  }
0x34: {  	[smem:$0x3FB4] =	sst s10  }
0x35: {  	s10 =	sld [smem:$0x3FB3];
	_ =	sdelay $0x3  }
0x36: {  	p1 =	seq.s32 s10, $0x1;
	s10 =	sld [smem:$0x3FB4];
	_ =	sdelay $0x3  }
0x37: {  	[smem:$0x3FB4] =	sst s10  }
0x38: {  	s10 =	sld [smem:$0x3FB5]  }
0x39: {  	_ = 	snop;
	(pc) =	sbr.ind lr, $3  }
0x3a: {  	_ = 	snop  }
0x3b: {  	_ = 	snop  }
0x3c: {  	p2 =	seq.s32 s10, $0x1;
	s10 =	sld [smem:$0x3FB4]  }
0x3d: {  	_ =	shalt  }
0x3e: {  	_ =	shalt  }
0x3f: {  	_ =	shalt  }
0x40: {  	_ =	shalt  }
0x41: {  	_ =	shalt  }
0x42: {  	_ =	shalt  }
0x43: {  	_ =	shalt  }
0x44: {  	_ =	shalt  }
0x45: {  	_ =	shalt  }
0x46: {  	_ =	shalt  }
0x47: {  	_ =	shalt  }
0x48: {  	_ =	shalt  }
0x49: {  	_ =	shalt  }
0x4a: {  	_ =	shalt  }
0x4b: {  	_ =	shalt  }
0x4c: {  	_ =	shalt  }
0x4d: {  	_ =	shalt  }
0x4e: {  	_ =	shalt  }
0x4f: {  	_ =	shalt  }
0x50: {  	_ =	shalt  }
0x51: {  	_ =	shalt  }
0x52: {  	_ =	shalt  }
0x53: {  	_ =	shalt  }
0x54: {  	_ =	shalt  }
0x55: {  	_ =	shalt  }
0x56: {  	_ =	shalt  }
0x57: {  	_ =	shalt  }
0x58: {  	_ =	shalt  }
0x59: {  	_ =	shalt  }
0x5a: {  	_ =	shalt  }
0x5b: {  	_ =	shalt  }
0x5c: {  	_ =	shalt  }
0x5d: {  	_ =	shalt  }
0x5e: {  	_ =	shalt  }
0x5f: {  	_ =	shalt  }
0x60: {  	_ =	shalt  }
0x61: {  	_ =	shalt  }
0x62: {  	_ =	shalt  }
0x63: {  	_ =	shalt  }
0x64: {  	_ =	shalt  }
0x65: {  	_ =	shalt  }
0x66: {  	_ =	shalt  }
0x67: {  	_ =	shalt  }
0x68: {  	_ =	shalt  }
0x69: {  	_ =	shalt  }
0x6a: {  	_ =	shalt  }
0x6b: {  	_ =	shalt  }
0x6c: {  	_ =	shalt  }
0x6d: {  	_ =	shalt  }
0x6e: {  	_ =	shalt  }
0x6f: {  	_ =	shalt  }
0x70: {  	_ =	shalt  }
0x71: {  	_ =	shalt  }
0x72: {  	_ =	shalt  }
0x73: {  	_ =	shalt  }
0x74: {  	_ =	shalt  }
0x75: {  	_ =	shalt  }
0x76: {  	_ =	shalt  }
0x77: {  	_ =	shalt  }
0x78: {  	_ =	shalt  }
0x79: {  	_ =	shalt  }
0x7a: {  	_ =	shalt  }
0x7b: {  	_ =	shalt  }
0x7c: {  	_ =	shalt  }
0x7d: {  	_ =	shalt  }
0x7e: {  	_ =	shalt  }
0x7f: {  	_ =	shalt  }
0x80: {  	_ =	shalt  }
0x81: {  	_ =	shalt  }
0x82: {  	_ =	shalt  }
0x83: {  	_ =	shalt  }
0x84: {  	_ =	shalt  }
0x85: {  	_ =	shalt  }
0x86: {  	_ =	shalt  }
0x87: {  	_ =	shalt  }
.Lfunc_end0:
.L_simem_size_0:
called_computation_lowered:
.L_overlay_start_0:
0x88: {  	s2 =	sld [smem:$0x3FD9]  }
0x89: {  	s3 =	sld [smem:$0x3FFE];
	_ =	sdelay $0x1  }
0x8a: {  	s1 =	srdreg.scid  }
0x8b: {  	s0 =	sand.u32 $0x1, s1  }
0x8c: {  	s17 =	sshll.u32 s0, $0xA;
	s2 =	sadd.s32 s3, s2  }
0x8d: {  	s2 =	sadd.s32 s2, s17  }
0x8e: {  	[smem:$0x3FC0] =	sst s2  }
0x8f: {  	_ = 	snop  }
0x90: {  	s2 =	sld [smem:$0x3FD0];
	(tm) =	ssettm $0x1  }
0x91: {  	s18 =	sld [smem:$0x3FFB];
	_ =	sdelay $0x3  }
0x92: {  	_ =	strace s18  }
0x93: {  	s3 =	sld [smem:$0x3FFC];
	_ =	sdelay $0x3  }
0x94: {  	_ =	strace s3  }
0x95: {  	s3 =	sld [smem:$0x3FFD];
	_ =	sdelay $0x3  }
0x96: {  	_ =	strace s3  }
0x97: {  	_ =	strace $0x8FFFFFFF  }
0x98: {  	s19 =	sld [smem:$0x3FDB];
	_ =	sdelay $0x1  }
0x99: {  	s4 =	simm.s32 $_scs_section_size  }
0x9a: {  	s5 =	simm.s32 $_size__tile_overlayer_lowered;
	s6 =	simm.s32 $_tile_overlayer_lowered  }
0x9b: {  	s22 =	simm.s32 $0x1BFF;
	s21 =	sshll.u32 s6, $0x1;
	s3 =	sadd.s32 s4, s19  }
0x9c: {  	s7 =	simm.s32 $0x0;
	s20 =	sshll.u32 s5, $0x1;
	s5 =	sadd.s32 s21, s3  }
0x9d: {  	[timem:s7], [sflag:s22] =	dma.local [hbm:s5], s20  }
0x9e: {  	_ =	swait.ge [sflag:s22], s20  }
0x9f: {  	s4 =	ssub.s32 $0x0, s20;
	[sflag:s22] =	ssyncset.done $0x0  }
0xa0: {  	[sflag:s22] =	ssyncadd.s32 s4;
	_ =	sdelay $0x1  }
0xa1: {  	s23 =	simm.s32 $0x1B8B  }
0xa2: {  	_ =	swait.ge [sflag:s23], $0x1  }
0xa3: {  	[sflag:s23] =	ssyncset.done $0x0  }
0xa4: {  	s25 =	simm.s32 $0x1B8E;
	s24 =	sld [smem:$0x3FFE];
	[sflag:s23] =	ssyncadd.s32 $0xFFFFFFFF  }
0xa5: {  	s26 =	simm.s32 $execute0_lowered;
	[smem:$0x3FD2] =	sst s25  }
0xa6: {  	s5 =	sshll.u32 s26, $0x1;
	_ =	strace $0x80000046;
	[dreg:$0x1] =	wrdreg $0xFFFFFFFF  }
0xa7: {  	s28 =	simm.s32 $_size_execute0_lowered;
	s3 =	sadd.s32 s3, s5;
	[dreg:$0x0] =	wrdreg $0x0  }
0xa8: {  	s5 =	sshll.u32 s28, $0x1;
	[dreg:$0x2] =	wrdreg s3  }
0xa9: {  	[dreg:$0x3] =	wrdreg s5  }
0xaa: {  	[dreg:$0x4] =	wrdreg $0xC0  }
0xab: {  	_ =	task [dreg:s7], $0x5FFFF  }
0xac: {  	[dreg:$0x1] =	wrdreg $0xFFFFFFFF  }
0xad: {  	[dreg:$0x0] =	wrdreg $0x60  }
0xae: {  	[dreg:$0x2] =	wrdreg s24  }
0xaf: {  	[dreg:$0x3] =	wrdreg s2  }
0xb0: {  	[dreg:$0x4] =	wrdreg $0x48000  }
0xb1: {  	[dreg:$0x5] =	wrdreg $0x9  }
0xb2: {  	_ =	task.clear_ibuf [dreg:s7], $0x6FFFF;
	_ =	strace $0x90000046  }
0xb3: {  	s29 =	simm.s32 $0x9;
	_ =	strace $0x80000048  }
0xb4: {  	_ =	swait.ge [sflag:s29], $0x1  }
0xb5: {  	[sflag:s29] =	ssyncadd.s32 $0xFFFFFFFF  }
0xb6: {  	_ =	strace $0x90000048  }
0xb7: {  	_ =	sfence  }
0xb8: {  	s30 =	sld [smem:$0x0];
	_ =	sdelay $0x2  }
0xb9: {  	s31 =	sshll.u32 s1, $0xD;
	s1 =	sshrl.u32 s1, $0x2  }
0xba: {  	s3 =	sand.u32 $0x4000, s31;
	s1 =	sadd.s32 s1, s30  }
0xbb: {  	s0 =	sor.u32 s3, s0;
	s1 =	sshll.u32 s1, $0x11  }
0xbc: {  	s0 =	sor.u32 s1, s0  }
0xbd: {  	s0 =	sadd.s32 $0x8F2B, s0  }
0xbe: {  	[sflag:s0] =	ssyncadd.remote.s32 $0x1  }
0xbf: {  	_ =	sfence.sel $0xFFFF  }
0xc0: {  	[dreg:$0x0] =	wrdreg $0xFFFFFFFF;
	(pc) =	sbr.abs _section_cstart, $3  }
0xc1: {  	[dreg:$0x1] =	wrdreg $0xFFFFFFFF  }
0xc2: {  	_ =	task.clear_ibuf [dreg:s7], $0x2FFFF;
	_ =	strace $0x9FFFFFFF  }
0xc3: {  	(tm) =	ssettm $0x7FFFFFFF  }
tec
execute0_lowered:
.L_overlay_start_1:
0x0: {  	(tag) =	ssettag $0x1  }
0x1: {  	s30 =	rddreg [dreg:$0x0]  }
0x2: {  	s0 =	rddreg [dreg:$0x1];
	s24 =	stileid.u32  }
0x3: {  	s2 =	rddreg [dreg:$0x2];
	s26 =	srdreg.scid  }
0x4: {  	s3 =	simm.s32 $0x0;
	[dreg:$0x4] =	wrdreg s0;
	s31 =	smul.u32 $0x2800, s24  }
0x5: {  	[smem:$0x7FF] =	sst s3;
	s25 =	sshll.u32 s24, $0x6;
	s8 =	sshll.u32 s24, $0x1  }
0x6: {  	_ =	strace $0x80000047;
	s1 =	sshrl.u32 s31, $0x3;
	s6 =	sadd.s32 s31, s2  }
0x7: {  	s5 =	sor.u32 $0x1C01, s25;
	s1 =	sadd.s32 s1, s30;
	s7 =	sshrl.u32 s6, $0x3  }
0x8: {  	s6 =	simm.s32 $0x1;
	s4 =	sadd.s32 $0xC000, s1;
	s1 =	sand.u32 $0x1, s26  }
0x9: {  	[spmem:s7], [sflag:s5] =	dma.local [hbm:s4], $0x500  }
0xa: {  	s8 =	sor.u32 s1, s8;
	_ =	swait.ge [sflag:s6], $0x500  }
0xb: {  	s10 =	smul.u32 $0x500, s8;
	[sflag:s6] =	ssyncset.done $0x0  }
0xc: {  	s8 =	simm.s32 $0x2800;
	s9 =	rddreg [dreg:$0x4];
	[sflag:s6] =	ssyncadd.s32 $0xFFFFFB00  }
0xd: {  	[tilespmem:s8], [sflag:$0x1] =	stream.linear.gather [hbm4b:s9+s3], $0x2000, $0x38;
	[tilespmem:$0x7000] =	vst v63  }
0xe: {  	_ =	swait.ge [sflag:s6], $0x2000  }
0xf: {  	s0 =	sadd.s32 s10, s30;
	[sflag:s6] =	ssyncset.done $0x0  }
0x10: {  	s9 =	sadd.s32 $0x2000, s0;
	[sflag:s6] =	ssyncadd.s32 $0xFFFFE000  }
0x11: {  	[tilespmem:s3], [sflag:$0x1] =	stream.linear.gather [hbm4b:s9+s3], $0x2800, $0x38;
	[tilespmem:$0x7000] =	vst v63  }
0x12: {  	_ =	swait.ge [sflag:s6], $0x2800  }
0x13: {  	[sflag:s6] =	ssyncset.done $0x0  }
0x14: {  	[sflag:s6] =	ssyncadd.s32 $0xFFFFD800  }
0x15: {  	s10 =	simm.s32 $0x200;
	[bflag:$0x0] =	sbarrier.arrive $0xFFFF  }
0x16: {  	[spmem:s2] =	stream.indirect.scatter.add.f32 [tilespmem:s8], [sflag:$0x1], $0x10, s3, s10, $0xb8;
	[tilespmem:$0x7000] =	vst v63  }
0x17: {  	_ =	swait.ge [sflag:s6], $0x2000  }
0x18: {  	[sflag:s6] =	ssyncset.done $0x0  }
0x19: {  	[sflag:s6] =	ssyncadd.s32 $0xFFFFE000  }
0x1a: {  	[spmem:s2] =	stream.indirect.scatter.add.f32 [tilespmem:s8], [sflag:$0x1], $0x10, s10, s10, $0xb8;
	[tilespmem:$0x7000] =	vst v63  }
0x1b: {  	_ =	swait.ge [sflag:s6], $0x2000  }
0x1c: {  	[sflag:s6] =	ssyncset.done $0x0  }
0x1d: {  	s11 =	simm.s32 $0x400;
	[sflag:s6] =	ssyncadd.s32 $0xFFFFE000  }
0x1e: {  	[spmem:s2] =	stream.indirect.scatter.add.f32 [tilespmem:s8], [sflag:$0x1], $0x10, s11, s10, $0xb8;
	[tilespmem:$0x7000] =	vst v63  }
0x1f: {  	_ =	swait.ge [sflag:s6], $0x2000  }
0x20: {  	[sflag:s6] =	ssyncset.done $0x0  }
0x21: {  	s12 =	simm.s32 $0x600;
	[sflag:s6] =	ssyncadd.s32 $0xFFFFE000  }
0x22: {  	[spmem:s2] =	stream.indirect.scatter.add.f32 [tilespmem:s8], [sflag:$0x1], $0x10, s12, s10, $0xb8;
	[tilespmem:$0x7000] =	vst v63  }
0x23: {  	_ =	swait.ge [sflag:s6], $0x2000  }
0x24: {  	[sflag:s6] =	ssyncset.done $0x0  }
0x25: {  	s13 =	simm.s32 $0x800;
	[sflag:s6] =	ssyncadd.s32 $0xFFFFE000  }
0x26: {  	[spmem:s2] =	stream.indirect.scatter.add.f32 [tilespmem:s8], [sflag:$0x1], $0x10, s13, s10, $0xb8;
	[tilespmem:$0x7000] =	vst v63  }
0x27: {  	_ =	swait.ge [sflag:s6], $0x2000  }
0x28: {  	[sflag:s6] =	ssyncset.done $0x0  }
0x29: {  	s14 =	simm.s32 $0xA00;
	[sflag:s6] =	ssyncadd.s32 $0xFFFFE000  }
0x2a: {  	[spmem:s2] =	stream.indirect.scatter.add.f32 [tilespmem:s8], [sflag:$0x1], $0x10, s14, s10, $0xb8;
	[tilespmem:$0x7000] =	vst v63  }
0x2b: {  	_ =	swait.ge [sflag:s6], $0x2000  }
0x2c: {  	[sflag:s6] =	ssyncset.done $0x0  }
0x2d: {  	s15 =	simm.s32 $0xC00;
	[sflag:s6] =	ssyncadd.s32 $0xFFFFE000  }
0x2e: {  	[spmem:s2] =	stream.indirect.scatter.add.f32 [tilespmem:s8], [sflag:$0x1], $0x10, s15, s10, $0xb8;
	[tilespmem:$0x7000] =	vst v63  }
0x2f: {  	_ =	swait.ge [sflag:s6], $0x2000  }
0x30: {  	[sflag:s6] =	ssyncset.done $0x0  }
0x31: {  	s16 =	simm.s32 $0xE00;
	[sflag:s6] =	ssyncadd.s32 $0xFFFFE000  }
0x32: {  	[spmem:s2] =	stream.indirect.scatter.add.f32 [tilespmem:s8], [sflag:$0x1], $0x10, s16, s10, $0xb8;
	[tilespmem:$0x7000] =	vst v63  }
0x33: {  	_ =	swait.ge [sflag:s6], $0x2000  }
0x34: {  	[sflag:s6] =	ssyncset.done $0x0  }
0x35: {  	s17 =	simm.s32 $0x1000;
	[sflag:s6] =	ssyncadd.s32 $0xFFFFE000  }
0x36: {  	[spmem:s2] =	stream.indirect.scatter.add.f32 [tilespmem:s8], [sflag:$0x1], $0x10, s17, s10, $0xb8;
	[tilespmem:$0x7000] =	vst v63  }
0x37: {  	_ =	swait.ge [sflag:s6], $0x2000  }
0x38: {  	[sflag:s6] =	ssyncset.done $0x0  }
0x39: {  	s18 =	simm.s32 $0x1200;
	[sflag:s6] =	ssyncadd.s32 $0xFFFFE000  }
0x3a: {  	[spmem:s2] =	stream.indirect.scatter.add.f32 [tilespmem:s8], [sflag:$0x1], $0x10, s18, s10, $0xb8;
	[tilespmem:$0x7000] =	vst v63  }
0x3b: {  	_ =	swait.ge [sflag:s6], $0x2000  }
0x3c: {  	[sflag:s6] =	ssyncset.done $0x0  }
0x3d: {  	s19 =	simm.s32 $0x1400;
	[sflag:s6] =	ssyncadd.s32 $0xFFFFE000  }
0x3e: {  	[spmem:s2] =	stream.indirect.scatter.add.f32 [tilespmem:s8], [sflag:$0x1], $0x10, s19, s10, $0xb8;
	[tilespmem:$0x7000] =	vst v63  }
0x3f: {  	_ =	swait.ge [sflag:s6], $0x2000  }
0x40: {  	[sflag:s6] =	ssyncset.done $0x0  }
0x41: {  	s20 =	simm.s32 $0x1600;
	[sflag:s6] =	ssyncadd.s32 $0xFFFFE000  }
0x42: {  	[spmem:s2] =	stream.indirect.scatter.add.f32 [tilespmem:s8], [sflag:$0x1], $0x10, s20, s10, $0xb8;
	[tilespmem:$0x7000] =	vst v63  }
0x43: {  	_ =	swait.ge [sflag:s6], $0x2000  }
0x44: {  	[sflag:s6] =	ssyncset.done $0x0  }
0x45: {  	s21 =	simm.s32 $0x1800;
	[sflag:s6] =	ssyncadd.s32 $0xFFFFE000  }
0x46: {  	[spmem:s2] =	stream.indirect.scatter.add.f32 [tilespmem:s8], [sflag:$0x1], $0x10, s21, s10, $0xb8;
	[tilespmem:$0x7000] =	vst v63  }
0x47: {  	_ =	swait.ge [sflag:s6], $0x2000  }
0x48: {  	[sflag:s6] =	ssyncset.done $0x0  }
0x49: {  	s22 =	simm.s32 $0x1A00;
	[sflag:s6] =	ssyncadd.s32 $0xFFFFE000  }
0x4a: {  	[spmem:s2] =	stream.indirect.scatter.add.f32 [tilespmem:s8], [sflag:$0x1], $0x10, s22, s10, $0xb8;
	[tilespmem:$0x7000] =	vst v63  }
0x4b: {  	_ =	swait.ge [sflag:s6], $0x2000  }
0x4c: {  	[sflag:s6] =	ssyncset.done $0x0  }
0x4d: {  	s23 =	simm.s32 $0x1C00;
	[sflag:s6] =	ssyncadd.s32 $0xFFFFE000  }
0x4e: {  	[spmem:s2] =	stream.indirect.scatter.add.f32 [tilespmem:s8], [sflag:$0x1], $0x10, s23, s10, $0xb8;
	[tilespmem:$0x7000] =	vst v63  }
0x4f: {  	_ =	swait.ge [sflag:s6], $0x2000  }
0x50: {  	[sflag:s6] =	ssyncset.done $0x0  }
0x51: {  	s24 =	simm.s32 $0x1E00;
	[sflag:s6] =	ssyncadd.s32 $0xFFFFE000  }
0x52: {  	[spmem:s2] =	stream.indirect.scatter.add.f32 [tilespmem:s8], [sflag:$0x1], $0x10, s24, s10, $0xb8;
	[tilespmem:$0x7000] =	vst v63  }
0x53: {  	_ =	swait.ge [sflag:s6], $0x2000  }
0x54: {  	[sflag:s6] =	ssyncset.done $0x0  }
0x55: {  	s25 =	simm.s32 $0x2000;
	[sflag:s6] =	ssyncadd.s32 $0xFFFFE000  }
0x56: {  	[spmem:s2] =	stream.indirect.scatter.add.f32 [tilespmem:s8], [sflag:$0x1], $0x10, s25, s10, $0xb8;
	[tilespmem:$0x7000] =	vst v63  }
0x57: {  	_ =	swait.ge [sflag:s6], $0x2000  }
0x58: {  	[sflag:s6] =	ssyncset.done $0x0  }
0x59: {  	s26 =	simm.s32 $0x2200;
	[sflag:s6] =	ssyncadd.s32 $0xFFFFE000  }
0x5a: {  	[spmem:s2] =	stream.indirect.scatter.add.f32 [tilespmem:s8], [sflag:$0x1], $0x10, s26, s10, $0xb8;
	[tilespmem:$0x7000] =	vst v63  }
0x5b: {  	_ =	swait.ge [sflag:s6], $0x2000  }
0x5c: {  	[sflag:s6] =	ssyncset.done $0x0  }
0x5d: {  	s28 =	simm.s32 $0x2400;
	s0 =	smul.u32 $0x28000, s1;
	[sflag:s6] =	ssyncadd.s32 $0xFFFFE000  }
0x5e: {  	[spmem:s2] =	stream.indirect.scatter.add.f32 [tilespmem:s8], [sflag:$0x1], $0x10, s28, s10, $0xb8;
	[tilespmem:$0x7000] =	vst v63  }
0x5f: {  	s1 =	ssub.s32 $0x2, s1;
	_ =	swait.ge [sflag:s6], $0x2000  }
0x60: {  	s0 =	sadd.s32 s31, s0;
	s31 =	sshrl.u32 s1, $0x1;
	[sflag:s6] =	ssyncset.done $0x0  }
0x61: {  	s29 =	simm.s32 $0x2600;
	s1 =	ssub.s32 s1, s31;
	[sflag:s6] =	ssyncadd.s32 $0xFFFFE000  }
0x62: {  	[spmem:s2] =	stream.indirect.scatter.add.f32 [tilespmem:s8], [sflag:$0x1], $0x10, s29, s10, $0xb8;
	[tilespmem:$0x7000] =	vst v63  }
0x63: {  	s1 =	smax.u32 s1, $0x1;
	_ =	swait.ge [sflag:s6], $0x2000  }
0x64: {  	s0 =	sshrl.u32 s0, $0x3;
	p0 =	sne.s32 s1, $0x1;
	[sflag:s6] =	ssyncset.done $0x0  }
.Ltmp0:
0x65: {  	s0 =	sadd.s32 s0, s30;
	[sflag:s6] =	ssyncadd.s32 $0xFFFFE000;
	(pc) =	sbr.rel @!p0 .LBB2_2-.Ltmp0, $4  }
0x66: {  	s30 =	sadd.s32 $0x11000, s0;
	[bflag:$0x0] =	sbarrier.arrive $0xFFFF  }
0x67: {  	[hbm:s30], [sflag:s5] =	dma.local [spmem:s7], $0x500  }
0x68: {  	_ =	swait.ge [sflag:s6], $0x500  }
0x69: {  	s31 =	sadd.s32 $0xFFFFFFFF, s1;
	[sflag:s6] =	ssyncset.done $0x0  }
.LBB2_1:
0x6a: {  	[sflag:s6] =	ssyncadd.s32 $0xFFFFFB00  }
0x6b: {  	[spmem:s7], [sflag:s5] =	dma.local [hbm:s4], $0x500  }
0x6c: {  	_ =	swait.ge [sflag:s6], $0x500  }
0x6d: {  	[sflag:s6] =	ssyncset.done $0x0  }
0x6e: {  	s0 =	rddreg [dreg:$0x4];
	[sflag:s6] =	ssyncadd.s32 $0xFFFFFB00  }
0x6f: {  	[tilespmem:s8], [sflag:$0x1] =	stream.linear.gather [hbm4b:s0+s3], $0x2000, $0x38;
	[tilespmem:$0x7000] =	vst v63  }
0x70: {  	_ =	swait.ge [sflag:s6], $0x2000  }
0x71: {  	[sflag:s6] =	ssyncset.done $0x0  }
0x72: {  	[sflag:s6] =	ssyncadd.s32 $0xFFFFE000  }
0x73: {  	[tilespmem:s3], [sflag:$0x1] =	stream.linear.gather [hbm4b:s9+s3], $0x2800, $0x38;
	[tilespmem:$0x7000] =	vst v63  }
0x74: {  	_ =	swait.ge [sflag:s6], $0x2800  }
0x75: {  	[sflag:s6] =	ssyncset.done $0x0  }
0x76: {  	[sflag:s6] =	ssyncadd.s32 $0xFFFFD800  }
0x77: {  	[bflag:$0x0] =	sbarrier.arrive $0xFFFF  }
0x78: {  	[spmem:s2] =	stream.indirect.scatter.add.f32 [tilespmem:s8], [sflag:$0x1], $0x10, s3, s10, $0xb8;
	[tilespmem:$0x7000] =	vst v63  }
0x79: {  	_ =	swait.ge [sflag:s6], $0x2000  }
0x7a: {  	[sflag:s6] =	ssyncset.done $0x0  }
0x7b: {  	[sflag:s6] =	ssyncadd.s32 $0xFFFFE000  }
0x7c: {  	[spmem:s2] =	stream.indirect.scatter.add.f32 [tilespmem:s8], [sflag:$0x1], $0x10, s10, s10, $0xb8;
	[tilespmem:$0x7000] =	vst v63  }
0x7d: {  	_ =	swait.ge [sflag:s6], $0x2000  }
0x7e: {  	[sflag:s6] =	ssyncset.done $0x0  }
0x7f: {  	[sflag:s6] =	ssyncadd.s32 $0xFFFFE000  }
0x80: {  	[spmem:s2] =	stream.indirect.scatter.add.f32 [tilespmem:s8], [sflag:$0x1], $0x10, s11, s10, $0xb8;
	[tilespmem:$0x7000] =	vst v63  }
0x81: {  	_ =	swait.ge [sflag:s6], $0x2000  }
0x82: {  	[sflag:s6] =	ssyncset.done $0x0  }
0x83: {  	[sflag:s6] =	ssyncadd.s32 $0xFFFFE000  }
0x84: {  	[spmem:s2] =	stream.indirect.scatter.add.f32 [tilespmem:s8], [sflag:$0x1], $0x10, s12, s10, $0xb8;
	[tilespmem:$0x7000] =	vst v63  }
0x85: {  	_ =	swait.ge [sflag:s6], $0x2000  }
0x86: {  	[sflag:s6] =	ssyncset.done $0x0  }
0x87: {  	[sflag:s6] =	ssyncadd.s32 $0xFFFFE000  }
0x88: {  	[spmem:s2] =	stream.indirect.scatter.add.f32 [tilespmem:s8], [sflag:$0x1], $0x10, s13, s10, $0xb8;
	[tilespmem:$0x7000] =	vst v63  }
0x89: {  	_ =	swait.ge [sflag:s6], $0x2000  }
0x8a: {  	[sflag:s6] =	ssyncset.done $0x0  }
0x8b: {  	[sflag:s6] =	ssyncadd.s32 $0xFFFFE000  }
0x8c: {  	[spmem:s2] =	stream.indirect.scatter.add.f32 [tilespmem:s8], [sflag:$0x1], $0x10, s14, s10, $0xb8;
	[tilespmem:$0x7000] =	vst v63  }
0x8d: {  	_ =	swait.ge [sflag:s6], $0x2000  }
0x8e: {  	[sflag:s6] =	ssyncset.done $0x0  }
0x8f: {  	[sflag:s6] =	ssyncadd.s32 $0xFFFFE000  }
0x90: {  	[spmem:s2] =	stream.indirect.scatter.add.f32 [tilespmem:s8], [sflag:$0x1], $0x10, s15, s10, $0xb8;
	[tilespmem:$0x7000] =	vst v63  }
0x91: {  	_ =	swait.ge [sflag:s6], $0x2000  }
0x92: {  	[sflag:s6] =	ssyncset.done $0x0  }
0x93: {  	[sflag:s6] =	ssyncadd.s32 $0xFFFFE000  }
0x94: {  	[spmem:s2] =	stream.indirect.scatter.add.f32 [tilespmem:s8], [sflag:$0x1], $0x10, s16, s10, $0xb8;
	[tilespmem:$0x7000] =	vst v63  }
0x95: {  	_ =	swait.ge [sflag:s6], $0x2000  }
0x96: {  	[sflag:s6] =	ssyncset.done $0x0  }
0x97: {  	[sflag:s6] =	ssyncadd.s32 $0xFFFFE000  }
0x98: {  	[spmem:s2] =	stream.indirect.scatter.add.f32 [tilespmem:s8], [sflag:$0x1], $0x10, s17, s10, $0xb8;
	[tilespmem:$0x7000] =	vst v63  }
0x99: {  	_ =	swait.ge [sflag:s6], $0x2000  }
0x9a: {  	[sflag:s6] =	ssyncset.done $0x0  }
0x9b: {  	[sflag:s6] =	ssyncadd.s32 $0xFFFFE000  }
0x9c: {  	[spmem:s2] =	stream.indirect.scatter.add.f32 [tilespmem:s8], [sflag:$0x1], $0x10, s18, s10, $0xb8;
	[tilespmem:$0x7000] =	vst v63  }
0x9d: {  	_ =	swait.ge [sflag:s6], $0x2000  }
0x9e: {  	[sflag:s6] =	ssyncset.done $0x0  }
0x9f: {  	[sflag:s6] =	ssyncadd.s32 $0xFFFFE000  }
0xa0: {  	[spmem:s2] =	stream.indirect.scatter.add.f32 [tilespmem:s8], [sflag:$0x1], $0x10, s19, s10, $0xb8;
	[tilespmem:$0x7000] =	vst v63  }
0xa1: {  	_ =	swait.ge [sflag:s6], $0x2000  }
0xa2: {  	[sflag:s6] =	ssyncset.done $0x0  }
0xa3: {  	[sflag:s6] =	ssyncadd.s32 $0xFFFFE000  }
0xa4: {  	[spmem:s2] =	stream.indirect.scatter.add.f32 [tilespmem:s8], [sflag:$0x1], $0x10, s20, s10, $0xb8;
	[tilespmem:$0x7000] =	vst v63  }
0xa5: {  	_ =	swait.ge [sflag:s6], $0x2000  }
0xa6: {  	[sflag:s6] =	ssyncset.done $0x0  }
0xa7: {  	[sflag:s6] =	ssyncadd.s32 $0xFFFFE000  }
0xa8: {  	[spmem:s2] =	stream.indirect.scatter.add.f32 [tilespmem:s8], [sflag:$0x1], $0x10, s21, s10, $0xb8;
	[tilespmem:$0x7000] =	vst v63  }
0xa9: {  	_ =	swait.ge [sflag:s6], $0x2000  }
0xaa: {  	[sflag:s6] =	ssyncset.done $0x0  }
0xab: {  	[sflag:s6] =	ssyncadd.s32 $0xFFFFE000  }
0xac: {  	[spmem:s2] =	stream.indirect.scatter.add.f32 [tilespmem:s8], [sflag:$0x1], $0x10, s22, s10, $0xb8;
	[tilespmem:$0x7000] =	vst v63  }
0xad: {  	_ =	swait.ge [sflag:s6], $0x2000  }
0xae: {  	[sflag:s6] =	ssyncset.done $0x0  }
0xaf: {  	[sflag:s6] =	ssyncadd.s32 $0xFFFFE000  }
0xb0: {  	[spmem:s2] =	stream.indirect.scatter.add.f32 [tilespmem:s8], [sflag:$0x1], $0x10, s23, s10, $0xb8;
	[tilespmem:$0x7000] =	vst v63  }
0xb1: {  	_ =	swait.ge [sflag:s6], $0x2000  }
0xb2: {  	[sflag:s6] =	ssyncset.done $0x0  }
0xb3: {  	[sflag:s6] =	ssyncadd.s32 $0xFFFFE000  }
0xb4: {  	[spmem:s2] =	stream.indirect.scatter.add.f32 [tilespmem:s8], [sflag:$0x1], $0x10, s24, s10, $0xb8;
	[tilespmem:$0x7000] =	vst v63  }
0xb5: {  	_ =	swait.ge [sflag:s6], $0x2000  }
0xb6: {  	[sflag:s6] =	ssyncset.done $0x0  }
0xb7: {  	[sflag:s6] =	ssyncadd.s32 $0xFFFFE000  }
0xb8: {  	[spmem:s2] =	stream.indirect.scatter.add.f32 [tilespmem:s8], [sflag:$0x1], $0x10, s25, s10, $0xb8;
	[tilespmem:$0x7000] =	vst v63  }
0xb9: {  	_ =	swait.ge [sflag:s6], $0x2000  }
0xba: {  	[sflag:s6] =	ssyncset.done $0x0  }
0xbb: {  	[sflag:s6] =	ssyncadd.s32 $0xFFFFE000  }
0xbc: {  	[spmem:s2] =	stream.indirect.scatter.add.f32 [tilespmem:s8], [sflag:$0x1], $0x10, s26, s10, $0xb8;
	[tilespmem:$0x7000] =	vst v63  }
0xbd: {  	_ =	swait.ge [sflag:s6], $0x2000  }
0xbe: {  	[sflag:s6] =	ssyncset.done $0x0  }
0xbf: {  	[sflag:s6] =	ssyncadd.s32 $0xFFFFE000  }
0xc0: {  	[spmem:s2] =	stream.indirect.scatter.add.f32 [tilespmem:s8], [sflag:$0x1], $0x10, s28, s10, $0xb8;
	[tilespmem:$0x7000] =	vst v63  }
0xc1: {  	_ =	swait.ge [sflag:s6], $0x2000  }
0xc2: {  	[sflag:s6] =	ssyncset.done $0x0  }
0xc3: {  	[sflag:s6] =	ssyncadd.s32 $0xFFFFE000  }
0xc4: {  	[spmem:s2] =	stream.indirect.scatter.add.f32 [tilespmem:s8], [sflag:$0x1], $0x10, s29, s10, $0xb8;
	[tilespmem:$0x7000] =	vst v63  }
0xc5: {  	_ =	swait.ge [sflag:s6], $0x2000  }
0xc6: {  	p0 =	sne.s32 s31, $0x1;
	[sflag:s6] =	ssyncset.done $0x0  }
.Ltmp1:
0xc7: {  	[sflag:s6] =	ssyncadd.s32 $0xFFFFE000;
	(pc) =	sbr.rel @p0 .LBB2_1-.Ltmp1, $4  }
0xc8: {  	[bflag:$0x0] =	sbarrier.arrive $0xFFFF  }
0xc9: {  	[hbm:s30], [sflag:s5] =	dma.local [spmem:s7], $0x500  }
0xca: {  	_ =	swait.ge [sflag:s6], $0x500  }
0xcb: {  	s31 =	sadd.s32 $0xFFFFFFFF, s31;
	[sflag:s6] =	ssyncset.done $0x0  }
.LBB2_2:
0xcc: {  	[sflag:s6] =	ssyncadd.s32 $0xFFFFFB00  }
0xcd: {  	_ =	sfence.sel $0x180000  }
0xce: {  	[bflag:$0x0] =	sbarrier.arrive $0xFFFF  }
0xcf: {  	_ =	strace $0x90000047  }
0xd0: {  	s0 =	stileid.u32;
	[bflag:$0x2] =	sbarrier.arrive $0xFFFF  }
0xd1: {  	p0 =	sne.s32 s0, $0x0;
	s0 =	rddreg [dreg:$0x3]  }
0xd2: {  	s0 =	sadd.s32 @!p0 $0x100000, s0  }
0xd3: {  	[sflag:s0] =	ssyncadd.tile.s32 @!p0 $0x1;
	_ =	shalt  }
.Lfunc_end2:
_tile_overlayer_lowered:
.L_overlay_start_2:
0xd4: {  	(tag) =	ssettag $0x2  }
0xd5: {  	s0 =	rddreg [dreg:$0x0];
	s2 =	stileid.u32  }
0xd6: {  	s1 =	rddreg [dreg:$0x1];
	p0 =	sne.s32 s2, $0x0  }
0xd7: {  	s3 =	rddreg [dreg:$0x2];
	[bflag:$0x3] =	sbarrier.arrive $0xFFFF;
	s2 =	simm.s32 @!p0 $0x1C01  }
0xd8: {  	[timem:s3], [sflag:s2] =	dma.local @!p0 [hbm:s0], s1  }
0xd9: {  	s0 =	simm.s32 @!p0 $0x1  }
0xda: {  	_ =	swait.ge @!p0 [sflag:s0], s1  }
0xdb: {  	s1 =	ssub.s32 @!p0 $0x0, s1;
	[sflag:s0] =	ssyncset.done @!p0 $0x0  }
0xdc: {  	[sflag:s0] =	ssyncadd.s32 @!p0 s1  }
0xdd: {  	[bflag:$0x3] =	sbarrier.arrive $0xFFFF  }
0xde: {  	_ =	shalt  }

// kernel: kernel.14.cloned.1.call-start
scs
__scs_entry_jumppad:
0x0: {  	(pc) =	sbr.rel $0x88, $3  }
0x1: {  	(tag) =	ssettag $0x0;
	lr =	simm.s32 $0x1  }
0x2: {  	[smem:$0x3F99] =	sst lr;
	_ =	strace $0xD0000000  }
0x3: {  	_ = 	snop  }
0x4: {  	_ = 	snop  }
0x5: {  	_ = 	snop  }
0x6: {  	_ = 	snop  }
0x7: {  	_ = 	snop  }
__scs_overlays_trampoline_lowered:
0x8: {  	[smem:$0x3FA8] =	sst s0  }
0x9: {  	[smem:$0x3FA9] =	sst s1  }
0xa: {  	[smem:$0x3FAA] =	sst s2  }
0xb: {  	[smem:$0x3FAB] =	sst s3  }
0xc: {  	[smem:$0x3FAC] =	sst s4  }
0xd: {  	[smem:$0x3FAD] =	sst s5  }
0xe: {  	[smem:$0x3FAE] =	sst s6  }
0xf: {  	[smem:$0x3FAF] =	sst s7  }
0x10: {  	[smem:$0x3FB0] =	sst s8  }
0x11: {  	[smem:$0x3FB1] =	sst s9;
	s0 =	simm.s32 @!p0 $0x0  }
0x12: {  	s1 =	sld [smem:$0x3F97];
	s0 =	simm.s32 @p0 $0x1  }
0x13: {  	[smem:$0x3FB2] =	sst s0;
	s0 =	simm.s32 @!p1 $0x0  }
0x14: {  	s2 =	sld [smem:$0x3F96];
	s0 =	simm.s32 @p1 $0x1  }
0x15: {  	[smem:$0x3FB3] =	sst s0;
	s0 =	simm.s32 @!p2 $0x0  }
0x16: {  	s3 =	sld [smem:$0x3FDB];
	s0 =	simm.s32 @p2 $0x1  }
0x17: {  	s4 =	simm.s32 $0x1BF5;
	[smem:$0x3FB5] =	sst s0  }
0x18: {  	s0 =	sld [smem:$0x3F98];
	_ =	swait.ge [sflag:s4], $0x0  }
0x19: {  	s7 =	sld [smem:$0x3F99]  }
0x1a: {  	s8 =	sadd.s32 $0xFFFFE003, lr  }
0x1b: {  	s9 =	sadd.s32 $0xFFFFFEF7, lr;
	s5 =	simm.s32 $0xFFFFFFFF;
	p2 =	slt.u32 s8, $0xFFFFF086  }
0x1c: {  	p1 =	slt.u32 s9, $0xF7A;
	s5 =	simm.s32 @!p2 $0x0  }
0x1d: {  	s5 =	simm.s32 @p1 $0x1;
	p0 =	seq.s32 s7, s2  }
0x1e: {  	s7 =	smul.u32 @!p0 $0xF7A, s2;
	p2 =	seq.s32 @!p0 s5, $0x0  }
0x1f: {  	s9 =	smul.u32 $0xF7A, s1;
	s8 =	simm.s32 @!p0 $0x1BF5;
	p2 =	por !p2, p0  }
0x20: {  	[sflag:s8] =	ssyncset.s32 @!p0 $0xFFFFF086;
	s6 =	sadd.s32 @!p0 s3, s7;
	s7 =	simm.s32 @!p0 $0x108  }
0x21: {  	s3 =	sadd.s32 s3, s9;
	s6 =	sadd.s32 @!p0 $0x88, s6;
	s7 =	simm.s32 @p2 $0x1082  }
0x22: {  	[simem:s7], [sflag:s8] =	dma.local @!p0 [hbm:s6], $0xF7A  }
0x23: {  	s9 =	sor.u32 $0xD0000000, s2;
	s6 =	simm.s32 $0x108;
	_ =	swait.ge @!p0 [sflag:s8], $0x0  }
0x24: {  	s3 =	sadd.s32 $0x88, s3;
	s6 =	simm.s32 @!p1 $0x1082;
	[sflag:s4] =	ssyncset.s32 $0xFFFFF086  }
0x25: {  	[simem:s6], [sflag:s4] =	dma.local [hbm:s3], $0xF7A  }
0x26: {  	[smem:$0x3F99] =	sst s1;
	(tag) =	ssettag s2;
	_ =	strace s9  }
0x27: {  	s1 =	sld [smem:$0x3FA9]  }
0x28: {  	s2 =	sld [smem:$0x3FAA]  }
0x29: {  	s4 =	sld [smem:$0x3FAC]  }
0x2a: {  	p0 =	seq.s32 s5, $0x0;
	s5 =	sld [smem:$0x3FAD]  }
0x2b: {  	s6 =	sld [smem:$0x3FAE]  }
0x2c: {  	s7 =	sld [smem:$0x3FAF]  }
0x2d: {  	s3 =	simm.s32 $0x108;
	s8 =	sld [smem:$0x3FB0]  }
0x2e: {  	s3 =	simm.s32 @!p0 $0x1082;
	s9 =	sld [smem:$0x3FB1]  }
0x2f: {  	lr =	sadd.s32 s0, s3;
	s0 =	sld [smem:$0x3FA8]  }
0x30: {  	s3 =	sld [smem:$0x3FAB]  }
0x31: {  	[smem:$0x3FB4] =	sst s10  }
0x32: {  	s10 =	sld [smem:$0x3FB2];
	_ =	sdelay $0x3  }
0x33: {  	p0 =	seq.s32 s10, $0x1;
	s10 =	sld [smem:$0x3FB4];
	_ =	sdelay $0x3  }
0x34: {  	[smem:$0x3FB4] =	sst s10  }
0x35: {  	s10 =	sld [smem:$0x3FB3];
	_ =	sdelay $0x3  }
0x36: {  	p1 =	seq.s32 s10, $0x1;
	s10 =	sld [smem:$0x3FB4];
	_ =	sdelay $0x3  }
0x37: {  	[smem:$0x3FB4] =	sst s10  }
0x38: {  	s10 =	sld [smem:$0x3FB5]  }
0x39: {  	_ = 	snop;
	(pc) =	sbr.ind lr, $3  }
0x3a: {  	_ = 	snop  }
0x3b: {  	_ = 	snop  }
0x3c: {  	p2 =	seq.s32 s10, $0x1;
	s10 =	sld [smem:$0x3FB4]  }
0x3d: {  	_ =	shalt  }
0x3e: {  	_ =	shalt  }
0x3f: {  	_ =	shalt  }
0x40: {  	_ =	shalt  }
0x41: {  	_ =	shalt  }
0x42: {  	_ =	shalt  }
0x43: {  	_ =	shalt  }
0x44: {  	_ =	shalt  }
0x45: {  	_ =	shalt  }
0x46: {  	_ =	shalt  }
0x47: {  	_ =	shalt  }
0x48: {  	_ =	shalt  }
0x49: {  	_ =	shalt  }
0x4a: {  	_ =	shalt  }
0x4b: {  	_ =	shalt  }
0x4c: {  	_ =	shalt  }
0x4d: {  	_ =	shalt  }
0x4e: {  	_ =	shalt  }
0x4f: {  	_ =	shalt  }
0x50: {  	_ =	shalt  }
0x51: {  	_ =	shalt  }
0x52: {  	_ =	shalt  }
0x53: {  	_ =	shalt  }
0x54: {  	_ =	shalt  }
0x55: {  	_ =	shalt  }
0x56: {  	_ =	shalt  }
0x57: {  	_ =	shalt  }
0x58: {  	_ =	shalt  }
0x59: {  	_ =	shalt  }
0x5a: {  	_ =	shalt  }
0x5b: {  	_ =	shalt  }
0x5c: {  	_ =	shalt  }
0x5d: {  	_ =	shalt  }
0x5e: {  	_ =	shalt  }
0x5f: {  	_ =	shalt  }
0x60: {  	_ =	shalt  }
0x61: {  	_ =	shalt  }
0x62: {  	_ =	shalt  }
0x63: {  	_ =	shalt  }
0x64: {  	_ =	shalt  }
0x65: {  	_ =	shalt  }
0x66: {  	_ =	shalt  }
0x67: {  	_ =	shalt  }
0x68: {  	_ =	shalt  }
0x69: {  	_ =	shalt  }
0x6a: {  	_ =	shalt  }
0x6b: {  	_ =	shalt  }
0x6c: {  	_ =	shalt  }
0x6d: {  	_ =	shalt  }
0x6e: {  	_ =	shalt  }
0x6f: {  	_ =	shalt  }
0x70: {  	_ =	shalt  }
0x71: {  	_ =	shalt  }
0x72: {  	_ =	shalt  }
0x73: {  	_ =	shalt  }
0x74: {  	_ =	shalt  }
0x75: {  	_ =	shalt  }
0x76: {  	_ =	shalt  }
0x77: {  	_ =	shalt  }
0x78: {  	_ =	shalt  }
0x79: {  	_ =	shalt  }
0x7a: {  	_ =	shalt  }
0x7b: {  	_ =	shalt  }
0x7c: {  	_ =	shalt  }
0x7d: {  	_ =	shalt  }
0x7e: {  	_ =	shalt  }
0x7f: {  	_ =	shalt  }
0x80: {  	_ =	shalt  }
0x81: {  	_ =	shalt  }
0x82: {  	_ =	shalt  }
0x83: {  	_ =	shalt  }
0x84: {  	_ =	shalt  }
0x85: {  	_ =	shalt  }
0x86: {  	_ =	shalt  }
0x87: {  	_ =	shalt  }
.Lfunc_end0:
.L_simem_size_0:
called_computation.1_lowered:
.L_overlay_start_0:
0x88: {  	s2 =	sld [smem:$0x3FD9]  }
0x89: {  	s3 =	sld [smem:$0x3FFE];
	_ =	sdelay $0x1  }
0x8a: {  	s1 =	srdreg.scid  }
0x8b: {  	s0 =	sand.u32 $0x1, s1  }
0x8c: {  	s16 =	sshll.u32 s0, $0xA;
	s2 =	sadd.s32 s3, s2  }
0x8d: {  	s2 =	sadd.s32 s2, s16  }
0x8e: {  	[smem:$0x3FC0] =	sst s2  }
0x8f: {  	_ = 	snop  }
0x90: {  	(tm) =	ssettm $0x1  }
0x91: {  	s17 =	sld [smem:$0x3FFB];
	_ =	sdelay $0x3  }
0x92: {  	_ =	strace s17  }
0x93: {  	s2 =	sld [smem:$0x3FFC];
	_ =	sdelay $0x3  }
0x94: {  	_ =	strace s2  }
0x95: {  	s2 =	sld [smem:$0x3FFD];
	_ =	sdelay $0x3  }
0x96: {  	_ =	strace s2  }
0x97: {  	_ =	strace $0x8FFFFFFF  }
0x98: {  	s18 =	sld [smem:$0x3FDB];
	_ =	sdelay $0x1  }
0x99: {  	s19 =	simm.s32 $_scs_section_size  }
0x9a: {  	s4 =	simm.s32 $_size__tile_overlayer_lowered;
	s5 =	simm.s32 $_tile_overlayer_lowered  }
0x9b: {  	s22 =	simm.s32 $0x1BFF;
	s21 =	sshll.u32 s5, $0x1;
	s2 =	sadd.s32 s19, s18  }
0x9c: {  	s6 =	simm.s32 $0x0;
	s20 =	sshll.u32 s4, $0x1;
	s4 =	sadd.s32 s21, s2  }
0x9d: {  	[timem:s6], [sflag:s22] =	dma.local [hbm:s4], s20  }
0x9e: {  	_ =	swait.ge [sflag:s22], s20  }
0x9f: {  	s3 =	ssub.s32 $0x0, s20;
	[sflag:s22] =	ssyncset.done $0x0  }
0xa0: {  	[sflag:s22] =	ssyncadd.s32 s3;
	_ =	sdelay $0x1  }
0xa1: {  	s23 =	simm.s32 $0x1B8B  }
0xa2: {  	_ =	swait.ge [sflag:s23], $0x1  }
0xa3: {  	[sflag:s23] =	ssyncset.done $0x0  }
0xa4: {  	s25 =	simm.s32 $0x1B8E;
	s24 =	sld [smem:$0x3FFE];
	[sflag:s23] =	ssyncadd.s32 $0xFFFFFFFF  }
0xa5: {  	s26 =	simm.s32 $execute0_lowered;
	[smem:$0x3FD2] =	sst s25  }
0xa6: {  	s4 =	sshll.u32 s26, $0x1;
	_ =	strace $0x80000049;
	[dreg:$0x1] =	wrdreg $0xFFFFFFFF  }
0xa7: {  	s28 =	simm.s32 $_size_execute0_lowered;
	s2 =	sadd.s32 s2, s4;
	[dreg:$0x0] =	wrdreg $0x0  }
0xa8: {  	s4 =	sshll.u32 s28, $0x1;
	[dreg:$0x2] =	wrdreg s2  }
0xa9: {  	[dreg:$0x3] =	wrdreg s4  }
0xaa: {  	[dreg:$0x4] =	wrdreg $0xC0  }
0xab: {  	_ =	task [dreg:s6], $0x5FFFF  }
0xac: {  	[dreg:$0x1] =	wrdreg $0xFFFFFFFF  }
0xad: {  	[dreg:$0x0] =	wrdreg $0x60  }
0xae: {  	[dreg:$0x2] =	wrdreg s24  }
0xaf: {  	[dreg:$0x3] =	wrdreg $0x150000  }
0xb0: {  	[dreg:$0x4] =	wrdreg $0x9  }
0xb1: {  	_ =	task.clear_ibuf [dreg:s6], $0x5FFFF;
	_ =	strace $0x90000049  }
0xb2: {  	s29 =	simm.s32 $0x9;
	_ =	strace $0x8000004B  }
0xb3: {  	_ =	swait.ge [sflag:s29], $0x1  }
0xb4: {  	[sflag:s29] =	ssyncadd.s32 $0xFFFFFFFF  }
0xb5: {  	_ =	strace $0x9000004B  }
0xb6: {  	_ =	sfence  }
0xb7: {  	s30 =	sld [smem:$0x0];
	_ =	sdelay $0x2  }
0xb8: {  	s31 =	sshll.u32 s1, $0xD;
	s1 =	sshrl.u32 s1, $0x2  }
0xb9: {  	s3 =	sand.u32 $0x4000, s31;
	s1 =	sadd.s32 s1, s30  }
0xba: {  	s0 =	sor.u32 s3, s0;
	s1 =	sshll.u32 s1, $0x11  }
0xbb: {  	s0 =	sor.u32 s1, s0  }
0xbc: {  	s0 =	sadd.s32 $0x8F2B, s0  }
0xbd: {  	[sflag:s0] =	ssyncadd.remote.s32 $0x1  }
0xbe: {  	_ =	sfence.sel $0xFFFF  }
0xbf: {  	[dreg:$0x0] =	wrdreg $0xFFFFFFFF;
	(pc) =	sbr.abs _section_cstart, $3  }
0xc0: {  	[dreg:$0x1] =	wrdreg $0xFFFFFFFF  }
0xc1: {  	_ =	task.clear_ibuf [dreg:s6], $0x2FFFF;
	_ =	strace $0x9FFFFFFF  }
0xc2: {  	(tm) =	ssettm $0x7FFFFFFF  }
0xc3: {  	_ =	shalt  }
tec
execute0_lowered:
.L_overlay_start_1:
0x0: {  	(tag) =	ssettag $0x1  }
0x1: {  	s1 =	srdreg.scid;
	s0 =	stileid.u32  }
0x2: {  	s5 =	rddreg [dreg:$0x0];
	s13 =	simm.s32 $0x2800;
	s14 =	simm.s32 $0x100  }
0x3: {  	s15 =	simm.s32 $0x5000;
	s16 =	simm.s32 $0x9000;
	s17 =	simm.s32 $0x200  }
0x4: {  	s18 =	simm.s32 $0xD000;
	s19 =	simm.s32 $0x1;
	s20 =	simm.s32 $0x11000  }
0x5: {  	s21 =	simm.s32 $0x2;
	s22 =	simm.s32 $0x3;
	s23 =	simm.s32 $0x4  }
0x6: {  	s24 =	simm.s32 $0x2700;
	s28 =	simm.s32 $0x4E00;
	s29 =	simm.s32 $0x4F00  }
0x7: {  	s30 =	simm.s32 $0x0;
	s1 =	sand.u32 $0x1, s1;
	s2 =	sshll.u32 s0, $0x1  }
0x8: {  	s7 =	smul.u32 $0xA000, s0;
	s4 =	sadd.s32 $0x25000, s5;
	s31 =	sshll.u32 s0, $0x6  }
0x9: {  	s3 =	sor.u32 s1, s2;
	s2 =	rddreg [dreg:$0x1];
	s8 =	smul.u32 $0xA0000, s1  }
0xa: {  	s1 =	ssub.s32 $0x2, s1;
	s6 =	smul.u32 $0x500, s3;
	s3 =	simm.s32 $0x0  }
0xb: {  	s26 =	sshrl.u32 s7, $0x3;
	s10 =	sshrl.u32 s1, $0x1;
	s12 =	sadd.s32 s7, s2  }
0xc: {  	[smem:$0x7FF] =	sst s3;
	s25 =	sadd.s32 s7, s8;
	s8 =	sadd.s32 s26, s5  }
0xd: {  	s1 =	ssub.s32 s1, s10;
	s26 =	simm.s32 $0x4D00;
	_ =	strace $0x8000004A  }
0xe: {  	s9 =	sadd.s32 s6, s5;
	s6 =	sshrl.u32 s25, $0x3;
	s10 =	smax.u32 s1, $0x1  }
0xf: {  	s25 =	simm.s32 $0x4C00;
	s11 =	sadd.s32 s6, s5;
	s5 =	sadd.s32 $0x39000, s8  }
0x10: {  	s6 =	sor.u32 $0x1C05, s31;
	s7 =	sadd.s32 $0x1B000, s9;
	s8 =	sadd.s32 $0x2000, s9  }
0x11: {  	s9 =	sadd.s32 $0x4D000, s11;
	s11 =	sshrl.u32 s12, $0x3;
	s12 =	simm.s32 $0x5  }
.LBB2_1:
0x12: {  	[spmem:s11], [sflag:s6] =	dma.local [hbm:s5], $0x1400  }
0x13: {  	_ =	swait.ge [sflag:s12], $0x1400  }
0x14: {  	[sflag:s12] =	ssyncset.done $0x0  }
0x15: {  	[sflag:s12] =	ssyncadd.s32 $0xFFFFEC00  }
0x16: {  	[tilespmem:s3], [sflag:$0x5] =	stream.linear.gather [hbm4b:s7+s3], $0x2800, $0x38;
	[tilespmem:$0x1F000] =	vst v63  }
0x17: {  	_ =	swait.ge [sflag:s12], $0x2800  }
0x18: {  	[sflag:s12] =	ssyncset.done $0x0  }
0x19: {  	[sflag:s12] =	ssyncadd.s32 $0xFFFFD800  }
0x1a: {  	[tilespmem:s13], [sflag:$0x5] =	stream.linear.gather [hbm4b:s8+s3], $0x2800, $0x38;
	[tilespmem:$0x1F000] =	vst v63  }
0x1b: {  	_ =	swait.ge [sflag:s12], $0x2800  }
0x1c: {  	[sflag:s12] =	ssyncset.done $0x0  }
0x1d: {  	[sflag:s12] =	ssyncadd.s32 $0xFFFFD800  }
0x1e: {  	[bflag:$0x0] =	sbarrier.arrive $0xFFFF  }
0x1f: {  	[tilespmem:s15], [sflag:$0x1] =	stream.indirect.gather [hbm4b:s4+s14], $0x40, s3, s14, $0xb8;
	[tilespmem:$0x1F000] =	vst v63  }
0x20: {  	_ = 	snop  }
0x21: {  	[tilespmem:s16], [sflag:$0x2] =	stream.indirect.gather [hbm4b:s4+s14], $0x40, s14, s14, $0xb8;
	[tilespmem:$0x1F000] =	vst v63  }
0x22: {  	_ = 	snop  }
0x23: {  	[tilespmem:s18], [sflag:$0x3] =	stream.indirect.gather [hbm4b:s4+s14], $0x40, s17, s14, $0xb8;
	[tilespmem:$0x1F000] =	vst v63  }
0x24: {  	_ =	swait.ge [sflag:s19], $0x4000  }
0x25: {  	[sflag:s19] =	ssyncset.done $0x0  }
0x26: {  	s1 =	simm.s32 $0x300;
	[sflag:s19] =	ssyncadd.s32 $0xFFFFC000  }
0x27: {  	[tilespmem:s20], [sflag:$0x4] =	stream.indirect.gather [hbm4b:s4+s14], $0x40, s1, s14, $0xb8;
	[tilespmem:$0x1F000] =	vst v63  }
0x28: {  	s0 =	simm.s32 $0x2800  }
0x29: {  	[spmem:s2] =	stream.indirect.scatter.add.f32 [tilespmem:s15], [sflag:$0x5], $0x40, s0, s14, $0xb8;
	[tilespmem:$0x1F000] =	vst v63  }
0x2a: {  	_ =	swait.ge [sflag:s12], $0x4000  }
0x2b: {  	[sflag:s12] =	ssyncset.done $0x0  }
0x2c: {  	[sflag:s12] =	ssyncadd.s32 $0xFFFFC000  }
0x2d: {  	_ =	swait.ge [sflag:s21], $0x4000  }
0x2e: {  	[sflag:s21] =	ssyncset.done $0x0  }
0x2f: {  	s0 =	simm.s32 $0x400;
	[sflag:s21] =	ssyncadd.s32 $0xFFFFC000  }
0x30: {  	[tilespmem:s15], [sflag:$0x1] =	stream.indirect.gather [hbm4b:s4+s14], $0x40, s0, s14, $0xb8;
	[tilespmem:$0x1F000] =	vst v63  }
0x31: {  	s0 =	simm.s32 $0x2900  }
0x32: {  	[spmem:s2] =	stream.indirect.scatter.add.f32 [tilespmem:s16], [sflag:$0x5], $0x40, s0, s14, $0xb8;
	[tilespmem:$0x1F000] =	vst v63  }
0x33: {  	_ =	swait.ge [sflag:s12], $0x4000  }
0x34: {  	[sflag:s12] =	ssyncset.done $0x0  }
0x35: {  	[sflag:s12] =	ssyncadd.s32 $0xFFFFC000  }
0x36: {  	_ =	swait.ge [sflag:s22], $0x4000  }
0x37: {  	[sflag:s22] =	ssyncset.done $0x0  }
0x38: {  	s0 =	simm.s32 $0x500;
	[sflag:s22] =	ssyncadd.s32 $0xFFFFC000  }
0x39: {  	[tilespmem:s16], [sflag:$0x2] =	stream.indirect.gather [hbm4b:s4+s14], $0x40, s0, s14, $0xb8;
	[tilespmem:$0x1F000] =	vst v63  }
0x3a: {  	s0 =	simm.s32 $0x2A00  }
0x3b: {  	[spmem:s2] =	stream.indirect.scatter.add.f32 [tilespmem:s18], [sflag:$0x5], $0x40, s0, s14, $0xb8;
	[tilespmem:$0x1F000] =	vst v63  }
0x3c: {  	_ =	swait.ge [sflag:s12], $0x4000  }
0x3d: {  	[sflag:s12] =	ssyncset.done $0x0  }
0x3e: {  	[sflag:s12] =	ssyncadd.s32 $0xFFFFC000  }
0x3f: {  	_ =	swait.ge [sflag:s23], $0x4000  }
0x40: {  	[sflag:s23] =	ssyncset.done $0x0  }
0x41: {  	s0 =	simm.s32 $0x600;
	[sflag:s23] =	ssyncadd.s32 $0xFFFFC000  }
0x42: {  	[tilespmem:s18], [sflag:$0x3] =	stream.indirect.gather [hbm4b:s4+s14], $0x40, s0, s14, $0xb8;
	[tilespmem:$0x1F000] =	vst v63  }
0x43: {  	s0 =	simm.s32 $0x2B00  }
0x44: {  	[spmem:s2] =	stream.indirect.scatter.add.f32 [tilespmem:s20], [sflag:$0x5], $0x40, s0, s14, $0xb8;
	[tilespmem:$0x1F000] =	vst v63  }
0x45: {  	_ =	swait.ge [sflag:s12], $0x4000  }
0x46: {  	s31 =	simm.s32 $0x1000;
	[sflag:s12] =	ssyncset.done $0x0  }
.LBB2_2:
0x47: {  	p0 =	sne.s32 s31, $0x8000  }
0x48: {  	[sflag:s12] =	ssyncadd.s32 $0xFFFFC000;
	s1 =	smov.u32 s31;
	s31 =	sadd.s32 $0x1000, s31  }
0x49: {  	_ = 	snop  }
0x4a: {  	_ =	swait.ge [sflag:s19], $0x4000  }
0x4b: {  	s1 =	sshra.s32 s1, $0x2;
	[sflag:s19] =	ssyncset.done $0x0  }
0x4c: {  	s0 =	sadd.s32 $0x300, s1;
	[sflag:s19] =	ssyncadd.s32 $0xFFFFC000  }
0x4d: {  	[tilespmem:s20], [sflag:$0x4] =	stream.indirect.gather [hbm4b:s4+s14], $0x40, s0, s14, $0xb8;
	[tilespmem:$0x1F000] =	vst v63  }
0x4e: {  	s0 =	sadd.s32 $0x2800, s1  }
0x4f: {  	[spmem:s2] =	stream.indirect.scatter.add.f32 [tilespmem:s15], [sflag:$0x5], $0x40, s0, s14, $0xb8;
	[tilespmem:$0x1F000] =	vst v63  }
0x50: {  	_ =	swait.ge [sflag:s12], $0x4000  }
0x51: {  	[sflag:s12] =	ssyncset.done $0x0  }
0x52: {  	[sflag:s12] =	ssyncadd.s32 $0xFFFFC000  }
0x53: {  	_ =	swait.ge [sflag:s21], $0x4000  }
0x54: {  	[sflag:s21] =	ssyncset.done $0x0  }
0x55: {  	s0 =	sadd.s32 $0x400, s1;
	[sflag:s21] =	ssyncadd.s32 $0xFFFFC000  }
0x56: {  	[tilespmem:s15], [sflag:$0x1] =	stream.indirect.gather [hbm4b:s4+s14], $0x40, s0, s14, $0xb8;
	[tilespmem:$0x1F000] =	vst v63  }
0x57: {  	s0 =	sadd.s32 $0x2900, s1  }
0x58: {  	[spmem:s2] =	stream.indirect.scatter.add.f32 [tilespmem:s16], [sflag:$0x5], $0x40, s0, s14, $0xb8;
	[tilespmem:$0x1F000] =	vst v63  }
0x59: {  	_ =	swait.ge [sflag:s12], $0x4000  }
0x5a: {  	[sflag:s12] =	ssyncset.done $0x0  }
0x5b: {  	[sflag:s12] =	ssyncadd.s32 $0xFFFFC000  }
0x5c: {  	_ =	swait.ge [sflag:s22], $0x4000  }
0x5d: {  	[sflag:s22] =	ssyncset.done $0x0  }
0x5e: {  	s0 =	sadd.s32 $0x500, s1;
	[sflag:s22] =	ssyncadd.s32 $0xFFFFC000  }
0x5f: {  	[tilespmem:s16], [sflag:$0x2] =	stream.indirect.gather [hbm4b:s4+s14], $0x40, s0, s14, $0xb8;
	[tilespmem:$0x1F000] =	vst v63  }
0x60: {  	s0 =	sadd.s32 $0x2A00, s1  }
0x61: {  	[spmem:s2] =	stream.indirect.scatter.add.f32 [tilespmem:s18], [sflag:$0x5], $0x40, s0, s14, $0xb8;
	[tilespmem:$0x1F000] =	vst v63  }
0x62: {  	_ =	swait.ge [sflag:s12], $0x4000  }
0x63: {  	[sflag:s12] =	ssyncset.done $0x0  }
0x64: {  	[sflag:s12] =	ssyncadd.s32 $0xFFFFC000  }
0x65: {  	_ =	swait.ge [sflag:s23], $0x4000  }
0x66: {  	[sflag:s23] =	ssyncset.done $0x0  }
0x67: {  	s0 =	sadd.s32 $0x600, s1;
	[sflag:s23] =	ssyncadd.s32 $0xFFFFC000  }
0x68: {  	[tilespmem:s18], [sflag:$0x3] =	stream.indirect.gather [hbm4b:s4+s14], $0x40, s0, s14, $0xb8;
	[tilespmem:$0x1F000] =	vst v63  }
.Ltmp0:
0x69: {  	_ = 	snop;
	(pc) =	sbr.rel @p0 .LBB2_2-.Ltmp0, $4  }
0x6a: {  	s0 =	sadd.s32 $0x2B00, s1  }
0x6b: {  	[spmem:s2] =	stream.indirect.scatter.add.f32 [tilespmem:s20], [sflag:$0x5], $0x40, s0, s14, $0xb8;
	[tilespmem:$0x1F000] =	vst v63  }
0x6c: {  	_ =	swait.ge [sflag:s12], $0x4000  }
0x6d: {  	[sflag:s12] =	ssyncset.done $0x0  }
0x6e: {  	[sflag:s12] =	ssyncadd.s32 $0xFFFFC000  }
0x6f: {  	_ =	swait.ge [sflag:s19], $0x4000  }
0x70: {  	[sflag:s19] =	ssyncset.done $0x0  }
0x71: {  	[sflag:s19] =	ssyncadd.s32 $0xFFFFC000  }
0x72: {  	[tilespmem:s20], [sflag:$0x4] =	stream.indirect.gather [hbm4b:s4+s14], $0x40, s24, s14, $0xb8;
	[tilespmem:$0x1F000] =	vst v63  }
0x73: {  	_ = 	snop  }
0x74: {  	[spmem:s2] =	stream.indirect.scatter.add.f32 [tilespmem:s15], [sflag:$0x5], $0x40, s25, s14, $0xb8;
	[tilespmem:$0x1F000] =	vst v63  }
0x75: {  	_ =	swait.ge [sflag:s12], $0x4000  }
0x76: {  	[sflag:s12] =	ssyncset.done $0x0  }
0x77: {  	[sflag:s12] =	ssyncadd.s32 $0xFFFFC000  }
0x78: {  	_ =	swait.ge [sflag:s21], $0x4000  }
0x79: {  	[sflag:s21] =	ssyncset.done $0x0  }
0x7a: {  	[sflag:s21] =	ssyncadd.s32 $0xFFFFC000  }
0x7b: {  	[spmem:s2] =	stream.indirect.scatter.add.f32 [tilespmem:s16], [sflag:$0x5], $0x40, s26, s14, $0xb8;
	[tilespmem:$0x1F000] =	vst v63  }
0x7c: {  	_ =	swait.ge [sflag:s12], $0x4000  }
0x7d: {  	[sflag:s12] =	ssyncset.done $0x0  }
0x7e: {  	[sflag:s12] =	ssyncadd.s32 $0xFFFFC000  }
0x7f: {  	_ =	swait.ge [sflag:s22], $0x4000  }
0x80: {  	[sflag:s22] =	ssyncset.done $0x0  }
0x81: {  	[sflag:s22] =	ssyncadd.s32 $0xFFFFC000  }
0x82: {  	[spmem:s2] =	stream.indirect.scatter.add.f32 [tilespmem:s18], [sflag:$0x5], $0x40, s28, s14, $0xb8;
	[tilespmem:$0x1F000] =	vst v63  }
0x83: {  	_ =	swait.ge [sflag:s12], $0x4000  }
0x84: {  	[sflag:s12] =	ssyncset.done $0x0  }
0x85: {  	[sflag:s12] =	ssyncadd.s32 $0xFFFFC000  }
0x86: {  	_ =	swait.ge [sflag:s23], $0x4000  }
0x87: {  	[sflag:s23] =	ssyncset.done $0x0  }
0x88: {  	[sflag:s23] =	ssyncadd.s32 $0xFFFFC000  }
0x89: {  	[spmem:s2] =	stream.indirect.scatter.add.f32 [tilespmem:s20], [sflag:$0x5], $0x40, s29, s14, $0xb8;
	[tilespmem:$0x1F000] =	vst v63  }
0x8a: {  	_ =	swait.ge [sflag:s12], $0x4000  }
0x8b: {  	s30 =	sadd.s32 $0x1, s30;
	[sflag:s12] =	ssyncset.done $0x0  }
0x8c: {  	p0 =	sne.s32 s30, s10;
	[sflag:s12] =	ssyncadd.s32 $0xFFFFC000  }
.Ltmp1:
0x8d: {  	[bflag:$0x0] =	sbarrier.arrive $0xFFFF;
	(pc) =	sbr.rel @p0 .LBB2_1-.Ltmp1, $4  }
0x8e: {  	[hbm:s9], [sflag:s6] =	dma.local [spmem:s11], $0x1400  }
0x8f: {  	_ =	swait.ge [sflag:s12], $0x1400  }
0x90: {  	[sflag:s12] =	ssyncset.done $0x0  }
0x91: {  	[sflag:s12] =	ssyncadd.s32 $0xFFFFEC00  }
0x92: {  	_ =	sfence.sel $0x180000  }
0x93: {  	[bflag:$0x0] =	sbarrier.arrive $0xFFFF  }
0x94: {  	_ =	strace $0x9000004A  }
0x95: {  	s0 =	stileid.u32;
	[bflag:$0x2] =	sbarrier.arrive $0xFFFF  }
0x96: {  	p0 =	sne.s32 s0, $0x0;
	s0 =	rddreg [dreg:$0x2]  }
0x97: {  	s0 =	sadd.s32 @!p0 $0x100000, s0  }
0x98: {  	[sflag:s0] =	ssyncadd.tile.s32 @!p0 $0x1;
	_ =	shalt  }
.Lfunc_end2:
_tile_overlayer_lowered:
.L_overlay_start_2:
0x99: {  	(tag) =	ssettag $0x2  }
0x9a: {  	s0 =	rddreg [dreg:$0x0];
	s2 =	stileid.u32  }
0x9b: {  	s1 =	rddreg [dreg:$0x1];
	p0 =	sne.s32 s2, $0x0  }
0x9c: {  	s3 =	rddreg [dreg:$0x2];
	[bflag:$0x3] =	sbarrier.arrive $0xFFFF;
	s2 =	simm.s32 @!p0 $0x1C05  }
0x9d: {  	[timem:s3], [sflag:s2] =	dma.local @!p0 [hbm:s0], s1  }
0x9e: {  	s0 =	simm.s32 @!p0 $0x5  }
0x9f: {  	_ =	swait.ge @!p0 [sflag:s0], s1  }
0xa0: {  	s1 =	ssub.s32 @!p0 $0x0, s1;
	[sflag:s0] =	ssyncset.done @!p0 $0x0  }
0xa1: {  	[sflag:s0] =	ssyncadd.s32 @!p0 s1  }
0xa2: {  	[bflag:$0x3] =	sbarrier.arrive $0xFFFF  }
0xa3: {  	_ =	shalt  }

// kernel: kernel.17.cloned.1.call-start
scs
__scs_entry_jumppad:
0x0: {  	(pc) =	sbr.rel $0x88, $3  }
0x1: {  	(tag) =	ssettag $0x0;
	lr =	simm.s32 $0x1  }
0x2: {  	[smem:$0x3F99] =	sst lr;
	_ =	strace $0xD0000000  }
0x3: {  	_ = 	snop  }
0x4: {  	_ = 	snop  }
0x5: {  	_ = 	snop  }
0x6: {  	_ = 	snop  }
0x7: {  	_ = 	snop  }
__scs_overlays_trampoline_lowered:
0x8: {  	[smem:$0x3FA8] =	sst s0  }
0x9: {  	[smem:$0x3FA9] =	sst s1  }
0xa: {  	[smem:$0x3FAA] =	sst s2  }
0xb: {  	[smem:$0x3FAB] =	sst s3  }
0xc: {  	[smem:$0x3FAC] =	sst s4  }
0xd: {  	[smem:$0x3FAD] =	sst s5  }
0xe: {  	[smem:$0x3FAE] =	sst s6  }
0xf: {  	[smem:$0x3FAF] =	sst s7  }
0x10: {  	[smem:$0x3FB0] =	sst s8  }
0x11: {  	[smem:$0x3FB1] =	sst s9;
	s0 =	simm.s32 @!p0 $0x0  }
0x12: {  	s1 =	sld [smem:$0x3F97];
	s0 =	simm.s32 @p0 $0x1  }
0x13: {  	[smem:$0x3FB2] =	sst s0;
	s0 =	simm.s32 @!p1 $0x0  }
0x14: {  	s2 =	sld [smem:$0x3F96];
	s0 =	simm.s32 @p1 $0x1  }
0x15: {  	[smem:$0x3FB3] =	sst s0;
	s0 =	simm.s32 @!p2 $0x0  }
0x16: {  	s3 =	sld [smem:$0x3FDB];
	s0 =	simm.s32 @p2 $0x1  }
0x17: {  	s4 =	simm.s32 $0x1BF5;
	[smem:$0x3FB5] =	sst s0  }
0x18: {  	s0 =	sld [smem:$0x3F98];
	_ =	swait.ge [sflag:s4], $0x0  }
0x19: {  	s7 =	sld [smem:$0x3F99]  }
0x1a: {  	s8 =	sadd.s32 $0xFFFFE003, lr  }
0x1b: {  	s9 =	sadd.s32 $0xFFFFFEF7, lr;
	s5 =	simm.s32 $0xFFFFFFFF;
	p2 =	slt.u32 s8, $0xFFFFF086  }
0x1c: {  	p1 =	slt.u32 s9, $0xF7A;
	s5 =	simm.s32 @!p2 $0x0  }
0x1d: {  	s5 =	simm.s32 @p1 $0x1;
	p0 =	seq.s32 s7, s2  }
0x1e: {  	s7 =	smul.u32 @!p0 $0xF7A, s2;
	p2 =	seq.s32 @!p0 s5, $0x0  }
0x1f: {  	s9 =	smul.u32 $0xF7A, s1;
	s8 =	simm.s32 @!p0 $0x1BF5;
	p2 =	por !p2, p0  }
0x20: {  	[sflag:s8] =	ssyncset.s32 @!p0 $0xFFFFF086;
	s6 =	sadd.s32 @!p0 s3, s7;
	s7 =	simm.s32 @!p0 $0x108  }
0x21: {  	s3 =	sadd.s32 s3, s9;
	s6 =	sadd.s32 @!p0 $0x88, s6;
	s7 =	simm.s32 @p2 $0x1082  }
0x22: {  	[simem:s7], [sflag:s8] =	dma.local @!p0 [hbm:s6], $0xF7A  }
0x23: {  	s9 =	sor.u32 $0xD0000000, s2;
	s6 =	simm.s32 $0x108;
	_ =	swait.ge @!p0 [sflag:s8], $0x0  }
0x24: {  	s3 =	sadd.s32 $0x88, s3;
	s6 =	simm.s32 @!p1 $0x1082;
	[sflag:s4] =	ssyncset.s32 $0xFFFFF086  }
0x25: {  	[simem:s6], [sflag:s4] =	dma.local [hbm:s3], $0xF7A  }
0x26: {  	[smem:$0x3F99] =	sst s1;
	(tag) =	ssettag s2;
	_ =	strace s9  }
0x27: {  	s1 =	sld [smem:$0x3FA9]  }
0x28: {  	s2 =	sld [smem:$0x3FAA]  }
0x29: {  	s4 =	sld [smem:$0x3FAC]  }
0x2a: {  	p0 =	seq.s32 s5, $0x0;
	s5 =	sld [smem:$0x3FAD]  }
0x2b: {  	s6 =	sld [smem:$0x3FAE]  }
0x2c: {  	s7 =	sld [smem:$0x3FAF]  }
0x2d: {  	s3 =	simm.s32 $0x108;
	s8 =	sld [smem:$0x3FB0]  }
0x2e: {  	s3 =	simm.s32 @!p0 $0x1082;
	s9 =	sld [smem:$0x3FB1]  }
0x2f: {  	lr =	sadd.s32 s0, s3;
	s0 =	sld [smem:$0x3FA8]  }
0x30: {  	s3 =	sld [smem:$0x3FAB]  }
0x31: {  	[smem:$0x3FB4] =	sst s10  }
0x32: {  	s10 =	sld [smem:$0x3FB2];
	_ =	sdelay $0x3  }
0x33: {  	p0 =	seq.s32 s10, $0x1;
	s10 =	sld [smem:$0x3FB4];
	_ =	sdelay $0x3  }
0x34: {  	[smem:$0x3FB4] =	sst s10  }
0x35: {  	s10 =	sld [smem:$0x3FB3];
	_ =	sdelay $0x3  }
0x36: {  	p1 =	seq.s32 s10, $0x1;
	s10 =	sld [smem:$0x3FB4];
	_ =	sdelay $0x3  }
0x37: {  	[smem:$0x3FB4] =	sst s10  }
0x38: {  	s10 =	sld [smem:$0x3FB5]  }
0x39: {  	_ = 	snop;
	(pc) =	sbr.ind lr, $3  }
0x3a: {  	_ = 	snop  }
0x3b: {  	_ = 	snop  }
0x3c: {  	p2 =	seq.s32 s10, $0x1;
	s10 =	sld [smem:$0x3FB4]  }
0x3d: {  	_ =	shalt  }
0x3e: {  	_ =	shalt  }
0x3f: {  	_ =	shalt  }
0x40: {  	_ =	shalt  }
0x41: {  	_ =	shalt  }
0x42: {  	_ =	shalt  }
0x43: {  	_ =	shalt  }
0x44: {  	_ =	shalt  }
0x45: {  	_ =	shalt  }
0x46: {  	_ =	shalt  }
0x47: {  	_ =	shalt  }
0x48: {  	_ =	shalt  }
0x49: {  	_ =	shalt  }
0x4a: {  	_ =	shalt  }
0x4b: {  	_ =	shalt  }
0x4c: {  	_ =	shalt  }
0x4d: {  	_ =	shalt  }
0x4e: {  	_ =	shalt  }
0x4f: {  	_ =	shalt  }
0x50: {  	_ =	shalt  }
0x51: {  	_ =	shalt  }
0x52: {  	_ =	shalt  }
0x53: {  	_ =	shalt  }
0x54: {  	_ =	shalt  }
0x55: {  	_ =	shalt  }
0x56: {  	_ =	shalt  }
0x57: {  	_ =	shalt  }
0x58: {  	_ =	shalt  }
0x59: {  	_ =	shalt  }
0x5a: {  	_ =	shalt  }
0x5b: {  	_ =	shalt  }
0x5c: {  	_ =	shalt  }
0x5d: {  	_ =	shalt  }
0x5e: {  	_ =	shalt  }
0x5f: {  	_ =	shalt  }
0x60: {  	_ =	shalt  }
0x61: {  	_ =	shalt  }
0x62: {  	_ =	shalt  }
0x63: {  	_ =	shalt  }
0x64: {  	_ =	shalt  }
0x65: {  	_ =	shalt  }
0x66: {  	_ =	shalt  }
0x67: {  	_ =	shalt  }
0x68: {  	_ =	shalt  }
0x69: {  	_ =	shalt  }
0x6a: {  	_ =	shalt  }
0x6b: {  	_ =	shalt  }
0x6c: {  	_ =	shalt  }
0x6d: {  	_ =	shalt  }
0x6e: {  	_ =	shalt  }
0x6f: {  	_ =	shalt  }
0x70: {  	_ =	shalt  }
0x71: {  	_ =	shalt  }
0x72: {  	_ =	shalt  }
0x73: {  	_ =	shalt  }
0x74: {  	_ =	shalt  }
0x75: {  	_ =	shalt  }
0x76: {  	_ =	shalt  }
0x77: {  	_ =	shalt  }
0x78: {  	_ =	shalt  }
0x79: {  	_ =	shalt  }
0x7a: {  	_ =	shalt  }
0x7b: {  	_ =	shalt  }
0x7c: {  	_ =	shalt  }
0x7d: {  	_ =	shalt  }
0x7e: {  	_ =	shalt  }
0x7f: {  	_ =	shalt  }
0x80: {  	_ =	shalt  }
0x81: {  	_ =	shalt  }
0x82: {  	_ =	shalt  }
0x83: {  	_ =	shalt  }
0x84: {  	_ =	shalt  }
0x85: {  	_ =	shalt  }
0x86: {  	_ =	shalt  }
0x87: {  	_ =	shalt  }
.Lfunc_end0:
.L_simem_size_0:
called_computation.2_lowered:
.L_overlay_start_0:
0x88: {  	s2 =	sld [smem:$0x3FD9]  }
0x89: {  	s3 =	sld [smem:$0x3FFE];
	_ =	sdelay $0x1  }
0x8a: {  	s1 =	srdreg.scid  }
0x8b: {  	s0 =	sand.u32 $0x1, s1  }
0x8c: {  	s16 =	sshll.u32 s0, $0xA;
	s2 =	sadd.s32 s3, s2  }
0x8d: {  	s2 =	sadd.s32 s2, s16  }
0x8e: {  	[smem:$0x3FC0] =	sst s2  }
0x8f: {  	_ = 	snop  }
0x90: {  	(tm) =	ssettm $0x1  }
0x91: {  	s17 =	sld [smem:$0x3FFB];
	_ =	sdelay $0x3  }
0x92: {  	_ =	strace s17  }
0x93: {  	s2 =	sld [smem:$0x3FFC];
	_ =	sdelay $0x3  }
0x94: {  	_ =	strace s2  }
0x95: {  	s2 =	sld [smem:$0x3FFD];
	_ =	sdelay $0x3  }
0x96: {  	_ =	strace s2  }
0x97: {  	_ =	strace $0x8FFFFFFF  }
0x98: {  	s18 =	sld [smem:$0x3FDB];
	_ =	sdelay $0x1  }
0x99: {  	s19 =	simm.s32 $_scs_section_size  }
0x9a: {  	s4 =	simm.s32 $_size__tile_overlayer_lowered;
	s5 =	simm.s32 $_tile_overlayer_lowered  }
0x9b: {  	s22 =	simm.s32 $0x1BFF;
	s21 =	sshll.u32 s5, $0x1;
	s2 =	sadd.s32 s19, s18  }
0x9c: {  	s6 =	simm.s32 $0x0;
	s20 =	sshll.u32 s4, $0x1;
	s4 =	sadd.s32 s21, s2  }
0x9d: {  	[timem:s6], [sflag:s22] =	dma.local [hbm:s4], s20  }
0x9e: {  	_ =	swait.ge [sflag:s22], s20  }
0x9f: {  	s3 =	ssub.s32 $0x0, s20;
	[sflag:s22] =	ssyncset.done $0x0  }
0xa0: {  	[sflag:s22] =	ssyncadd.s32 s3;
	_ =	sdelay $0x1  }
0xa1: {  	s23 =	simm.s32 $0x1B8B  }
0xa2: {  	_ =	swait.ge [sflag:s23], $0x1  }
0xa3: {  	[sflag:s23] =	ssyncset.done $0x0  }
0xa4: {  	s25 =	simm.s32 $0x1B8E;
	s24 =	sld [smem:$0x3FFE];
	[sflag:s23] =	ssyncadd.s32 $0xFFFFFFFF  }
0xa5: {  	s26 =	simm.s32 $execute0_lowered;
	[smem:$0x3FD2] =	sst s25  }
0xa6: {  	s4 =	sshll.u32 s26, $0x1;
	_ =	strace $0x8000004C;
	[dreg:$0x1] =	wrdreg $0xFFFFFFFF  }
0xa7: {  	s28 =	simm.s32 $_size_execute0_lowered;
	s2 =	sadd.s32 s2, s4;
	[dreg:$0x0] =	wrdreg $0x0  }
0xa8: {  	s4 =	sshll.u32 s28, $0x1;
	[dreg:$0x2] =	wrdreg s2  }
0xa9: {  	[dreg:$0x3] =	wrdreg s4  }
0xaa: {  	[dreg:$0x4] =	wrdreg $0xC0  }
0xab: {  	_ =	task [dreg:s6], $0x5FFFF  }
0xac: {  	[dreg:$0x1] =	wrdreg $0xFFFFFFFF  }
0xad: {  	[dreg:$0x0] =	wrdreg $0x60  }
0xae: {  	[dreg:$0x2] =	wrdreg s24  }
0xaf: {  	[dreg:$0x3] =	wrdreg $0x150000  }
0xb0: {  	[dreg:$0x4] =	wrdreg $0x9  }
0xb1: {  	_ =	task.clear_ibuf [dreg:s6], $0x5FFFF;
	_ =	strace $0x9000004C  }
0xb2: {  	s29 =	simm.s32 $0x9;
	_ =	strace $0x8000004E  }
0xb3: {  	_ =	swait.ge [sflag:s29], $0x1  }
0xb4: {  	[sflag:s29] =	ssyncadd.s32 $0xFFFFFFFF  }
0xb5: {  	_ =	strace $0x9000004E  }
0xb6: {  	_ =	sfence  }
0xb7: {  	s30 =	sld [smem:$0x0];
	_ =	sdelay $0x2  }
0xb8: {  	s31 =	sshll.u32 s1, $0xD;
	s1 =	sshrl.u32 s1, $0x2  }
0xb9: {  	s3 =	sand.u32 $0x4000, s31;
	s1 =	sadd.s32 s1, s30  }
0xba: {  	s0 =	sor.u32 s3, s0;
	s1 =	sshll.u32 s1, $0x11  }
0xbb: {  	s0 =	sor.u32 s1, s0  }
0xbc: {  	s0 =	sadd.s32 $0x8F2B, s0  }
0xbd: {  	[sflag:s0] =	ssyncadd.remote.s32 $0x1  }
0xbe: {  	_ =	sfence.sel $0xFFFF  }
0xbf: {  	[dreg:$0x0] =	wrdreg $0xFFFFFFFF;
	(pc) =	sbr.abs _section_cstart, $3  }
0xc0: {  	[dreg:$0x1] =	wrdreg $0xFFFFFFFF  }
0xc1: {  	_ =	task.clear_ibuf [dreg:s6], $0x2FFFF;
	_ =	strace $0x9FFFFFFF  }
0xc2: {  	(tm) =	ssettm $0x7FFFFFFF  }
0xc3: {  	_ =	shalt  }
tec
execute0_lowered:
.L_overlay_start_1:
0x0: {  	(tag) =	ssettag $0x1  }
0x1: {  	s1 =	srdreg.scid;
	s0 =	stileid.u32  }
0x2: {  	s5 =	rddreg [dreg:$0x0];
	s13 =	simm.s32 $0x2800;
	s14 =	simm.s32 $0x100  }
0x3: {  	s15 =	simm.s32 $0x5000;
	s16 =	simm.s32 $0x9000;
	s17 =	simm.s32 $0x200  }
0x4: {  	s18 =	simm.s32 $0xD000;
	s19 =	simm.s32 $0x1;
	s20 =	simm.s32 $0x11000  }
0x5: {  	s21 =	simm.s32 $0x2;
	s22 =	simm.s32 $0x3;
	s23 =	simm.s32 $0x4  }
0x6: {  	s24 =	simm.s32 $0x2700;
	s28 =	simm.s32 $0x4E00;
	s29 =	simm.s32 $0x4F00  }
0x7: {  	s30 =	simm.s32 $0x0;
	s1 =	sand.u32 $0x1, s1;
	s2 =	sshll.u32 s0, $0x1  }
0x8: {  	s7 =	smul.u32 $0xA000, s0;
	s4 =	sadd.s32 $0x25000, s5;
	s31 =	sshll.u32 s0, $0x6  }
0x9: {  	s3 =	sor.u32 s1, s2;
	s2 =	rddreg [dreg:$0x1];
	s8 =	smul.u32 $0xA0000, s1  }
0xa: {  	s1 =	ssub.s32 $0x2, s1;
	s6 =	smul.u32 $0x500, s3;
	s3 =	simm.s32 $0x0  }
0xb: {  	s26 =	sshrl.u32 s7, $0x3;
	s10 =	sshrl.u32 s1, $0x1;
	s12 =	sadd.s32 s7, s2  }
0xc: {  	[smem:$0x7FF] =	sst s3;
	s25 =	sadd.s32 s7, s8;
	s8 =	sadd.s32 s26, s5  }
0xd: {  	s1 =	ssub.s32 s1, s10;
	s26 =	simm.s32 $0x4D00;
	_ =	strace $0x8000004D  }
0xe: {  	s9 =	sadd.s32 s6, s5;
	s6 =	sshrl.u32 s25, $0x3;
	s10 =	smax.u32 s1, $0x1  }
0xf: {  	s25 =	simm.s32 $0x4C00;
	s11 =	sadd.s32 s6, s5;
	s5 =	sadd.s32 $0x39000, s8  }
0x10: {  	s6 =	sor.u32 $0x1C05, s31;
	s7 =	sadd.s32 $0x1B000, s9;
	s8 =	sadd.s32 $0x2000, s9  }
0x11: {  	s9 =	sadd.s32 $0x4D000, s11;
	s11 =	sshrl.u32 s12, $0x3;
	s12 =	simm.s32 $0x5  }
.LBB2_1:
0x12: {  	[spmem:s11], [sflag:s6] =	dma.local [hbm:s5], $0x1400  }
0x13: {  	_ =	swait.ge [sflag:s12], $0x1400  }
0x14: {  	[sflag:s12] =	ssyncset.done $0x0  }
0x15: {  	[sflag:s12] =	ssyncadd.s32 $0xFFFFEC00  }
0x16: {  	[tilespmem:s3], [sflag:$0x5] =	stream.linear.gather [hbm4b:s7+s3], $0x2800, $0x38;
	[tilespmem:$0x1F000] =	vst v63  }
0x17: {  	_ =	swait.ge [sflag:s12], $0x2800  }
0x18: {  	[sflag:s12] =	ssyncset.done $0x0  }
0x19: {  	[sflag:s12] =	ssyncadd.s32 $0xFFFFD800  }
0x1a: {  	[tilespmem:s13], [sflag:$0x5] =	stream.linear.gather [hbm4b:s8+s3], $0x2800, $0x38;
	[tilespmem:$0x1F000] =	vst v63  }
0x1b: {  	_ =	swait.ge [sflag:s12], $0x2800  }
0x1c: {  	[sflag:s12] =	ssyncset.done $0x0  }
0x1d: {  	[sflag:s12] =	ssyncadd.s32 $0xFFFFD800  }
0x1e: {  	[bflag:$0x0] =	sbarrier.arrive $0xFFFF  }
0x1f: {  	[tilespmem:s15], [sflag:$0x1] =	stream.indirect.gather [hbm4b:s4+s14], $0x40, s3, s14, $0xb8;
	[tilespmem:$0x1F000] =	vst v63  }
0x20: {  	_ = 	snop  }
0x21: {  	[tilespmem:s16], [sflag:$0x2] =	stream.indirect.gather [hbm4b:s4+s14], $0x40, s14, s14, $0xb8;
	[tilespmem:$0x1F000] =	vst v63  }
0x22: {  	_ = 	snop  }
0x23: {  	[tilespmem:s18], [sflag:$0x3] =	stream.indirect.gather [hbm4b:s4+s14], $0x40, s17, s14, $0xb8;
	[tilespmem:$0x1F000] =	vst v63  }
0x24: {  	_ =	swait.ge [sflag:s19], $0x4000  }
0x25: {  	[sflag:s19] =	ssyncset.done $0x0  }
0x26: {  	s1 =	simm.s32 $0x300;
	[sflag:s19] =	ssyncadd.s32 $0xFFFFC000  }
0x27: {  	[tilespmem:s20], [sflag:$0x4] =	stream.indirect.gather [hbm4b:s4+s14], $0x40, s1, s14, $0xb8;
	[tilespmem:$0x1F000] =	vst v63  }
0x28: {  	s0 =	simm.s32 $0x2800  }
0x29: {  	[spmem:s2] =	stream.indirect.scatter.add.f32 [tilespmem:s15], [sflag:$0x5], $0x40, s0, s14, $0xb8;
	[tilespmem:$0x1F000] =	vst v63  }
0x2a: {  	_ =	swait.ge [sflag:s12], $0x4000  }
0x2b: {  	[sflag:s12] =	ssyncset.done $0x0  }
0x2c: {  	[sflag:s12] =	ssyncadd.s32 $0xFFFFC000  }
0x2d: {  	_ =	swait.ge [sflag:s21], $0x4000  }
0x2e: {  	[sflag:s21] =	ssyncset.done $0x0  }
0x2f: {  	s0 =	simm.s32 $0x400;
	[sflag:s21] =	ssyncadd.s32 $0xFFFFC000  }
0x30: {  	[tilespmem:s15], [sflag:$0x1] =	stream.indirect.gather [hbm4b:s4+s14], $0x40, s0, s14, $0xb8;
	[tilespmem:$0x1F000] =	vst v63  }
0x31: {  	s0 =	simm.s32 $0x2900  }
0x32: {  	[spmem:s2] =	stream.indirect.scatter.add.f32 [tilespmem:s16], [sflag:$0x5], $0x40, s0, s14, $0xb8;
	[tilespmem:$0x1F000] =	vst v63  }
0x33: {  	_ =	swait.ge [sflag:s12], $0x4000  }
0x34: {  	[sflag:s12] =	ssyncset.done $0x0  }
0x35: {  	[sflag:s12] =	ssyncadd.s32 $0xFFFFC000  }
0x36: {  	_ =	swait.ge [sflag:s22], $0x4000  }
0x37: {  	[sflag:s22] =	ssyncset.done $0x0  }
0x38: {  	s0 =	simm.s32 $0x500;
	[sflag:s22] =	ssyncadd.s32 $0xFFFFC000  }
0x39: {  	[tilespmem:s16], [sflag:$0x2] =	stream.indirect.gather [hbm4b:s4+s14], $0x40, s0, s14, $0xb8;
	[tilespmem:$0x1F000] =	vst v63  }
0x3a: {  	s0 =	simm.s32 $0x2A00  }
0x3b: {  	[spmem:s2] =	stream.indirect.scatter.add.f32 [tilespmem:s18], [sflag:$0x5], $0x40, s0, s14, $0xb8;
	[tilespmem:$0x1F000] =	vst v63  }
0x3c: {  	_ =	swait.ge [sflag:s12], $0x4000  }
0x3d: {  	[sflag:s12] =	ssyncset.done $0x0  }
0x3e: {  	[sflag:s12] =	ssyncadd.s32 $0xFFFFC000  }
0x3f: {  	_ =	swait.ge [sflag:s23], $0x4000  }
0x40: {  	[sflag:s23] =	ssyncset.done $0x0  }
0x41: {  	s0 =	simm.s32 $0x600;
	[sflag:s23] =	ssyncadd.s32 $0xFFFFC000  }
0x42: {  	[tilespmem:s18], [sflag:$0x3] =	stream.indirect.gather [hbm4b:s4+s14], $0x40, s0, s14, $0xb8;
	[tilespmem:$0x1F000] =	vst v63  }
0x43: {  	s0 =	simm.s32 $0x2B00  }
0x44: {  	[spmem:s2] =	stream.indirect.scatter.add.f32 [tilespmem:s20], [sflag:$0x5], $0x40, s0, s14, $0xb8;
	[tilespmem:$0x1F000] =	vst v63  }
0x45: {  	_ =	swait.ge [sflag:s12], $0x4000  }
0x46: {  	s31 =	simm.s32 $0x1000;
	[sflag:s12] =	ssyncset.done $0x0  }
.LBB2_2:
0x47: {  	p0 =	sne.s32 s31, $0x8000  }
0x48: {  	[sflag:s12] =	ssyncadd.s32 $0xFFFFC000;
	s1 =	smov.u32 s31;
	s31 =	sadd.s32 $0x1000, s31  }
0x49: {  	_ = 	snop  }
0x4a: {  	_ =	swait.ge [sflag:s19], $0x4000  }
0x4b: {  	s1 =	sshra.s32 s1, $0x2;
	[sflag:s19] =	ssyncset.done $0x0  }
0x4c: {  	s0 =	sadd.s32 $0x300, s1;
	[sflag:s19] =	ssyncadd.s32 $0xFFFFC000  }
0x4d: {  	[tilespmem:s20], [sflag:$0x4] =	stream.indirect.gather [hbm4b:s4+s14], $0x40, s0, s14, $0xb8;
	[tilespmem:$0x1F000] =	vst v63  }
0x4e: {  	s0 =	sadd.s32 $0x2800, s1  }
0x4f: {  	[spmem:s2] =	stream.indirect.scatter.add.f32 [tilespmem:s15], [sflag:$0x5], $0x40, s0, s14, $0xb8;
	[tilespmem:$0x1F000] =	vst v63  }
0x50: {  	_ =	swait.ge [sflag:s12], $0x4000  }
0x51: {  	[sflag:s12] =	ssyncset.done $0x0  }
0x52: {  	[sflag:s12] =	ssyncadd.s32 $0xFFFFC000  }
0x53: {  	_ =	swait.ge [sflag:s21], $0x4000  }
0x54: {  	[sflag:s21] =	ssyncset.done $0x0  }
0x55: {  	s0 =	sadd.s32 $0x400, s1;
	[sflag:s21] =	ssyncadd.s32 $0xFFFFC000  }
0x56: {  	[tilespmem:s15], [sflag:$0x1] =	stream.indirect.gather [hbm4b:s4+s14], $0x40, s0, s14, $0xb8;
	[tilespmem:$0x1F000] =	vst v63  }
0x57: {  	s0 =	sadd.s32 $0x2900, s1  }
0x58: {  	[spmem:s2] =	stream.indirect.scatter.add.f32 [tilespmem:s16], [sflag:$0x5], $0x40, s0, s14, $0xb8;
	[tilespmem:$0x1F000] =	vst v63  }
0x59: {  	_ =	swait.ge [sflag:s12], $0x4000  }
0x5a: {  	[sflag:s12] =	ssyncset.done $0x0  }
0x5b: {  	[sflag:s12] =	ssyncadd.s32 $0xFFFFC000  }
0x5c: {  	_ =	swait.ge [sflag:s22], $0x4000  }
0x5d: {  	[sflag:s22] =	ssyncset.done $0x0  }
0x5e: {  	s0 =	sadd.s32 $0x500, s1;
	[sflag:s22] =	ssyncadd.s32 $0xFFFFC000  }
0x5f: {  	[tilespmem:s16], [sflag:$0x2] =	stream.indirect.gather [hbm4b:s4+s14], $0x40, s0, s14, $0xb8;
	[tilespmem:$0x1F000] =	vst v63  }
0x60: {  	s0 =	sadd.s32 $0x2A00, s1  }
0x61: {  	[spmem:s2] =	stream.indirect.scatter.add.f32 [tilespmem:s18], [sflag:$0x5], $0x40, s0, s14, $0xb8;
	[tilespmem:$0x1F000] =	vst v63  }
0x62: {  	_ =	swait.ge [sflag:s12], $0x4000  }
0x63: {  	[sflag:s12] =	ssyncset.done $0x0  }
0x64: {  	[sflag:s12] =	ssyncadd.s32 $0xFFFFC000  }
0x65: {  	_ =	swait.ge [sflag:s23], $0x4000  }
0x66: {  	[sflag:s23] =	ssyncset.done $0x0  }
0x67: {  	s0 =	sadd.s32 $0x600, s1;
	[sflag:s23] =	ssyncadd.s32 $0xFFFFC000  }
0x68: {  	[tilespmem:s18], [sflag:$0x3] =	stream.indirect.gather [hbm4b:s4+s14], $0x40, s0, s14, $0xb8;
	[tilespmem:$0x1F000] =	vst v63  }
.Ltmp0:
0x69: {  	_ = 	snop;
	(pc) =	sbr.rel @p0 .LBB2_2-.Ltmp0, $4  }
0x6a: {  	s0 =	sadd.s32 $0x2B00, s1  }
0x6b: {  	[spmem:s2] =	stream.indirect.scatter.add.f32 [tilespmem:s20], [sflag:$0x5], $0x40, s0, s14, $0xb8;
	[tilespmem:$0x1F000] =	vst v63  }
0x6c: {  	_ =	swait.ge [sflag:s12], $0x4000  }
0x6d: {  	[sflag:s12] =	ssyncset.done $0x0  }
0x6e: {  	[sflag:s12] =	ssyncadd.s32 $0xFFFFC000  }
0x6f: {  	_ =	swait.ge [sflag:s19], $0x4000  }
0x70: {  	[sflag:s19] =	ssyncset.done $0x0  }
0x71: {  	[sflag:s19] =	ssyncadd.s32 $0xFFFFC000  }
0x72: {  	[tilespmem:s20], [sflag:$0x4] =	stream.indirect.gather [hbm4b:s4+s14], $0x40, s24, s14, $0xb8;
	[tilespmem:$0x1F000] =	vst v63  }
0x73: {  	_ = 	snop  }
0x74: {  	[spmem:s2] =	stream.indirect.scatter.add.f32 [tilespmem:s15], [sflag:$0x5], $0x40, s25, s14, $0xb8;
	[tilespmem:$0x1F000] =	vst v63  }
0x75: {  	_ =	swait.ge [sflag:s12], $0x4000  }
0x76: {  	[sflag:s12] =	ssyncset.done $0x0  }
0x77: {  	[sflag:s12] =	ssyncadd.s32 $0xFFFFC000  }
0x78: {  	_ =	swait.ge [sflag:s21], $0x4000  }
0x79: {  	[sflag:s21] =	ssyncset.done $0x0  }
0x7a: {  	[sflag:s21] =	ssyncadd.s32 $0xFFFFC000  }
0x7b: {  	[spmem:s2] =	stream.indirect.scatter.add.f32 [tilespmem:s16], [sflag:$0x5], $0x40, s26, s14, $0xb8;
	[tilespmem:$0x1F000] =	vst v63  }
0x7c: {  	_ =	swait.ge [sflag:s12], $0x4000  }
0x7d: {  	[sflag:s12] =	ssyncset.done $0x0  }
0x7e: {  	[sflag:s12] =	ssyncadd.s32 $0xFFFFC000  }
0x7f: {  	_ =	swait.ge [sflag:s22], $0x4000  }
0x80: {  	[sflag:s22] =	ssyncset.done $0x0  }
0x81: {  	[sflag:s22] =	ssyncadd.s32 $0xFFFFC000  }
0x82: {  	[spmem:s2] =	stream.indirect.scatter.add.f32 [tilespmem:s18], [sflag:$0x5], $0x40, s28, s14, $0xb8;
	[tilespmem:$0x1F000] =	vst v63  }
0x83: {  	_ =	swait.ge [sflag:s12], $0x4000  }
0x84: {  	[sflag:s12] =	ssyncset.done $0x0  }
0x85: {  	[sflag:s12] =	ssyncadd.s32 $0xFFFFC000  }
0x86: {  	_ =	swait.ge [sflag:s23], $0x4000  }
0x87: {  	[sflag:s23] =	ssyncset.done $0x0  }
0x88: {  	[sflag:s23] =	ssyncadd.s32 $0xFFFFC000  }
0x89: {  	[spmem:s2] =	stream.indirect.scatter.add.f32 [tilespmem:s20], [sflag:$0x5], $0x40, s29, s14, $0xb8;
	[tilespmem:$0x1F000] =	vst v63  }
0x8a: {  	_ =	swait.ge [sflag:s12], $0x4000  }
0x8b: {  	s30 =	sadd.s32 $0x1, s30;
	[sflag:s12] =	ssyncset.done $0x0  }
0x8c: {  	p0 =	sne.s32 s30, s10;
	[sflag:s12] =	ssyncadd.s32 $0xFFFFC000  }
.Ltmp1:
0x8d: {  	[bflag:$0x0] =	sbarrier.arrive $0xFFFF;
	(pc) =	sbr.rel @p0 .LBB2_1-.Ltmp1, $4  }
0x8e: {  	[hbm:s9], [sflag:s6] =	dma.local [spmem:s11], $0x1400  }
0x8f: {  	_ =	swait.ge [sflag:s12], $0x1400  }
0x90: {  	[sflag:s12] =	ssyncset.done $0x0  }
0x91: {  	[sflag:s12] =	ssyncadd.s32 $0xFFFFEC00  }
0x92: {  	_ =	sfence.sel $0x180000  }
0x93: {  	[bflag:$0x0] =	sbarrier.arrive $0xFFFF  }
0x94: {  	_ =	strace $0x9000004D  }
0x95: {  	s0 =	stileid.u32;
	[bflag:$0x2] =	sbarrier.arrive $0xFFFF  }
0x96: {  	p0 =	sne.s32 s0, $0x0;
	s0 =	rddreg [dreg:$0x2]  }
0x97: {  	s0 =	sadd.s32 @!p0 $0x100000, s0  }
0x98: {  	[sflag:s0] =	ssyncadd.tile.s32 @!p0 $0x1;
	_ =	shalt  }
.Lfunc_end2:
_tile_overlayer_lowered:
.L_overlay_start_2:
0x99: {  	(tag) =	ssettag $0x2  }
0x9a: {  	s0 =	rddreg [dreg:$0x0];
	s2 =	stileid.u32  }
0x9b: {  	s1 =	rddreg [dreg:$0x1];
	p0 =	sne.s32 s2, $0x0  }
0x9c: {  	s3 =	rddreg [dreg:$0x2];
	[bflag:$0x3] =	sbarrier.arrive $0xFFFF;
	s2 =	simm.s32 @!p0 $0x1C05  }
0x9d: {  	[timem:s3], [sflag:s2] =	dma.local @!p0 [hbm:s0], s1  }
0x9e: {  	s0 =	simm.s32 @!p0 $0x5  }
0x9f: {  	_ =	swait.ge @!p0 [sflag:s0], s1  }
0xa0: {  	s1 =	ssub.s32 @!p0 $0x0, s1;
	[sflag:s0] =	ssyncset.done @!p0 $0x0  }
0xa1: {  	[sflag:s0] =	ssyncadd.s32 @!p0 s1  }
0xa2: {  	[bflag:$0x3] =	sbarrier.arrive $0xFFFF  }
0xa3: {  	_ =	shalt  }

// kernel: kernel.20.cloned.1.call-start
scs
__scs_entry_jumppad:
0x0: {  	(pc) =	sbr.rel $0x88, $3  }
0x1: {  	(tag) =	ssettag $0x0;
	lr =	simm.s32 $0x1  }
0x2: {  	[smem:$0x3F99] =	sst lr;
	_ =	strace $0xD0000000  }
0x3: {  	_ = 	snop  }
0x4: {  	_ = 	snop  }
0x5: {  	_ = 	snop  }
0x6: {  	_ = 	snop  }
0x7: {  	_ = 	snop  }
__scs_overlays_trampoline_lowered:
0x8: {  	[smem:$0x3FA8] =	sst s0  }
0x9: {  	[smem:$0x3FA9] =	sst s1  }
0xa: {  	[smem:$0x3FAA] =	sst s2  }
0xb: {  	[smem:$0x3FAB] =	sst s3  }
0xc: {  	[smem:$0x3FAC] =	sst s4  }
0xd: {  	[smem:$0x3FAD] =	sst s5  }
0xe: {  	[smem:$0x3FAE] =	sst s6  }
0xf: {  	[smem:$0x3FAF] =	sst s7  }
0x10: {  	[smem:$0x3FB0] =	sst s8  }
0x11: {  	[smem:$0x3FB1] =	sst s9;
	s0 =	simm.s32 @!p0 $0x0  }
0x12: {  	s1 =	sld [smem:$0x3F97];
	s0 =	simm.s32 @p0 $0x1  }
0x13: {  	[smem:$0x3FB2] =	sst s0;
	s0 =	simm.s32 @!p1 $0x0  }
0x14: {  	s2 =	sld [smem:$0x3F96];
	s0 =	simm.s32 @p1 $0x1  }
0x15: {  	[smem:$0x3FB3] =	sst s0;
	s0 =	simm.s32 @!p2 $0x0  }
0x16: {  	s3 =	sld [smem:$0x3FDB];
	s0 =	simm.s32 @p2 $0x1  }
0x17: {  	s4 =	simm.s32 $0x1BF5;
	[smem:$0x3FB5] =	sst s0  }
0x18: {  	s0 =	sld [smem:$0x3F98];
	_ =	swait.ge [sflag:s4], $0x0  }
0x19: {  	s7 =	sld [smem:$0x3F99]  }
0x1a: {  	s8 =	sadd.s32 $0xFFFFE003, lr  }
0x1b: {  	s9 =	sadd.s32 $0xFFFFFEF7, lr;
	s5 =	simm.s32 $0xFFFFFFFF;
	p2 =	slt.u32 s8, $0xFFFFF086  }
0x1c: {  	p1 =	slt.u32 s9, $0xF7A;
	s5 =	simm.s32 @!p2 $0x0  }
0x1d: {  	s5 =	simm.s32 @p1 $0x1;
	p0 =	seq.s32 s7, s2  }
0x1e: {  	s7 =	smul.u32 @!p0 $0xF7A, s2;
	p2 =	seq.s32 @!p0 s5, $0x0  }
0x1f: {  	s9 =	smul.u32 $0xF7A, s1;
	s8 =	simm.s32 @!p0 $0x1BF5;
	p2 =	por !p2, p0  }
0x20: {  	[sflag:s8] =	ssyncset.s32 @!p0 $0xFFFFF086;
	s6 =	sadd.s32 @!p0 s3, s7;
	s7 =	simm.s32 @!p0 $0x108  }
0x21: {  	s3 =	sadd.s32 s3, s9;
	s6 =	sadd.s32 @!p0 $0x88, s6;
	s7 =	simm.s32 @p2 $0x1082  }
0x22: {  	[simem:s7], [sflag:s8] =	dma.local @!p0 [hbm:s6], $0xF7A  }
0x23: {  	s9 =	sor.u32 $0xD0000000, s2;
	s6 =	simm.s32 $0x108;
	_ =	swait.ge @!p0 [sflag:s8], $0x0  }
0x24: {  	s3 =	sadd.s32 $0x88, s3;
	s6 =	simm.s32 @!p1 $0x1082;
	[sflag:s4] =	ssyncset.s32 $0xFFFFF086  }
0x25: {  	[simem:s6], [sflag:s4] =	dma.local [hbm:s3], $0xF7A  }
0x26: {  	[smem:$0x3F99] =	sst s1;
	(tag) =	ssettag s2;
	_ =	strace s9  }
0x27: {  	s1 =	sld [smem:$0x3FA9]  }
0x28: {  	s2 =	sld [smem:$0x3FAA]  }
0x29: {  	s4 =	sld [smem:$0x3FAC]  }
0x2a: {  	p0 =	seq.s32 s5, $0x0;
	s5 =	sld [smem:$0x3FAD]  }
0x2b: {  	s6 =	sld [smem:$0x3FAE]  }
0x2c: {  	s7 =	sld [smem:$0x3FAF]  }
0x2d: {  	s3 =	simm.s32 $0x108;
	s8 =	sld [smem:$0x3FB0]  }
0x2e: {  	s3 =	simm.s32 @!p0 $0x1082;
	s9 =	sld [smem:$0x3FB1]  }
0x2f: {  	lr =	sadd.s32 s0, s3;
	s0 =	sld [smem:$0x3FA8]  }
0x30: {  	s3 =	sld [smem:$0x3FAB]  }
0x31: {  	[smem:$0x3FB4] =	sst s10  }
0x32: {  	s10 =	sld [smem:$0x3FB2];
	_ =	sdelay $0x3  }
0x33: {  	p0 =	seq.s32 s10, $0x1;
	s10 =	sld [smem:$0x3FB4];
	_ =	sdelay $0x3  }
0x34: {  	[smem:$0x3FB4] =	sst s10  }
0x35: {  	s10 =	sld [smem:$0x3FB3];
	_ =	sdelay $0x3  }
0x36: {  	p1 =	seq.s32 s10, $0x1;
	s10 =	sld [smem:$0x3FB4];
	_ =	sdelay $0x3  }
0x37: {  	[smem:$0x3FB4] =	sst s10  }
0x38: {  	s10 =	sld [smem:$0x3FB5]  }
0x39: {  	_ = 	snop;
	(pc) =	sbr.ind lr, $3  }
0x3a: {  	_ = 	snop  }
0x3b: {  	_ = 	snop  }
0x3c: {  	p2 =	seq.s32 s10, $0x1;
	s10 =	sld [smem:$0x3FB4]  }
0x3d: {  	_ =	shalt  }
0x3e: {  	_ =	shalt  }
0x3f: {  	_ =	shalt  }
0x40: {  	_ =	shalt  }
0x41: {  	_ =	shalt  }
0x42: {  	_ =	shalt  }
0x43: {  	_ =	shalt  }
0x44: {  	_ =	shalt  }
0x45: {  	_ =	shalt  }
0x46: {  	_ =	shalt  }
0x47: {  	_ =	shalt  }
0x48: {  	_ =	shalt  }
0x49: {  	_ =	shalt  }
0x4a: {  	_ =	shalt  }
0x4b: {  	_ =	shalt  }
0x4c: {  	_ =	shalt  }
0x4d: {  	_ =	shalt  }
0x4e: {  	_ =	shalt  }
0x4f: {  	_ =	shalt  }
0x50: {  	_ =	shalt  }
0x51: {  	_ =	shalt  }
0x52: {  	_ =	shalt  }
0x53: {  	_ =	shalt  }
0x54: {  	_ =	shalt  }
0x55: {  	_ =	shalt  }
0x56: {  	_ =	shalt  }
0x57: {  	_ =	shalt  }
0x58: {  	_ =	shalt  }
0x59: {  	_ =	shalt  }
0x5a: {  	_ =	shalt  }
0x5b: {  	_ =	shalt  }
0x5c: {  	_ =	shalt  }
0x5d: {  	_ =	shalt  }
0x5e: {  	_ =	shalt  }
0x5f: {  	_ =	shalt  }
0x60: {  	_ =	shalt  }
0x61: {  	_ =	shalt  }
0x62: {  	_ =	shalt  }
0x63: {  	_ =	shalt  }
0x64: {  	_ =	shalt  }
0x65: {  	_ =	shalt  }
0x66: {  	_ =	shalt  }
0x67: {  	_ =	shalt  }
0x68: {  	_ =	shalt  }
0x69: {  	_ =	shalt  }
0x6a: {  	_ =	shalt  }
0x6b: {  	_ =	shalt  }
0x6c: {  	_ =	shalt  }
0x6d: {  	_ =	shalt  }
0x6e: {  	_ =	shalt  }
0x6f: {  	_ =	shalt  }
0x70: {  	_ =	shalt  }
0x71: {  	_ =	shalt  }
0x72: {  	_ =	shalt  }
0x73: {  	_ =	shalt  }
0x74: {  	_ =	shalt  }
0x75: {  	_ =	shalt  }
0x76: {  	_ =	shalt  }
0x77: {  	_ =	shalt  }
0x78: {  	_ =	shalt  }
0x79: {  	_ =	shalt  }
0x7a: {  	_ =	shalt  }
0x7b: {  	_ =	shalt  }
0x7c: {  	_ =	shalt  }
0x7d: {  	_ =	shalt  }
0x7e: {  	_ =	shalt  }
0x7f: {  	_ =	shalt  }
0x80: {  	_ =	shalt  }
0x81: {  	_ =	shalt  }
0x82: {  	_ =	shalt  }
0x83: {  	_ =	shalt  }
0x84: {  	_ =	shalt  }
0x85: {  	_ =	shalt  }
0x86: {  	_ =	shalt  }
0x87: {  	_ =	shalt  }
.Lfunc_end0:
.L_simem_size_0:
called_computation.3_lowered:
.L_overlay_start_0:
0x88: {  	s2 =	sld [smem:$0x3FD9]  }
0x89: {  	s3 =	sld [smem:$0x3FFE];
	_ =	sdelay $0x1  }
0x8a: {  	s1 =	srdreg.scid  }
0x8b: {  	s0 =	sand.u32 $0x1, s1  }
0x8c: {  	s16 =	sshll.u32 s0, $0xA;
	s2 =	sadd.s32 s3, s2  }
0x8d: {  	s2 =	sadd.s32 s2, s16  }
0x8e: {  	[smem:$0x3FC0] =	sst s2  }
0x8f: {  	_ = 	snop  }
0x90: {  	(tm) =	ssettm $0x1  }
0x91: {  	s17 =	sld [smem:$0x3FFB];
	_ =	sdelay $0x3  }
0x92: {  	_ =	strace s17  }
0x93: {  	s2 =	sld [smem:$0x3FFC];
	_ =	sdelay $0x3  }
0x94: {  	_ =	strace s2  }
0x95: {  	s2 =	sld [smem:$0x3FFD];
	_ =	sdelay $0x3  }
0x96: {  	_ =	strace s2  }
0x97: {  	_ =	strace $0x8FFFFFFF  }
0x98: {  	s18 =	sld [smem:$0x3FDB];
	_ =	sdelay $0x1  }
0x99: {  	s19 =	simm.s32 $_scs_section_size  }
0x9a: {  	s4 =	simm.s32 $_size__tile_overlayer_lowered;
	s5 =	simm.s32 $_tile_overlayer_lowered  }
0x9b: {  	s22 =	simm.s32 $0x1BFF;
	s21 =	sshll.u32 s5, $0x1;
	s2 =	sadd.s32 s19, s18  }
0x9c: {  	s6 =	simm.s32 $0x0;
	s20 =	sshll.u32 s4, $0x1;
	s4 =	sadd.s32 s21, s2  }
0x9d: {  	[timem:s6], [sflag:s22] =	dma.local [hbm:s4], s20  }
0x9e: {  	_ =	swait.ge [sflag:s22], s20  }
0x9f: {  	s3 =	ssub.s32 $0x0, s20;
	[sflag:s22] =	ssyncset.done $0x0  }
0xa0: {  	[sflag:s22] =	ssyncadd.s32 s3;
	_ =	sdelay $0x1  }
0xa1: {  	s23 =	simm.s32 $0x1B8B  }
0xa2: {  	_ =	swait.ge [sflag:s23], $0x1  }
0xa3: {  	[sflag:s23] =	ssyncset.done $0x0  }
0xa4: {  	s25 =	simm.s32 $0x1B8E;
	s24 =	sld [smem:$0x3FFE];
	[sflag:s23] =	ssyncadd.s32 $0xFFFFFFFF  }
0xa5: {  	s26 =	simm.s32 $execute0_lowered;
	[smem:$0x3FD2] =	sst s25  }
0xa6: {  	s4 =	sshll.u32 s26, $0x1;
	_ =	strace $0x8000004F;
	[dreg:$0x1] =	wrdreg $0xFFFFFFFF  }
0xa7: {  	s28 =	simm.s32 $_size_execute0_lowered;
	s2 =	sadd.s32 s2, s4;
	[dreg:$0x0] =	wrdreg $0x0  }
0xa8: {  	s4 =	sshll.u32 s28, $0x1;
	[dreg:$0x2] =	wrdreg s2  }
0xa9: {  	[dreg:$0x3] =	wrdreg s4  }
0xaa: {  	[dreg:$0x4] =	wrdreg $0xC0  }
0xab: {  	_ =	task [dreg:s6], $0x5FFFF  }
0xac: {  	[dreg:$0x1] =	wrdreg $0xFFFFFFFF  }
0xad: {  	[dreg:$0x0] =	wrdreg $0x60  }
0xae: {  	[dreg:$0x2] =	wrdreg s24  }
0xaf: {  	[dreg:$0x3] =	wrdreg $0xD0000  }
0xb0: {  	[dreg:$0x4] =	wrdreg $0x9  }
0xb1: {  	_ =	task.clear_ibuf [dreg:s6], $0x5FFFF;
	_ =	strace $0x9000004F  }
0xb2: {  	s29 =	simm.s32 $0x9;
	_ =	strace $0x80000051  }
0xb3: {  	_ =	swait.ge [sflag:s29], $0x1  }
0xb4: {  	[sflag:s29] =	ssyncadd.s32 $0xFFFFFFFF  }
0xb5: {  	_ =	strace $0x90000051  }
0xb6: {  	_ =	sfence  }
0xb7: {  	s30 =	sld [smem:$0x0];
	_ =	sdelay $0x2  }
0xb8: {  	s31 =	sshll.u32 s1, $0xD;
	s1 =	sshrl.u32 s1, $0x2  }
0xb9: {  	s3 =	sand.u32 $0x4000, s31;
	s1 =	sadd.s32 s1, s30  }
0xba: {  	s0 =	sor.u32 s3, s0;
	s1 =	sshll.u32 s1, $0x11  }
0xbb: {  	s0 =	sor.u32 s1, s0  }
0xbc: {  	s0 =	sadd.s32 $0x8F2B, s0  }
0xbd: {  	[sflag:s0] =	ssyncadd.remote.s32 $0x1  }
0xbe: {  	_ =	sfence.sel $0xFFFF  }
0xbf: {  	[dreg:$0x0] =	wrdreg $0xFFFFFFFF;
	(pc) =	sbr.abs _section_cstart, $3  }
0xc0: {  	[dreg:$0x1] =	wrdreg $0xFFFFFFFF  }
0xc1: {  	_ =	task.clear_ibuf [dreg:s6], $0x2FFFF;
	_ =	strace $0x9FFFFFFF  }
0xc2: {  	(tm) =	ssettm $0x7FFFFFFF  }
0xc3: {  	_ =	shalt  }
tec
execute0_lowered:
.L_overlay_start_1:
0x0: {  	(tag) =	ssettag $0x1  }
0x1: {  	s1 =	rddreg [dreg:$0x0]  }
0x2: {  	s2 =	rddreg [dreg:$0x1];
	s30 =	simm.s32 $0x0  }
0x3: {  	s22 =	simm.s32 $0x400;
	[smem:$0x7FF] =	sst s30  }
0x4: {  	s23 =	simm.s32 $0x600;
	_ =	strace $0x80000050;
	[dreg:$0x7] =	wrdreg s22  }
0x5: {  	s24 =	simm.s32 $0x800;
	[dreg:$0x8] =	wrdreg s23  }
0x6: {  	s0 =	srdreg.scid;
	s25 =	simm.s32 $0x2A00;
	[dreg:$0x9] =	wrdreg s24  }
0x7: {  	s16 =	stileid.u32;
	s26 =	simm.s32 $0xA00;
	[dreg:$0xa] =	wrdreg s25  }
0x8: {  	s7 =	simm.s32 $0xC00;
	s8 =	simm.s32 $0x2E00;
	[dreg:$0xb] =	wrdreg s26  }
0x9: {  	s9 =	simm.s32 $0xE00;
	s11 =	simm.s32 $0x3000;
	[dreg:$0xd] =	wrdreg s7  }
0xa: {  	s12 =	simm.s32 $0x1000;
	s13 =	simm.s32 $0x3200;
	[dreg:$0xe] =	wrdreg s8  }
0xb: {  	s14 =	simm.s32 $0x1200;
	s15 =	simm.s32 $0x3400;
	[dreg:$0xf] =	wrdreg s9  }
0xc: {  	s31 =	simm.s32 $0x2800;
	s17 =	simm.s32 $0x1400;
	[dreg:$0x10] =	wrdreg s11  }
0xd: {  	s18 =	simm.s32 $0x3600;
	s19 =	simm.s32 $0x1600;
	[dreg:$0x11] =	wrdreg s12  }
0xe: {  	s29 =	simm.s32 $0x1E00;
	s28 =	simm.s32 $0x4200;
	[dreg:$0x12] =	wrdreg s13  }
0xf: {  	p0 =	por $0x0, $0x0;
	s0 =	sand.u32 $0x1, s0;
	[dreg:$0x13] =	wrdreg s14  }
0x10: {  	s3 =	sshll.u32 s16, $0x1;
	s4 =	smul.u32 $0x2800, s16;
	[dreg:$0x14] =	wrdreg s15  }
0x11: {  	s10 =	sshll.u32 s16, $0x6;
	s3 =	sor.u32 s0, s3;
	[dreg:$0x15] =	wrdreg s17  }
0x12: {  	s6 =	smul.u32 $0x28000, s0;
	s0 =	ssub.s32 $0x2, s0;
	[dreg:$0x16] =	wrdreg s18  }
0x13: {  	s7 =	simm.s32 $0x200;
	s11 =	simm.s32 $0x5000;
	[dreg:$0x17] =	wrdreg s19  }
0x14: {  	s9 =	simm.s32 $0x9000;
	s15 =	simm.s32 $0x1;
	s22 =	simm.s32 $0x3A00  }
0x15: {  	s8 =	simm.s32 $0xB000;
	s23 =	simm.s32 $0x1A00;
	s14 =	simm.s32 $0x2  }
0x16: {  	s24 =	simm.s32 $0x3C00;
	s13 =	simm.s32 $0x3;
	[dreg:$0x1a] =	wrdreg s22  }
0x17: {  	s25 =	simm.s32 $0x1C00;
	s12 =	simm.s32 $0x4;
	[dreg:$0x1b] =	wrdreg s23  }
0x18: {  	s26 =	simm.s32 $0x3E00;
	s19 =	simm.s32 $0x4A00;
	[dreg:$0x1c] =	wrdreg s24  }
0x19: {  	s18 =	simm.s32 $0x4C00;
	s17 =	simm.s32 $0x4E00;
	[dreg:$0x1d] =	wrdreg s25  }
0x1a: {  	s3 =	smul.u32 $0x500, s3;
	s5 =	sshrl.u32 s4, $0x3;
	[dreg:$0x1e] =	wrdreg s26  }
0x1b: {  	s22 =	simm.s32 $0x4000;
	s26 =	simm.s32 $0x2000;
	s24 =	simm.s32 $0x2200  }
0x1c: {  	s25 =	simm.s32 $0x4400;
	s23 =	simm.s32 $0x4600;
	s5 =	sadd.s32 s5, s1  }
0x1d: {  	s6 =	sadd.s32 s4, s6;
	s4 =	sadd.s32 s4, s2;
	s3 =	sadd.s32 s3, s1  }
0x1e: {  	s5 =	sadd.s32 $0xC000, s5;
	s6 =	sshrl.u32 s6, $0x3;
	s4 =	sshrl.u32 s4, $0x3  }
0x1f: {  	[dreg:$0x3] =	wrdreg s5;
	s20 =	sadd.s32 $0x1B000, s3;
	s5 =	sshrl.u32 s0, $0x1  }
0x20: {  	s3 =	sadd.s32 $0x2000, s3;
	[dreg:$0x4] =	wrdreg s20;
	s0 =	ssub.s32 s0, s5  }
0x21: {  	s6 =	sadd.s32 s6, s1;
	[dreg:$0x5] =	wrdreg s3;
	s0 =	smax.u32 s0, $0x1  }
0x22: {  	s21 =	sadd.s32 $0x25000, s6;
	s6 =	sadd.s32 $0x11000, s1;
	p1 =	sne.s32 s0, $0x1  }
.Ltmp0:
0x23: {  	s3 =	simm.s32 $0x2C00;
	[dreg:$0x6] =	wrdreg s21;
	(pc) =	sbr.rel @!p1 .LBB2_1-.Ltmp0, $4  }
0x24: {  	s5 =	simm.s32 $0x5;
	s20 =	simm.s32 $0x3800;
	[dreg:$0xc] =	wrdreg s3  }
0x25: {  	s3 =	sor.u32 $0x1C05, s10;
	[dreg:$0x18] =	wrdreg s20;
	s21 =	simm.s32 $0x1800  }
0x26: {  	s10 =	simm.s32 $0x7000;
	s20 =	simm.s32 $0x2600;
	[dreg:$0x19] =	wrdreg s21  }
0x27: {  	s1 =	sadd.s32 $0xFFFFFFFF, s0;
	s21 =	simm.s32 $0x4800;
	s0 =	rddreg [dreg:$0x3]  }
0x28: {  	[spmem:s4], [sflag:s3] =	dma.local [hbm:s0], $0x500  }
0x29: {  	_ =	swait.ge [sflag:s5], $0x500  }
0x2a: {  	[sflag:s5] =	ssyncset.done $0x0  }
0x2b: {  	s16 =	rddreg [dreg:$0x4];
	[sflag:s5] =	ssyncadd.s32 $0xFFFFFB00  }
0x2c: {  	[tilespmem:s30], [sflag:$0x5] =	stream.linear.gather [hbm4b:s16+s30], $0x2800, $0x38;
	[tilespmem:$0xF800] =	vst v63  }
0x2d: {  	_ =	swait.ge [sflag:s5], $0x2800  }
0x2e: {  	[sflag:s5] =	ssyncset.done $0x0  }
0x2f: {  	s16 =	rddreg [dreg:$0x5];
	[sflag:s5] =	ssyncadd.s32 $0xFFFFD800  }
0x30: {  	[tilespmem:s31], [sflag:$0x5] =	stream.linear.gather [hbm4b:s16+s30], $0x2800, $0x38;
	[tilespmem:$0xF800] =	vst v63  }
0x31: {  	_ =	swait.ge [sflag:s5], $0x2800  }
0x32: {  	[sflag:s5] =	ssyncset.done $0x0  }
0x33: {  	[sflag:s5] =	ssyncadd.s32 $0xFFFFD800  }
0x34: {  	[bflag:$0x0] =	sbarrier.arrive $0xFFFF  }
0x35: {  	[tilespmem:s11], [sflag:$0x1] =	stream.indirect.gather [hbm4b:s6+s7], $0x10, s30, s7, $0xb8;
	[tilespmem:$0xF800] =	vst v63  }
0x36: {  	_ = 	snop  }
0x37: {  	[tilespmem:s10], [sflag:$0x2] =	stream.indirect.gather [hbm4b:s6+s7], $0x10, s7, s7, $0xb8;
	[tilespmem:$0xF800] =	vst v63  }
0x38: {  	s16 =	rddreg [dreg:$0x7]  }
0x39: {  	[tilespmem:s9], [sflag:$0x3] =	stream.indirect.gather [hbm4b:s6+s7], $0x10, s16, s7, $0xb8;
	[tilespmem:$0xF800] =	vst v63  }
0x3a: {  	_ =	swait.ge [sflag:s15], $0x2000  }
0x3b: {  	[sflag:s15] =	ssyncset.done $0x0  }
0x3c: {  	s16 =	rddreg [dreg:$0x8];
	[sflag:s15] =	ssyncadd.s32 $0xFFFFE000  }
0x3d: {  	[tilespmem:s8], [sflag:$0x4] =	stream.indirect.gather [hbm4b:s6+s7], $0x10, s16, s7, $0xb8;
	[tilespmem:$0xF800] =	vst v63  }
0x3e: {  	_ = 	snop  }
0x3f: {  	[spmem:s2] =	stream.indirect.scatter.add.f32 [tilespmem:s11], [sflag:$0x5], $0x10, s31, s7, $0xb8;
	[tilespmem:$0xF800] =	vst v63  }
0x40: {  	_ =	swait.ge [sflag:s5], $0x2000  }
0x41: {  	[sflag:s5] =	ssyncset.done $0x0  }
0x42: {  	[sflag:s5] =	ssyncadd.s32 $0xFFFFE000  }
0x43: {  	_ =	swait.ge [sflag:s14], $0x2000  }
0x44: {  	[sflag:s14] =	ssyncset.done $0x0  }
0x45: {  	s0 =	rddreg [dreg:$0x9];
	[sflag:s14] =	ssyncadd.s32 $0xFFFFE000  }
0x46: {  	[tilespmem:s11], [sflag:$0x1] =	stream.indirect.gather [hbm4b:s6+s7], $0x10, s0, s7, $0xb8;
	[tilespmem:$0xF800] =	vst v63  }
0x47: {  	s16 =	smov.u32 s1;
	s1 =	rddreg [dreg:$0xa]  }
0x48: {  	[spmem:s2] =	stream.indirect.scatter.add.f32 [tilespmem:s10], [sflag:$0x5], $0x10, s1, s7, $0xb8;
	[tilespmem:$0xF800] =	vst v63  }
0x49: {  	_ =	swait.ge [sflag:s5], $0x2000  }
0x4a: {  	[sflag:s5] =	ssyncset.done $0x0  }
0x4b: {  	[sflag:s5] =	ssyncadd.s32 $0xFFFFE000  }
0x4c: {  	_ =	swait.ge [sflag:s13], $0x2000  }
0x4d: {  	[sflag:s13] =	ssyncset.done $0x0  }
0x4e: {  	s0 =	rddreg [dreg:$0xb];
	[sflag:s13] =	ssyncadd.s32 $0xFFFFE000  }
0x4f: {  	[tilespmem:s10], [sflag:$0x2] =	stream.indirect.gather [hbm4b:s6+s7], $0x10, s0, s7, $0xb8;
	[tilespmem:$0xF800] =	vst v63  }
0x50: {  	s1 =	rddreg [dreg:$0xc]  }
0x51: {  	[spmem:s2] =	stream.indirect.scatter.add.f32 [tilespmem:s9], [sflag:$0x5], $0x10, s1, s7, $0xb8;
	[tilespmem:$0xF800] =	vst v63  }
0x52: {  	_ =	swait.ge [sflag:s5], $0x2000  }
0x53: {  	[sflag:s5] =	ssyncset.done $0x0  }
0x54: {  	[sflag:s5] =	ssyncadd.s32 $0xFFFFE000  }
0x55: {  	_ =	swait.ge [sflag:s12], $0x2000  }
0x56: {  	[sflag:s12] =	ssyncset.done $0x0  }
0x57: {  	s0 =	rddreg [dreg:$0xd];
	[sflag:s12] =	ssyncadd.s32 $0xFFFFE000  }
0x58: {  	[tilespmem:s9], [sflag:$0x3] =	stream.indirect.gather [hbm4b:s6+s7], $0x10, s0, s7, $0xb8;
	[tilespmem:$0xF800] =	vst v63  }
0x59: {  	s1 =	rddreg [dreg:$0xe]  }
0x5a: {  	[spmem:s2] =	stream.indirect.scatter.add.f32 [tilespmem:s8], [sflag:$0x5], $0x10, s1, s7, $0xb8;
	[tilespmem:$0xF800] =	vst v63  }
0x5b: {  	_ =	swait.ge [sflag:s5], $0x2000  }
0x5c: {  	[sflag:s5] =	ssyncset.done $0x0  }
0x5d: {  	[sflag:s5] =	ssyncadd.s32 $0xFFFFE000  }
0x5e: {  	_ =	swait.ge [sflag:s15], $0x2000  }
0x5f: {  	[sflag:s15] =	ssyncset.done $0x0  }
0x60: {  	s0 =	rddreg [dreg:$0xf];
	[sflag:s15] =	ssyncadd.s32 $0xFFFFE000  }
0x61: {  	[tilespmem:s8], [sflag:$0x4] =	stream.indirect.gather [hbm4b:s6+s7], $0x10, s0, s7, $0xb8;
	[tilespmem:$0xF800] =	vst v63  }
0x62: {  	s1 =	rddreg [dreg:$0x10]  }
0x63: {  	[spmem:s2] =	stream.indirect.scatter.add.f32 [tilespmem:s11], [sflag:$0x5], $0x10, s1, s7, $0xb8;
	[tilespmem:$0xF800] =	vst v63  }
0x64: {  	_ =	swait.ge [sflag:s5], $0x2000  }
0x65: {  	[sflag:s5] =	ssyncset.done $0x0  }
0x66: {  	[sflag:s5] =	ssyncadd.s32 $0xFFFFE000  }
0x67: {  	_ =	swait.ge [sflag:s14], $0x2000  }
0x68: {  	[sflag:s14] =	ssyncset.done $0x0  }
0x69: {  	s0 =	rddreg [dreg:$0x11];
	[sflag:s14] =	ssyncadd.s32 $0xFFFFE000  }
0x6a: {  	[tilespmem:s11], [sflag:$0x1] =	stream.indirect.gather [hbm4b:s6+s7], $0x10, s0, s7, $0xb8;
	[tilespmem:$0xF800] =	vst v63  }
0x6b: {  	s1 =	rddreg [dreg:$0x12]  }
0x6c: {  	[spmem:s2] =	stream.indirect.scatter.add.f32 [tilespmem:s10], [sflag:$0x5], $0x10, s1, s7, $0xb8;
	[tilespmem:$0xF800] =	vst v63  }
0x6d: {  	_ =	swait.ge [sflag:s5], $0x2000  }
0x6e: {  	[sflag:s5] =	ssyncset.done $0x0  }
0x6f: {  	[sflag:s5] =	ssyncadd.s32 $0xFFFFE000  }
0x70: {  	_ =	swait.ge [sflag:s13], $0x2000  }
0x71: {  	[sflag:s13] =	ssyncset.done $0x0  }
0x72: {  	s0 =	rddreg [dreg:$0x13];
	[sflag:s13] =	ssyncadd.s32 $0xFFFFE000  }
0x73: {  	[tilespmem:s10], [sflag:$0x2] =	stream.indirect.gather [hbm4b:s6+s7], $0x10, s0, s7, $0xb8;
	[tilespmem:$0xF800] =	vst v63  }
0x74: {  	s1 =	rddreg [dreg:$0x14]  }
0x75: {  	[spmem:s2] =	stream.indirect.scatter.add.f32 [tilespmem:s9], [sflag:$0x5], $0x10, s1, s7, $0xb8;
	[tilespmem:$0xF800] =	vst v63  }
0x76: {  	_ =	swait.ge [sflag:s5], $0x2000  }
0x77: {  	[sflag:s5] =	ssyncset.done $0x0  }
0x78: {  	[sflag:s5] =	ssyncadd.s32 $0xFFFFE000  }
0x79: {  	_ =	swait.ge [sflag:s12], $0x2000  }
0x7a: {  	[sflag:s12] =	ssyncset.done $0x0  }
0x7b: {  	s0 =	rddreg [dreg:$0x15];
	[sflag:s12] =	ssyncadd.s32 $0xFFFFE000  }
0x7c: {  	[tilespmem:s9], [sflag:$0x3] =	stream.indirect.gather [hbm4b:s6+s7], $0x10, s0, s7, $0xb8;
	[tilespmem:$0xF800] =	vst v63  }
0x7d: {  	s1 =	rddreg [dreg:$0x16]  }
0x7e: {  	[spmem:s2] =	stream.indirect.scatter.add.f32 [tilespmem:s8], [sflag:$0x5], $0x10, s1, s7, $0xb8;
	[tilespmem:$0xF800] =	vst v63  }
0x7f: {  	_ =	swait.ge [sflag:s5], $0x2000  }
0x80: {  	[sflag:s5] =	ssyncset.done $0x0  }
0x81: {  	[sflag:s5] =	ssyncadd.s32 $0xFFFFE000  }
0x82: {  	_ =	swait.ge [sflag:s15], $0x2000  }
0x83: {  	[sflag:s15] =	ssyncset.done $0x0  }
0x84: {  	s0 =	rddreg [dreg:$0x17];
	[sflag:s15] =	ssyncadd.s32 $0xFFFFE000  }
0x85: {  	[tilespmem:s8], [sflag:$0x4] =	stream.indirect.gather [hbm4b:s6+s7], $0x10, s0, s7, $0xb8;
	[tilespmem:$0xF800] =	vst v63  }
0x86: {  	s1 =	rddreg [dreg:$0x18]  }
0x87: {  	[spmem:s2] =	stream.indirect.scatter.add.f32 [tilespmem:s11], [sflag:$0x5], $0x10, s1, s7, $0xb8;
	[tilespmem:$0xF800] =	vst v63  }
0x88: {  	_ =	swait.ge [sflag:s5], $0x2000  }
0x89: {  	[sflag:s5] =	ssyncset.done $0x0  }
0x8a: {  	[sflag:s5] =	ssyncadd.s32 $0xFFFFE000  }
0x8b: {  	_ =	swait.ge [sflag:s14], $0x2000  }
0x8c: {  	[sflag:s14] =	ssyncset.done $0x0  }
0x8d: {  	s0 =	rddreg [dreg:$0x19];
	[sflag:s14] =	ssyncadd.s32 $0xFFFFE000  }
0x8e: {  	[tilespmem:s11], [sflag:$0x1] =	stream.indirect.gather [hbm4b:s6+s7], $0x10, s0, s7, $0xb8;
	[tilespmem:$0xF800] =	vst v63  }
0x8f: {  	s1 =	rddreg [dreg:$0x1a]  }
0x90: {  	[spmem:s2] =	stream.indirect.scatter.add.f32 [tilespmem:s10], [sflag:$0x5], $0x10, s1, s7, $0xb8;
	[tilespmem:$0xF800] =	vst v63  }
0x91: {  	_ =	swait.ge [sflag:s5], $0x2000  }
0x92: {  	[sflag:s5] =	ssyncset.done $0x0  }
0x93: {  	[sflag:s5] =	ssyncadd.s32 $0xFFFFE000  }
0x94: {  	_ =	swait.ge [sflag:s13], $0x2000  }
0x95: {  	[sflag:s13] =	ssyncset.done $0x0  }
0x96: {  	s0 =	rddreg [dreg:$0x1b];
	[sflag:s13] =	ssyncadd.s32 $0xFFFFE000  }
0x97: {  	[tilespmem:s10], [sflag:$0x2] =	stream.indirect.gather [hbm4b:s6+s7], $0x10, s0, s7, $0xb8;
	[tilespmem:$0xF800] =	vst v63  }
0x98: {  	s1 =	rddreg [dreg:$0x1c]  }
0x99: {  	[spmem:s2] =	stream.indirect.scatter.add.f32 [tilespmem:s9], [sflag:$0x5], $0x10, s1, s7, $0xb8;
	[tilespmem:$0xF800] =	vst v63  }
0x9a: {  	_ =	swait.ge [sflag:s5], $0x2000  }
0x9b: {  	[sflag:s5] =	ssyncset.done $0x0  }
0x9c: {  	[sflag:s5] =	ssyncadd.s32 $0xFFFFE000  }
0x9d: {  	_ =	swait.ge [sflag:s12], $0x2000  }
0x9e: {  	[sflag:s12] =	ssyncset.done $0x0  }
0x9f: {  	s0 =	rddreg [dreg:$0x1d];
	[sflag:s12] =	ssyncadd.s32 $0xFFFFE000  }
0xa0: {  	[tilespmem:s9], [sflag:$0x3] =	stream.indirect.gather [hbm4b:s6+s7], $0x10, s0, s7, $0xb8;
	[tilespmem:$0xF800] =	vst v63  }
0xa1: {  	s1 =	rddreg [dreg:$0x1e]  }
0xa2: {  	[spmem:s2] =	stream.indirect.scatter.add.f32 [tilespmem:s8], [sflag:$0x5], $0x10, s1, s7, $0xb8;
	[tilespmem:$0xF800] =	vst v63  }
0xa3: {  	_ =	swait.ge [sflag:s5], $0x2000  }
0xa4: {  	[sflag:s5] =	ssyncset.done $0x0  }
0xa5: {  	[sflag:s5] =	ssyncadd.s32 $0xFFFFE000  }
0xa6: {  	_ =	swait.ge [sflag:s15], $0x2000  }
0xa7: {  	[sflag:s15] =	ssyncset.done $0x0  }
0xa8: {  	[sflag:s15] =	ssyncadd.s32 $0xFFFFE000  }
0xa9: {  	[tilespmem:s8], [sflag:$0x4] =	stream.indirect.gather [hbm4b:s6+s7], $0x10, s29, s7, $0xb8;
	[tilespmem:$0xF800] =	vst v63  }
0xaa: {  	_ = 	snop  }
0xab: {  	[spmem:s2] =	stream.indirect.scatter.add.f32 [tilespmem:s11], [sflag:$0x5], $0x10, s22, s7, $0xb8;
	[tilespmem:$0xF800] =	vst v63  }
0xac: {  	_ =	swait.ge [sflag:s5], $0x2000  }
0xad: {  	[sflag:s5] =	ssyncset.done $0x0  }
0xae: {  	[sflag:s5] =	ssyncadd.s32 $0xFFFFE000  }
0xaf: {  	_ =	swait.ge [sflag:s14], $0x2000  }
0xb0: {  	[sflag:s14] =	ssyncset.done $0x0  }
0xb1: {  	[sflag:s14] =	ssyncadd.s32 $0xFFFFE000  }
0xb2: {  	[tilespmem:s11], [sflag:$0x1] =	stream.indirect.gather [hbm4b:s6+s7], $0x10, s26, s7, $0xb8;
	[tilespmem:$0xF800] =	vst v63  }
0xb3: {  	_ = 	snop  }
0xb4: {  	[spmem:s2] =	stream.indirect.scatter.add.f32 [tilespmem:s10], [sflag:$0x5], $0x10, s28, s7, $0xb8;
	[tilespmem:$0xF800] =	vst v63  }
0xb5: {  	_ =	swait.ge [sflag:s5], $0x2000  }
0xb6: {  	[sflag:s5] =	ssyncset.done $0x0  }
0xb7: {  	[sflag:s5] =	ssyncadd.s32 $0xFFFFE000  }
0xb8: {  	_ =	swait.ge [sflag:s13], $0x2000  }
0xb9: {  	[sflag:s13] =	ssyncset.done $0x0  }
0xba: {  	[sflag:s13] =	ssyncadd.s32 $0xFFFFE000  }
0xbb: {  	[tilespmem:s10], [sflag:$0x2] =	stream.indirect.gather [hbm4b:s6+s7], $0x10, s24, s7, $0xb8;
	[tilespmem:$0xF800] =	vst v63  }
0xbc: {  	_ = 	snop  }
0xbd: {  	[spmem:s2] =	stream.indirect.scatter.add.f32 [tilespmem:s9], [sflag:$0x5], $0x10, s25, s7, $0xb8;
	[tilespmem:$0xF800] =	vst v63  }
0xbe: {  	_ =	swait.ge [sflag:s5], $0x2000  }
0xbf: {  	[sflag:s5] =	ssyncset.done $0x0  }
0xc0: {  	[sflag:s5] =	ssyncadd.s32 $0xFFFFE000  }
0xc1: {  	_ =	swait.ge [sflag:s12], $0x2000  }
0xc2: {  	[sflag:s12] =	ssyncset.done $0x0  }
0xc3: {  	s1 =	simm.s32 $0x2400;
	[sflag:s12] =	ssyncadd.s32 $0xFFFFE000  }
0xc4: {  	[tilespmem:s9], [sflag:$0x3] =	stream.indirect.gather [hbm4b:s6+s7], $0x10, s1, s7, $0xb8;
	[tilespmem:$0xF800] =	vst v63  }
0xc5: {  	_ = 	snop  }
0xc6: {  	[spmem:s2] =	stream.indirect.scatter.add.f32 [tilespmem:s8], [sflag:$0x5], $0x10, s23, s7, $0xb8;
	[tilespmem:$0xF800] =	vst v63  }
0xc7: {  	_ =	swait.ge [sflag:s5], $0x2000  }
0xc8: {  	[sflag:s5] =	ssyncset.done $0x0  }
0xc9: {  	[sflag:s5] =	ssyncadd.s32 $0xFFFFE000  }
0xca: {  	_ =	swait.ge [sflag:s15], $0x2000  }
0xcb: {  	[sflag:s15] =	ssyncset.done $0x0  }
0xcc: {  	[sflag:s15] =	ssyncadd.s32 $0xFFFFE000  }
0xcd: {  	[tilespmem:s8], [sflag:$0x4] =	stream.indirect.gather [hbm4b:s6+s7], $0x10, s20, s7, $0xb8;
	[tilespmem:$0xF800] =	vst v63  }
0xce: {  	_ = 	snop  }
0xcf: {  	[spmem:s2] =	stream.indirect.scatter.add.f32 [tilespmem:s11], [sflag:$0x5], $0x10, s21, s7, $0xb8;
	[tilespmem:$0xF800] =	vst v63  }
0xd0: {  	_ =	swait.ge [sflag:s5], $0x2000  }
0xd1: {  	[sflag:s5] =	ssyncset.done $0x0  }
0xd2: {  	[sflag:s5] =	ssyncadd.s32 $0xFFFFE000  }
0xd3: {  	_ =	swait.ge [sflag:s14], $0x2000  }
0xd4: {  	[sflag:s14] =	ssyncset.done $0x0  }
0xd5: {  	[sflag:s14] =	ssyncadd.s32 $0xFFFFE000  }
0xd6: {  	[spmem:s2] =	stream.indirect.scatter.add.f32 [tilespmem:s10], [sflag:$0x5], $0x10, s19, s7, $0xb8;
	[tilespmem:$0xF800] =	vst v63  }
0xd7: {  	_ =	swait.ge [sflag:s5], $0x2000  }
0xd8: {  	[sflag:s5] =	ssyncset.done $0x0  }
0xd9: {  	[sflag:s5] =	ssyncadd.s32 $0xFFFFE000  }
0xda: {  	_ =	swait.ge [sflag:s13], $0x2000  }
0xdb: {  	[sflag:s13] =	ssyncset.done $0x0  }
0xdc: {  	[sflag:s13] =	ssyncadd.s32 $0xFFFFE000  }
0xdd: {  	[spmem:s2] =	stream.indirect.scatter.add.f32 [tilespmem:s9], [sflag:$0x5], $0x10, s18, s7, $0xb8;
	[tilespmem:$0xF800] =	vst v63  }
0xde: {  	_ =	swait.ge [sflag:s5], $0x2000  }
0xdf: {  	[sflag:s5] =	ssyncset.done $0x0  }
0xe0: {  	[sflag:s5] =	ssyncadd.s32 $0xFFFFE000  }
0xe1: {  	_ =	swait.ge [sflag:s12], $0x2000  }
0xe2: {  	[sflag:s12] =	ssyncset.done $0x0  }
0xe3: {  	[sflag:s12] =	ssyncadd.s32 $0xFFFFE000  }
0xe4: {  	[spmem:s2] =	stream.indirect.scatter.add.f32 [tilespmem:s8], [sflag:$0x5], $0x10, s17, s7, $0xb8;
	[tilespmem:$0xF800] =	vst v63  }
0xe5: {  	_ =	swait.ge [sflag:s5], $0x2000  }
0xe6: {  	[sflag:s5] =	ssyncset.done $0x0  }
0xe7: {  	p1 =	sne.s32 s16, $0x1;
	[sflag:s5] =	ssyncadd.s32 $0xFFFFE000  }
.Ltmp1:
0xe8: {  	[bflag:$0x0] =	sbarrier.arrive $0xFFFF;
	(pc) =	sbr.rel @!p1 .LBB2_3-.Ltmp1, $4  }
0xe9: {  	s1 =	rddreg [dreg:$0x6]  }
0xea: {  	[hbm:s1], [sflag:s3] =	dma.local [spmem:s4], $0x500  }
0xeb: {  	p0 =	por $0x1, $0x1;
	_ =	swait.ge [sflag:s5], $0x500  }
0xec: {  	s1 =	sadd.s32 $0xFFFFFFFF, s16;
	s0 =	rddreg [dreg:$0x3];
	[sflag:s5] =	ssyncset.done $0x0  }
.LBB2_4:
0xed: {  	[sflag:s5] =	ssyncadd.s32 $0xFFFFFB00  }
0xee: {  	[spmem:s4], [sflag:s3] =	dma.local [hbm:s0], $0x500  }
0xef: {  	_ =	swait.ge [sflag:s5], $0x500  }
0xf0: {  	[sflag:s5] =	ssyncset.done $0x0  }
0xf1: {  	s16 =	rddreg [dreg:$0x4];
	[sflag:s5] =	ssyncadd.s32 $0xFFFFFB00  }
0xf2: {  	[tilespmem:s30], [sflag:$0x5] =	stream.linear.gather [hbm4b:s16+s30], $0x2800, $0x38;
	[tilespmem:$0xF800] =	vst v63  }
0xf3: {  	_ =	swait.ge [sflag:s5], $0x2800  }
0xf4: {  	[sflag:s5] =	ssyncset.done $0x0  }
0xf5: {  	s16 =	rddreg [dreg:$0x5];
	[sflag:s5] =	ssyncadd.s32 $0xFFFFD800  }
0xf6: {  	[tilespmem:s31], [sflag:$0x5] =	stream.linear.gather [hbm4b:s16+s30], $0x2800, $0x38;
	[tilespmem:$0xF800] =	vst v63  }
0xf7: {  	_ =	swait.ge [sflag:s5], $0x2800  }
0xf8: {  	[sflag:s5] =	ssyncset.done $0x0  }
0xf9: {  	[sflag:s5] =	ssyncadd.s32 $0xFFFFD800  }
0xfa: {  	[bflag:$0x0] =	sbarrier.arrive $0xFFFF  }
0xfb: {  	[tilespmem:s11], [sflag:$0x1] =	stream.indirect.gather [hbm4b:s6+s7], $0x10, s30, s7, $0xb8;
	[tilespmem:$0xF800] =	vst v63  }
0xfc: {  	_ = 	snop  }
0xfd: {  	[tilespmem:s10], [sflag:$0x2] =	stream.indirect.gather [hbm4b:s6+s7], $0x10, s7, s7, $0xb8;
	[tilespmem:$0xF800] =	vst v63  }
0xfe: {  	s16 =	rddreg [dreg:$0x7]  }
0xff: {  	[tilespmem:s9], [sflag:$0x3] =	stream.indirect.gather [hbm4b:s6+s7], $0x10, s16, s7, $0xb8;
	[tilespmem:$0xF800] =	vst v63  }
0x100: {  	_ =	swait.ge [sflag:s15], $0x2000  }
0x101: {  	[sflag:s15] =	ssyncset.done $0x0  }
0x102: {  	s16 =	rddreg [dreg:$0x8];
	[sflag:s15] =	ssyncadd.s32 $0xFFFFE000  }
0x103: {  	[tilespmem:s8], [sflag:$0x4] =	stream.indirect.gather [hbm4b:s6+s7], $0x10, s16, s7, $0xb8;
	[tilespmem:$0xF800] =	vst v63  }
0x104: {  	_ = 	snop  }
0x105: {  	[spmem:s2] =	stream.indirect.scatter.add.f32 [tilespmem:s11], [sflag:$0x5], $0x10, s31, s7, $0xb8;
	[tilespmem:$0xF800] =	vst v63  }
0x106: {  	_ =	swait.ge [sflag:s5], $0x2000  }
0x107: {  	[sflag:s5] =	ssyncset.done $0x0  }
0x108: {  	[sflag:s5] =	ssyncadd.s32 $0xFFFFE000  }
0x109: {  	_ =	swait.ge [sflag:s14], $0x2000  }
0x10a: {  	[sflag:s14] =	ssyncset.done $0x0  }
0x10b: {  	s0 =	rddreg [dreg:$0x9];
	[sflag:s14] =	ssyncadd.s32 $0xFFFFE000  }
0x10c: {  	[tilespmem:s11], [sflag:$0x1] =	stream.indirect.gather [hbm4b:s6+s7], $0x10, s0, s7, $0xb8;
	[tilespmem:$0xF800] =	vst v63  }
0x10d: {  	s16 =	rddreg [dreg:$0xa]  }
0x10e: {  	[spmem:s2] =	stream.indirect.scatter.add.f32 [tilespmem:s10], [sflag:$0x5], $0x10, s16, s7, $0xb8;
	[tilespmem:$0xF800] =	vst v63  }
0x10f: {  	_ =	swait.ge [sflag:s5], $0x2000  }
0x110: {  	[sflag:s5] =	ssyncset.done $0x0  }
0x111: {  	[sflag:s5] =	ssyncadd.s32 $0xFFFFE000  }
0x112: {  	_ =	swait.ge [sflag:s13], $0x2000  }
0x113: {  	[sflag:s13] =	ssyncset.done $0x0  }
0x114: {  	s0 =	rddreg [dreg:$0xb];
	[sflag:s13] =	ssyncadd.s32 $0xFFFFE000  }
0x115: {  	[tilespmem:s10], [sflag:$0x2] =	stream.indirect.gather [hbm4b:s6+s7], $0x10, s0, s7, $0xb8;
	[tilespmem:$0xF800] =	vst v63  }
0x116: {  	s16 =	rddreg [dreg:$0xc]  }
0x117: {  	[spmem:s2] =	stream.indirect.scatter.add.f32 [tilespmem:s9], [sflag:$0x5], $0x10, s16, s7, $0xb8;
	[tilespmem:$0xF800] =	vst v63  }
0x118: {  	_ =	swait.ge [sflag:s5], $0x2000  }
0x119: {  	[sflag:s5] =	ssyncset.done $0x0  }
0x11a: {  	[sflag:s5] =	ssyncadd.s32 $0xFFFFE000  }
0x11b: {  	_ =	swait.ge [sflag:s12], $0x2000  }
0x11c: {  	[sflag:s12] =	ssyncset.done $0x0  }
0x11d: {  	s0 =	rddreg [dreg:$0xd];
	[sflag:s12] =	ssyncadd.s32 $0xFFFFE000  }
0x11e: {  	[tilespmem:s9], [sflag:$0x3] =	stream.indirect.gather [hbm4b:s6+s7], $0x10, s0, s7, $0xb8;
	[tilespmem:$0xF800] =	vst v63  }
0x11f: {  	s16 =	rddreg [dreg:$0xe]  }
0x120: {  	[spmem:s2] =	stream.indirect.scatter.add.f32 [tilespmem:s8], [sflag:$0x5], $0x10, s16, s7, $0xb8;
	[tilespmem:$0xF800] =	vst v63  }
0x121: {  	_ =	swait.ge [sflag:s5], $0x2000  }
0x122: {  	[sflag:s5] =	ssyncset.done $0x0  }
0x123: {  	[sflag:s5] =	ssyncadd.s32 $0xFFFFE000  }
0x124: {  	_ =	swait.ge [sflag:s15], $0x2000  }
0x125: {  	[sflag:s15] =	ssyncset.done $0x0  }
0x126: {  	s0 =	rddreg [dreg:$0xf];
	[sflag:s15] =	ssyncadd.s32 $0xFFFFE000  }
0x127: {  	[tilespmem:s8], [sflag:$0x4] =	stream.indirect.gather [hbm4b:s6+s7], $0x10, s0, s7, $0xb8;
	[tilespmem:$0xF800] =	vst v63  }
0x128: {  	s16 =	rddreg [dreg:$0x10]  }
0x129: {  	[spmem:s2] =	stream.indirect.scatter.add.f32 [tilespmem:s11], [sflag:$0x5], $0x10, s16, s7, $0xb8;
	[tilespmem:$0xF800] =	vst v63  }
0x12a: {  	_ =	swait.ge [sflag:s5], $0x2000  }
0x12b: {  	[sflag:s5] =	ssyncset.done $0x0  }
0x12c: {  	[sflag:s5] =	ssyncadd.s32 $0xFFFFE000  }
0x12d: {  	_ =	swait.ge [sflag:s14], $0x2000  }
0x12e: {  	[sflag:s14] =	ssyncset.done $0x0  }
0x12f: {  	s0 =	rddreg [dreg:$0x11];
	[sflag:s14] =	ssyncadd.s32 $0xFFFFE000  }
0x130: {  	[tilespmem:s11], [sflag:$0x1] =	stream.indirect.gather [hbm4b:s6+s7], $0x10, s0, s7, $0xb8;
	[tilespmem:$0xF800] =	vst v63  }
0x131: {  	s16 =	rddreg [dreg:$0x12]  }
0x132: {  	[spmem:s2] =	stream.indirect.scatter.add.f32 [tilespmem:s10], [sflag:$0x5], $0x10, s16, s7, $0xb8;
	[tilespmem:$0xF800] =	vst v63  }
0x133: {  	_ =	swait.ge [sflag:s5], $0x2000  }
0x134: {  	[sflag:s5] =	ssyncset.done $0x0  }
0x135: {  	[sflag:s5] =	ssyncadd.s32 $0xFFFFE000  }
0x136: {  	_ =	swait.ge [sflag:s13], $0x2000  }
0x137: {  	[sflag:s13] =	ssyncset.done $0x0  }
0x138: {  	s0 =	rddreg [dreg:$0x13];
	[sflag:s13] =	ssyncadd.s32 $0xFFFFE000  }
0x139: {  	[tilespmem:s10], [sflag:$0x2] =	stream.indirect.gather [hbm4b:s6+s7], $0x10, s0, s7, $0xb8;
	[tilespmem:$0xF800] =	vst v63  }
0x13a: {  	s16 =	rddreg [dreg:$0x14]  }
0x13b: {  	[spmem:s2] =	stream.indirect.scatter.add.f32 [tilespmem:s9], [sflag:$0x5], $0x10, s16, s7, $0xb8;
	[tilespmem:$0xF800] =	vst v63  }
0x13c: {  	_ =	swait.ge [sflag:s5], $0x2000  }
0x13d: {  	[sflag:s5] =	ssyncset.done $0x0  }
0x13e: {  	[sflag:s5] =	ssyncadd.s32 $0xFFFFE000  }
0x13f: {  	_ =	swait.ge [sflag:s12], $0x2000  }
0x140: {  	[sflag:s12] =	ssyncset.done $0x0  }
0x141: {  	s0 =	rddreg [dreg:$0x15];
	[sflag:s12] =	ssyncadd.s32 $0xFFFFE000  }
0x142: {  	[tilespmem:s9], [sflag:$0x3] =	stream.indirect.gather [hbm4b:s6+s7], $0x10, s0, s7, $0xb8;
	[tilespmem:$0xF800] =	vst v63  }
0x143: {  	s16 =	rddreg [dreg:$0x16]  }
0x144: {  	[spmem:s2] =	stream.indirect.scatter.add.f32 [tilespmem:s8], [sflag:$0x5], $0x10, s16, s7, $0xb8;
	[tilespmem:$0xF800] =	vst v63  }
0x145: {  	_ =	swait.ge [sflag:s5], $0x2000  }
0x146: {  	[sflag:s5] =	ssyncset.done $0x0  }
0x147: {  	[sflag:s5] =	ssyncadd.s32 $0xFFFFE000  }
0x148: {  	_ =	swait.ge [sflag:s15], $0x2000  }
0x149: {  	[sflag:s15] =	ssyncset.done $0x0  }
0x14a: {  	s0 =	rddreg [dreg:$0x17];
	[sflag:s15] =	ssyncadd.s32 $0xFFFFE000  }
0x14b: {  	[tilespmem:s8], [sflag:$0x4] =	stream.indirect.gather [hbm4b:s6+s7], $0x10, s0, s7, $0xb8;
	[tilespmem:$0xF800] =	vst v63  }
0x14c: {  	s16 =	rddreg [dreg:$0x18]  }
0x14d: {  	[spmem:s2] =	stream.indirect.scatter.add.f32 [tilespmem:s11], [sflag:$0x5], $0x10, s16, s7, $0xb8;
	[tilespmem:$0xF800] =	vst v63  }
0x14e: {  	_ =	swait.ge [sflag:s5], $0x2000  }
0x14f: {  	[sflag:s5] =	ssyncset.done $0x0  }
0x150: {  	[sflag:s5] =	ssyncadd.s32 $0xFFFFE000  }
0x151: {  	_ =	swait.ge [sflag:s14], $0x2000  }
0x152: {  	[sflag:s14] =	ssyncset.done $0x0  }
0x153: {  	s0 =	rddreg [dreg:$0x19];
	[sflag:s14] =	ssyncadd.s32 $0xFFFFE000  }
0x154: {  	[tilespmem:s11], [sflag:$0x1] =	stream.indirect.gather [hbm4b:s6+s7], $0x10, s0, s7, $0xb8;
	[tilespmem:$0xF800] =	vst v63  }
0x155: {  	s16 =	rddreg [dreg:$0x1a]  }
0x156: {  	[spmem:s2] =	stream.indirect.scatter.add.f32 [tilespmem:s10], [sflag:$0x5], $0x10, s16, s7, $0xb8;
	[tilespmem:$0xF800] =	vst v63  }
0x157: {  	_ =	swait.ge [sflag:s5], $0x2000  }
0x158: {  	[sflag:s5] =	ssyncset.done $0x0  }
0x159: {  	[sflag:s5] =	ssyncadd.s32 $0xFFFFE000  }
0x15a: {  	_ =	swait.ge [sflag:s13], $0x2000  }
0x15b: {  	[sflag:s13] =	ssyncset.done $0x0  }
0x15c: {  	s0 =	rddreg [dreg:$0x1b];
	[sflag:s13] =	ssyncadd.s32 $0xFFFFE000  }
0x15d: {  	[tilespmem:s10], [sflag:$0x2] =	stream.indirect.gather [hbm4b:s6+s7], $0x10, s0, s7, $0xb8;
	[tilespmem:$0xF800] =	vst v63  }
0x15e: {  	s16 =	rddreg [dreg:$0x1c]  }
0x15f: {  	[spmem:s2] =	stream.indirect.scatter.add.f32 [tilespmem:s9], [sflag:$0x5], $0x10, s16, s7, $0xb8;
	[tilespmem:$0xF800] =	vst v63  }
0x160: {  	_ =	swait.ge [sflag:s5], $0x2000  }
0x161: {  	[sflag:s5] =	ssyncset.done $0x0  }
0x162: {  	[sflag:s5] =	ssyncadd.s32 $0xFFFFE000  }
0x163: {  	_ =	swait.ge [sflag:s12], $0x2000  }
0x164: {  	[sflag:s12] =	ssyncset.done $0x0  }
0x165: {  	s0 =	rddreg [dreg:$0x1d];
	[sflag:s12] =	ssyncadd.s32 $0xFFFFE000  }
0x166: {  	[tilespmem:s9], [sflag:$0x3] =	stream.indirect.gather [hbm4b:s6+s7], $0x10, s0, s7, $0xb8;
	[tilespmem:$0xF800] =	vst v63  }
0x167: {  	s16 =	rddreg [dreg:$0x1e]  }
0x168: {  	[spmem:s2] =	stream.indirect.scatter.add.f32 [tilespmem:s8], [sflag:$0x5], $0x10, s16, s7, $0xb8;
	[tilespmem:$0xF800] =	vst v63  }
0x169: {  	_ =	swait.ge [sflag:s5], $0x2000  }
0x16a: {  	[sflag:s5] =	ssyncset.done $0x0  }
0x16b: {  	[sflag:s5] =	ssyncadd.s32 $0xFFFFE000  }
0x16c: {  	_ =	swait.ge [sflag:s15], $0x2000  }
0x16d: {  	[sflag:s15] =	ssyncset.done $0x0  }
0x16e: {  	[sflag:s15] =	ssyncadd.s32 $0xFFFFE000  }
0x16f: {  	[tilespmem:s8], [sflag:$0x4] =	stream.indirect.gather [hbm4b:s6+s7], $0x10, s29, s7, $0xb8;
	[tilespmem:$0xF800] =	vst v63  }
0x170: {  	_ = 	snop  }
0x171: {  	[spmem:s2] =	stream.indirect.scatter.add.f32 [tilespmem:s11], [sflag:$0x5], $0x10, s22, s7, $0xb8;
	[tilespmem:$0xF800] =	vst v63  }
0x172: {  	_ =	swait.ge [sflag:s5], $0x2000  }
0x173: {  	[sflag:s5] =	ssyncset.done $0x0  }
0x174: {  	[sflag:s5] =	ssyncadd.s32 $0xFFFFE000  }
0x175: {  	_ =	swait.ge [sflag:s14], $0x2000  }
0x176: {  	[sflag:s14] =	ssyncset.done $0x0  }
0x177: {  	[sflag:s14] =	ssyncadd.s32 $0xFFFFE000  }
0x178: {  	[tilespmem:s11], [sflag:$0x1] =	stream.indirect.gather [hbm4b:s6+s7], $0x10, s26, s7, $0xb8;
	[tilespmem:$0xF800] =	vst v63  }
0x179: {  	_ = 	snop  }
0x17a: {  	[spmem:s2] =	stream.indirect.scatter.add.f32 [tilespmem:s10], [sflag:$0x5], $0x10, s28, s7, $0xb8;
	[tilespmem:$0xF800] =	vst v63  }
0x17b: {  	_ =	swait.ge [sflag:s5], $0x2000  }
0x17c: {  	[sflag:s5] =	ssyncset.done $0x0  }
0x17d: {  	[sflag:s5] =	ssyncadd.s32 $0xFFFFE000  }
0x17e: {  	_ =	swait.ge [sflag:s13], $0x2000  }
0x17f: {  	[sflag:s13] =	ssyncset.done $0x0  }
0x180: {  	[sflag:s13] =	ssyncadd.s32 $0xFFFFE000  }
0x181: {  	[tilespmem:s10], [sflag:$0x2] =	stream.indirect.gather [hbm4b:s6+s7], $0x10, s24, s7, $0xb8;
	[tilespmem:$0xF800] =	vst v63  }
0x182: {  	_ = 	snop  }
0x183: {  	[spmem:s2] =	stream.indirect.scatter.add.f32 [tilespmem:s9], [sflag:$0x5], $0x10, s25, s7, $0xb8;
	[tilespmem:$0xF800] =	vst v63  }
0x184: {  	_ =	swait.ge [sflag:s5], $0x2000  }
0x185: {  	[sflag:s5] =	ssyncset.done $0x0  }
0x186: {  	[sflag:s5] =	ssyncadd.s32 $0xFFFFE000  }
0x187: {  	_ =	swait.ge [sflag:s12], $0x2000  }
0x188: {  	[sflag:s12] =	ssyncset.done $0x0  }
0x189: {  	s16 =	simm.s32 $0x2400;
	[sflag:s12] =	ssyncadd.s32 $0xFFFFE000  }
0x18a: {  	[tilespmem:s9], [sflag:$0x3] =	stream.indirect.gather [hbm4b:s6+s7], $0x10, s16, s7, $0xb8;
	[tilespmem:$0xF800] =	vst v63  }
0x18b: {  	_ = 	snop  }
0x18c: {  	[spmem:s2] =	stream.indirect.scatter.add.f32 [tilespmem:s8], [sflag:$0x5], $0x10, s23, s7, $0xb8;
	[tilespmem:$0xF800] =	vst v63  }
0x18d: {  	_ =	swait.ge [sflag:s5], $0x2000  }
0x18e: {  	[sflag:s5] =	ssyncset.done $0x0  }
0x18f: {  	[sflag:s5] =	ssyncadd.s32 $0xFFFFE000  }
0x190: {  	_ =	swait.ge [sflag:s15], $0x2000  }
0x191: {  	[sflag:s15] =	ssyncset.done $0x0  }
0x192: {  	[sflag:s15] =	ssyncadd.s32 $0xFFFFE000  }
0x193: {  	[tilespmem:s8], [sflag:$0x4] =	stream.indirect.gather [hbm4b:s6+s7], $0x10, s20, s7, $0xb8;
	[tilespmem:$0xF800] =	vst v63  }
0x194: {  	_ = 	snop  }
0x195: {  	[spmem:s2] =	stream.indirect.scatter.add.f32 [tilespmem:s11], [sflag:$0x5], $0x10, s21, s7, $0xb8;
	[tilespmem:$0xF800] =	vst v63  }
0x196: {  	_ =	swait.ge [sflag:s5], $0x2000  }
0x197: {  	[sflag:s5] =	ssyncset.done $0x0  }
0x198: {  	[sflag:s5] =	ssyncadd.s32 $0xFFFFE000  }
0x199: {  	_ =	swait.ge [sflag:s14], $0x2000  }
0x19a: {  	[sflag:s14] =	ssyncset.done $0x0  }
0x19b: {  	[sflag:s14] =	ssyncadd.s32 $0xFFFFE000  }
0x19c: {  	[spmem:s2] =	stream.indirect.scatter.add.f32 [tilespmem:s10], [sflag:$0x5], $0x10, s19, s7, $0xb8;
	[tilespmem:$0xF800] =	vst v63  }
0x19d: {  	_ =	swait.ge [sflag:s5], $0x2000  }
0x19e: {  	[sflag:s5] =	ssyncset.done $0x0  }
0x19f: {  	[sflag:s5] =	ssyncadd.s32 $0xFFFFE000  }
0x1a0: {  	_ =	swait.ge [sflag:s13], $0x2000  }
0x1a1: {  	[sflag:s13] =	ssyncset.done $0x0  }
0x1a2: {  	[sflag:s13] =	ssyncadd.s32 $0xFFFFE000  }
0x1a3: {  	[spmem:s2] =	stream.indirect.scatter.add.f32 [tilespmem:s9], [sflag:$0x5], $0x10, s18, s7, $0xb8;
	[tilespmem:$0xF800] =	vst v63  }
0x1a4: {  	_ =	swait.ge [sflag:s5], $0x2000  }
0x1a5: {  	[sflag:s5] =	ssyncset.done $0x0  }
0x1a6: {  	[sflag:s5] =	ssyncadd.s32 $0xFFFFE000  }
0x1a7: {  	_ =	swait.ge [sflag:s12], $0x2000  }
0x1a8: {  	[sflag:s12] =	ssyncset.done $0x0  }
0x1a9: {  	[sflag:s12] =	ssyncadd.s32 $0xFFFFE000  }
0x1aa: {  	[spmem:s2] =	stream.indirect.scatter.add.f32 [tilespmem:s8], [sflag:$0x5], $0x10, s17, s7, $0xb8;
	[tilespmem:$0xF800] =	vst v63  }
0x1ab: {  	_ =	swait.ge [sflag:s5], $0x2000  }
0x1ac: {  	[sflag:s5] =	ssyncset.done $0x0  }
0x1ad: {  	p1 =	sne.s32 s1, $0x1;
	[sflag:s5] =	ssyncadd.s32 $0xFFFFE000  }
.Ltmp2:
0x1ae: {  	[bflag:$0x0] =	sbarrier.arrive $0xFFFF;
	(pc) =	sbr.rel @p1 .LBB2_4-.Ltmp2, $4  }
0x1af: {  	s16 =	rddreg [dreg:$0x6]  }
0x1b0: {  	[hbm:s16], [sflag:s3] =	dma.local [spmem:s4], $0x500  }
0x1b1: {  	_ =	swait.ge [sflag:s5], $0x500  }
0x1b2: {  	s1 =	sadd.s32 $0xFFFFFFFF, s1;
	s0 =	rddreg [dreg:$0x3];
	[sflag:s5] =	ssyncset.done $0x0  }
0x1b3: {  	s17 =	simm.s32 $0x4000  }
0x1b4: {  	s29 =	simm.s32 $0x1E00;
	s28 =	simm.s32 $0x4200;
	s26 =	simm.s32 $0x2000  }
0x1b5: {  	s25 =	simm.s32 $0x4400;
	s24 =	simm.s32 $0x2200;
	s23 =	simm.s32 $0x4600  }
0x1b6: {  	s22 =	simm.s32 $0x2400;
	s21 =	simm.s32 $0x4800;
	s20 =	simm.s32 $0x2600  }
0x1b7: {  	s19 =	simm.s32 $0x4A00;
	s18 =	simm.s32 $0x4C00;
	s16 =	stileid.u32  }
.LBB2_6:
0x1b8: {  	[sflag:s5] =	ssyncadd.s32 @p0 $0xFFFFFB00  }
0x1b9: {  	[spmem:s4], [sflag:s3] =	dma.local [hbm:s0], $0x500  }
0x1ba: {  	_ =	swait.ge [sflag:s5], $0x500  }
0x1bb: {  	[sflag:s5] =	ssyncset.done $0x0  }
0x1bc: {  	s1 =	rddreg [dreg:$0x4];
	[sflag:s5] =	ssyncadd.s32 $0xFFFFFB00  }
0x1bd: {  	[tilespmem:s30], [sflag:$0x5] =	stream.linear.gather [hbm4b:s1+s30], $0x2800, $0x38;
	[tilespmem:$0xF800] =	vst v63  }
0x1be: {  	_ =	swait.ge [sflag:s5], $0x2800  }
0x1bf: {  	[sflag:s5] =	ssyncset.done $0x0  }
0x1c0: {  	s1 =	rddreg [dreg:$0x5];
	[sflag:s5] =	ssyncadd.s32 $0xFFFFD800  }
0x1c1: {  	[tilespmem:s31], [sflag:$0x5] =	stream.linear.gather [hbm4b:s1+s30], $0x2800, $0x38;
	[tilespmem:$0xF800] =	vst v63  }
0x1c2: {  	_ =	swait.ge [sflag:s5], $0x2800  }
0x1c3: {  	[sflag:s5] =	ssyncset.done $0x0  }
0x1c4: {  	[sflag:s5] =	ssyncadd.s32 $0xFFFFD800  }
0x1c5: {  	[bflag:$0x0] =	sbarrier.arrive $0xFFFF  }
0x1c6: {  	[tilespmem:s11], [sflag:$0x1] =	stream.indirect.gather [hbm4b:s6+s7], $0x10, s30, s7, $0xb8;
	[tilespmem:$0xF800] =	vst v63  }
0x1c7: {  	_ = 	snop  }
0x1c8: {  	[tilespmem:s10], [sflag:$0x2] =	stream.indirect.gather [hbm4b:s6+s7], $0x10, s7, s7, $0xb8;
	[tilespmem:$0xF800] =	vst v63  }
0x1c9: {  	s1 =	rddreg [dreg:$0x7]  }
0x1ca: {  	[tilespmem:s9], [sflag:$0x3] =	stream.indirect.gather [hbm4b:s6+s7], $0x10, s1, s7, $0xb8;
	[tilespmem:$0xF800] =	vst v63  }
0x1cb: {  	_ =	swait.ge [sflag:s15], $0x2000  }
0x1cc: {  	[sflag:s15] =	ssyncset.done $0x0  }
0x1cd: {  	s30 =	rddreg [dreg:$0x8];
	[sflag:s15] =	ssyncadd.s32 $0xFFFFE000  }
0x1ce: {  	[tilespmem:s8], [sflag:$0x4] =	stream.indirect.gather [hbm4b:s6+s7], $0x10, s30, s7, $0xb8;
	[tilespmem:$0xF800] =	vst v63  }
0x1cf: {  	_ = 	snop  }
0x1d0: {  	[spmem:s2] =	stream.indirect.scatter.add.f32 [tilespmem:s11], [sflag:$0x5], $0x10, s31, s7, $0xb8;
	[tilespmem:$0xF800] =	vst v63  }
0x1d1: {  	_ =	swait.ge [sflag:s5], $0x2000  }
0x1d2: {  	[sflag:s5] =	ssyncset.done $0x0  }
0x1d3: {  	[sflag:s5] =	ssyncadd.s32 $0xFFFFE000  }
0x1d4: {  	_ =	swait.ge [sflag:s14], $0x2000  }
0x1d5: {  	[sflag:s14] =	ssyncset.done $0x0  }
0x1d6: {  	s31 =	rddreg [dreg:$0x9];
	[sflag:s14] =	ssyncadd.s32 $0xFFFFE000  }
0x1d7: {  	[tilespmem:s11], [sflag:$0x1] =	stream.indirect.gather [hbm4b:s6+s7], $0x10, s31, s7, $0xb8;
	[tilespmem:$0xF800] =	vst v63  }
0x1d8: {  	s1 =	rddreg [dreg:$0xa]  }
0x1d9: {  	[spmem:s2] =	stream.indirect.scatter.add.f32 [tilespmem:s10], [sflag:$0x5], $0x10, s1, s7, $0xb8;
	[tilespmem:$0xF800] =	vst v63  }
0x1da: {  	_ =	swait.ge [sflag:s5], $0x2000  }
0x1db: {  	[sflag:s5] =	ssyncset.done $0x0  }
0x1dc: {  	[sflag:s5] =	ssyncadd.s32 $0xFFFFE000  }
0x1dd: {  	_ =	swait.ge [sflag:s13], $0x2000  }
0x1de: {  	[sflag:s13] =	ssyncset.done $0x0  }
0x1df: {  	s30 =	rddreg [dreg:$0xb];
	[sflag:s13] =	ssyncadd.s32 $0xFFFFE000  }
0x1e0: {  	[tilespmem:s10], [sflag:$0x2] =	stream.indirect.gather [hbm4b:s6+s7], $0x10, s30, s7, $0xb8;
	[tilespmem:$0xF800] =	vst v63  }
0x1e1: {  	s31 =	rddreg [dreg:$0xc]  }
0x1e2: {  	[spmem:s2] =	stream.indirect.scatter.add.f32 [tilespmem:s9], [sflag:$0x5], $0x10, s31, s7, $0xb8;
	[tilespmem:$0xF800] =	vst v63  }
0x1e3: {  	_ =	swait.ge [sflag:s5], $0x2000  }
0x1e4: {  	[sflag:s5] =	ssyncset.done $0x0  }
0x1e5: {  	[sflag:s5] =	ssyncadd.s32 $0xFFFFE000  }
0x1e6: {  	_ =	swait.ge [sflag:s12], $0x2000  }
0x1e7: {  	[sflag:s12] =	ssyncset.done $0x0  }
0x1e8: {  	s30 =	rddreg [dreg:$0xd];
	[sflag:s12] =	ssyncadd.s32 $0xFFFFE000  }
0x1e9: {  	[tilespmem:s9], [sflag:$0x3] =	stream.indirect.gather [hbm4b:s6+s7], $0x10, s30, s7, $0xb8;
	[tilespmem:$0xF800] =	vst v63  }
0x1ea: {  	s31 =	rddreg [dreg:$0xe]  }
0x1eb: {  	[spmem:s2] =	stream.indirect.scatter.add.f32 [tilespmem:s8], [sflag:$0x5], $0x10, s31, s7, $0xb8;
	[tilespmem:$0xF800] =	vst v63  }
0x1ec: {  	_ =	swait.ge [sflag:s5], $0x2000  }
0x1ed: {  	[sflag:s5] =	ssyncset.done $0x0  }
0x1ee: {  	[sflag:s5] =	ssyncadd.s32 $0xFFFFE000  }
0x1ef: {  	_ =	swait.ge [sflag:s15], $0x2000  }
0x1f0: {  	[sflag:s15] =	ssyncset.done $0x0  }
0x1f1: {  	s30 =	rddreg [dreg:$0xf];
	[sflag:s15] =	ssyncadd.s32 $0xFFFFE000  }
0x1f2: {  	[tilespmem:s8], [sflag:$0x4] =	stream.indirect.gather [hbm4b:s6+s7], $0x10, s30, s7, $0xb8;
	[tilespmem:$0xF800] =	vst v63  }
0x1f3: {  	s31 =	rddreg [dreg:$0x10]  }
0x1f4: {  	[spmem:s2] =	stream.indirect.scatter.add.f32 [tilespmem:s11], [sflag:$0x5], $0x10, s31, s7, $0xb8;
	[tilespmem:$0xF800] =	vst v63  }
0x1f5: {  	_ =	swait.ge [sflag:s5], $0x2000  }
0x1f6: {  	[sflag:s5] =	ssyncset.done $0x0  }
0x1f7: {  	[sflag:s5] =	ssyncadd.s32 $0xFFFFE000  }
0x1f8: {  	_ =	swait.ge [sflag:s14], $0x2000  }
0x1f9: {  	[sflag:s14] =	ssyncset.done $0x0  }
0x1fa: {  	s30 =	rddreg [dreg:$0x11];
	[sflag:s14] =	ssyncadd.s32 $0xFFFFE000  }
0x1fb: {  	[tilespmem:s11], [sflag:$0x1] =	stream.indirect.gather [hbm4b:s6+s7], $0x10, s30, s7, $0xb8;
	[tilespmem:$0xF800] =	vst v63  }
0x1fc: {  	s31 =	rddreg [dreg:$0x12]  }
0x1fd: {  	[spmem:s2] =	stream.indirect.scatter.add.f32 [tilespmem:s10], [sflag:$0x5], $0x10, s31, s7, $0xb8;
	[tilespmem:$0xF800] =	vst v63  }
0x1fe: {  	_ =	swait.ge [sflag:s5], $0x2000  }
0x1ff: {  	[sflag:s5] =	ssyncset.done $0x0  }
0x200: {  	[sflag:s5] =	ssyncadd.s32 $0xFFFFE000  }
0x201: {  	_ =	swait.ge [sflag:s13], $0x2000  }
0x202: {  	[sflag:s13] =	ssyncset.done $0x0  }
0x203: {  	s30 =	rddreg [dreg:$0x13];
	[sflag:s13] =	ssyncadd.s32 $0xFFFFE000  }
0x204: {  	[tilespmem:s10], [sflag:$0x2] =	stream.indirect.gather [hbm4b:s6+s7], $0x10, s30, s7, $0xb8;
	[tilespmem:$0xF800] =	vst v63  }
0x205: {  	s31 =	rddreg [dreg:$0x14]  }
0x206: {  	[spmem:s2] =	stream.indirect.scatter.add.f32 [tilespmem:s9], [sflag:$0x5], $0x10, s31, s7, $0xb8;
	[tilespmem:$0xF800] =	vst v63  }
0x207: {  	_ =	swait.ge [sflag:s5], $0x2000  }
0x208: {  	[sflag:s5] =	ssyncset.done $0x0  }
0x209: {  	[sflag:s5] =	ssyncadd.s32 $0xFFFFE000  }
0x20a: {  	_ =	swait.ge [sflag:s12], $0x2000  }
0x20b: {  	[sflag:s12] =	ssyncset.done $0x0  }
0x20c: {  	s30 =	rddreg [dreg:$0x15];
	[sflag:s12] =	ssyncadd.s32 $0xFFFFE000  }
0x20d: {  	[tilespmem:s9], [sflag:$0x3] =	stream.indirect.gather [hbm4b:s6+s7], $0x10, s30, s7, $0xb8;
	[tilespmem:$0xF800] =	vst v63  }
0x20e: {  	s31 =	rddreg [dreg:$0x16]  }
0x20f: {  	[spmem:s2] =	stream.indirect.scatter.add.f32 [tilespmem:s8], [sflag:$0x5], $0x10, s31, s7, $0xb8;
	[tilespmem:$0xF800] =	vst v63  }
0x210: {  	_ =	swait.ge [sflag:s5], $0x2000  }
0x211: {  	[sflag:s5] =	ssyncset.done $0x0  }
0x212: {  	[sflag:s5] =	ssyncadd.s32 $0xFFFFE000  }
0x213: {  	_ =	swait.ge [sflag:s15], $0x2000  }
0x214: {  	[sflag:s15] =	ssyncset.done $0x0  }
0x215: {  	s30 =	rddreg [dreg:$0x17];
	[sflag:s15] =	ssyncadd.s32 $0xFFFFE000  }
0x216: {  	[tilespmem:s8], [sflag:$0x4] =	stream.indirect.gather [hbm4b:s6+s7], $0x10, s30, s7, $0xb8;
	[tilespmem:$0xF800] =	vst v63  }
0x217: {  	s31 =	rddreg [dreg:$0x18]  }
0x218: {  	[spmem:s2] =	stream.indirect.scatter.add.f32 [tilespmem:s11], [sflag:$0x5], $0x10, s31, s7, $0xb8;
	[tilespmem:$0xF800] =	vst v63  }
0x219: {  	_ =	swait.ge [sflag:s5], $0x2000  }
0x21a: {  	[sflag:s5] =	ssyncset.done $0x0  }
0x21b: {  	[sflag:s5] =	ssyncadd.s32 $0xFFFFE000  }
0x21c: {  	_ =	swait.ge [sflag:s14], $0x2000  }
0x21d: {  	[sflag:s14] =	ssyncset.done $0x0  }
0x21e: {  	s30 =	rddreg [dreg:$0x19];
	[sflag:s14] =	ssyncadd.s32 $0xFFFFE000  }
0x21f: {  	[tilespmem:s11], [sflag:$0x1] =	stream.indirect.gather [hbm4b:s6+s7], $0x10, s30, s7, $0xb8;
	[tilespmem:$0xF800] =	vst v63  }
0x220: {  	s31 =	rddreg [dreg:$0x1a]  }
0x221: {  	[spmem:s2] =	stream.indirect.scatter.add.f32 [tilespmem:s10], [sflag:$0x5], $0x10, s31, s7, $0xb8;
	[tilespmem:$0xF800] =	vst v63  }
0x222: {  	_ =	swait.ge [sflag:s5], $0x2000  }
0x223: {  	[sflag:s5] =	ssyncset.done $0x0  }
0x224: {  	[sflag:s5] =	ssyncadd.s32 $0xFFFFE000  }
0x225: {  	_ =	swait.ge [sflag:s13], $0x2000  }
0x226: {  	[sflag:s13] =	ssyncset.done $0x0  }
0x227: {  	s30 =	rddreg [dreg:$0x1b];
	[sflag:s13] =	ssyncadd.s32 $0xFFFFE000  }
0x228: {  	[tilespmem:s10], [sflag:$0x2] =	stream.indirect.gather [hbm4b:s6+s7], $0x10, s30, s7, $0xb8;
	[tilespmem:$0xF800] =	vst v63  }
0x229: {  	s31 =	rddreg [dreg:$0x1c]  }
0x22a: {  	[spmem:s2] =	stream.indirect.scatter.add.f32 [tilespmem:s9], [sflag:$0x5], $0x10, s31, s7, $0xb8;
	[tilespmem:$0xF800] =	vst v63  }
0x22b: {  	_ =	swait.ge [sflag:s5], $0x2000  }
0x22c: {  	[sflag:s5] =	ssyncset.done $0x0  }
0x22d: {  	[sflag:s5] =	ssyncadd.s32 $0xFFFFE000  }
0x22e: {  	_ =	swait.ge [sflag:s12], $0x2000  }
0x22f: {  	[sflag:s12] =	ssyncset.done $0x0  }
0x230: {  	s30 =	rddreg [dreg:$0x1d];
	[sflag:s12] =	ssyncadd.s32 $0xFFFFE000  }
0x231: {  	[tilespmem:s9], [sflag:$0x3] =	stream.indirect.gather [hbm4b:s6+s7], $0x10, s30, s7, $0xb8;
	[tilespmem:$0xF800] =	vst v63  }
0x232: {  	s31 =	rddreg [dreg:$0x1e]  }
0x233: {  	[spmem:s2] =	stream.indirect.scatter.add.f32 [tilespmem:s8], [sflag:$0x5], $0x10, s31, s7, $0xb8;
	[tilespmem:$0xF800] =	vst v63  }
0x234: {  	_ =	swait.ge [sflag:s5], $0x2000  }
0x235: {  	[sflag:s5] =	ssyncset.done $0x0  }
0x236: {  	[sflag:s5] =	ssyncadd.s32 $0xFFFFE000  }
0x237: {  	_ =	swait.ge [sflag:s15], $0x2000  }
0x238: {  	[sflag:s15] =	ssyncset.done $0x0  }
0x239: {  	[sflag:s15] =	ssyncadd.s32 $0xFFFFE000  }
0x23a: {  	[tilespmem:s8], [sflag:$0x4] =	stream.indirect.gather [hbm4b:s6+s7], $0x10, s29, s7, $0xb8;
	[tilespmem:$0xF800] =	vst v63  }
0x23b: {  	_ = 	snop  }
0x23c: {  	[spmem:s2] =	stream.indirect.scatter.add.f32 [tilespmem:s11], [sflag:$0x5], $0x10, s17, s7, $0xb8;
	[tilespmem:$0xF800] =	vst v63  }
0x23d: {  	_ =	swait.ge [sflag:s5], $0x2000  }
0x23e: {  	[sflag:s5] =	ssyncset.done $0x0  }
0x23f: {  	[sflag:s5] =	ssyncadd.s32 $0xFFFFE000  }
0x240: {  	_ =	swait.ge [sflag:s14], $0x2000  }
0x241: {  	[sflag:s14] =	ssyncset.done $0x0  }
0x242: {  	[sflag:s14] =	ssyncadd.s32 $0xFFFFE000  }
0x243: {  	[tilespmem:s11], [sflag:$0x1] =	stream.indirect.gather [hbm4b:s6+s7], $0x10, s26, s7, $0xb8;
	[tilespmem:$0xF800] =	vst v63  }
0x244: {  	_ = 	snop  }
0x245: {  	[spmem:s2] =	stream.indirect.scatter.add.f32 [tilespmem:s10], [sflag:$0x5], $0x10, s28, s7, $0xb8;
	[tilespmem:$0xF800] =	vst v63  }
0x246: {  	_ =	swait.ge [sflag:s5], $0x2000  }
0x247: {  	[sflag:s5] =	ssyncset.done $0x0  }
0x248: {  	[sflag:s5] =	ssyncadd.s32 $0xFFFFE000  }
0x249: {  	_ =	swait.ge [sflag:s13], $0x2000  }
0x24a: {  	[sflag:s13] =	ssyncset.done $0x0  }
0x24b: {  	[sflag:s13] =	ssyncadd.s32 $0xFFFFE000  }
0x24c: {  	[tilespmem:s10], [sflag:$0x2] =	stream.indirect.gather [hbm4b:s6+s7], $0x10, s24, s7, $0xb8;
	[tilespmem:$0xF800] =	vst v63  }
0x24d: {  	_ = 	snop  }
0x24e: {  	[spmem:s2] =	stream.indirect.scatter.add.f32 [tilespmem:s9], [sflag:$0x5], $0x10, s25, s7, $0xb8;
	[tilespmem:$0xF800] =	vst v63  }
0x24f: {  	_ =	swait.ge [sflag:s5], $0x2000  }
0x250: {  	[sflag:s5] =	ssyncset.done $0x0  }
0x251: {  	[sflag:s5] =	ssyncadd.s32 $0xFFFFE000  }
0x252: {  	_ =	swait.ge [sflag:s12], $0x2000  }
0x253: {  	[sflag:s12] =	ssyncset.done $0x0  }
0x254: {  	[sflag:s12] =	ssyncadd.s32 $0xFFFFE000  }
0x255: {  	[tilespmem:s9], [sflag:$0x3] =	stream.indirect.gather [hbm4b:s6+s7], $0x10, s22, s7, $0xb8;
	[tilespmem:$0xF800] =	vst v63  }
0x256: {  	_ = 	snop  }
0x257: {  	[spmem:s2] =	stream.indirect.scatter.add.f32 [tilespmem:s8], [sflag:$0x5], $0x10, s23, s7, $0xb8;
	[tilespmem:$0xF800] =	vst v63  }
0x258: {  	_ =	swait.ge [sflag:s5], $0x2000  }
0x259: {  	[sflag:s5] =	ssyncset.done $0x0  }
0x25a: {  	[sflag:s5] =	ssyncadd.s32 $0xFFFFE000  }
0x25b: {  	_ =	swait.ge [sflag:s15], $0x2000  }
0x25c: {  	[sflag:s15] =	ssyncset.done $0x0  }
0x25d: {  	[sflag:s15] =	ssyncadd.s32 $0xFFFFE000  }
0x25e: {  	[tilespmem:s8], [sflag:$0x4] =	stream.indirect.gather [hbm4b:s6+s7], $0x10, s20, s7, $0xb8;
	[tilespmem:$0xF800] =	vst v63  }
0x25f: {  	_ = 	snop  }
0x260: {  	[spmem:s2] =	stream.indirect.scatter.add.f32 [tilespmem:s11], [sflag:$0x5], $0x10, s21, s7, $0xb8;
	[tilespmem:$0xF800] =	vst v63  }
0x261: {  	_ =	swait.ge [sflag:s5], $0x2000  }
0x262: {  	[sflag:s5] =	ssyncset.done $0x0  }
0x263: {  	[sflag:s5] =	ssyncadd.s32 $0xFFFFE000  }
0x264: {  	_ =	swait.ge [sflag:s14], $0x2000  }
0x265: {  	[sflag:s14] =	ssyncset.done $0x0  }
0x266: {  	[sflag:s14] =	ssyncadd.s32 $0xFFFFE000  }
0x267: {  	[spmem:s2] =	stream.indirect.scatter.add.f32 [tilespmem:s10], [sflag:$0x5], $0x10, s19, s7, $0xb8;
	[tilespmem:$0xF800] =	vst v63  }
0x268: {  	_ =	swait.ge [sflag:s5], $0x2000  }
0x269: {  	[sflag:s5] =	ssyncset.done $0x0  }
0x26a: {  	[sflag:s5] =	ssyncadd.s32 $0xFFFFE000  }
0x26b: {  	_ =	swait.ge [sflag:s13], $0x2000  }
0x26c: {  	[sflag:s13] =	ssyncset.done $0x0  }
0x26d: {  	[sflag:s13] =	ssyncadd.s32 $0xFFFFE000  }
0x26e: {  	[spmem:s2] =	stream.indirect.scatter.add.f32 [tilespmem:s9], [sflag:$0x5], $0x10, s18, s7, $0xb8;
	[tilespmem:$0xF800] =	vst v63  }
0x26f: {  	_ =	swait.ge [sflag:s5], $0x2000  }
0x270: {  	[sflag:s5] =	ssyncset.done $0x0  }
0x271: {  	[sflag:s5] =	ssyncadd.s32 $0xFFFFE000  }
0x272: {  	_ =	swait.ge [sflag:s12], $0x2000  }
0x273: {  	[sflag:s12] =	ssyncset.done $0x0  }
0x274: {  	s30 =	simm.s32 $0x4E00;
	[sflag:s12] =	ssyncadd.s32 $0xFFFFE000  }
0x275: {  	[spmem:s2] =	stream.indirect.scatter.add.f32 [tilespmem:s8], [sflag:$0x5], $0x10, s30, s7, $0xb8;
	[tilespmem:$0xF800] =	vst v63  }
0x276: {  	_ =	swait.ge [sflag:s5], $0x2000  }
0x277: {  	[sflag:s5] =	ssyncset.done $0x0  }
0x278: {  	[sflag:s5] =	ssyncadd.s32 $0xFFFFE000  }
0x279: {  	[bflag:$0x0] =	sbarrier.arrive $0xFFFF  }
0x27a: {  	s31 =	rddreg [dreg:$0x6]  }
0x27b: {  	[hbm:s31], [sflag:s3] =	dma.local [spmem:s4], $0x500  }
0x27c: {  	_ =	swait.ge [sflag:s5], $0x500  }
0x27d: {  	[sflag:s5] =	ssyncset.done $0x0  }
0x27e: {  	[sflag:s5] =	ssyncadd.s32 $0xFFFFFB00  }
0x27f: {  	_ =	sfence.sel $0x180000  }
0x280: {  	[bflag:$0x0] =	sbarrier.arrive $0xFFFF  }
0x281: {  	_ =	strace $0x90000050  }
0x282: {  	[bflag:$0x2] =	sbarrier.arrive $0xFFFF  }
0x283: {  	p0 =	sne.s32 s16, $0x0;
	s0 =	rddreg [dreg:$0x2]  }
0x284: {  	s0 =	sadd.s32 @!p0 $0x100000, s0  }
0x285: {  	[sflag:s0] =	ssyncadd.tile.s32 @!p0 $0x1;
	_ =	shalt  }
.LBB2_1:
.Ltmp3:
0x286: {  	(pc) =	sbr.rel .LBB2_6-.Ltmp3, $4  }
0x287: {  	s17 =	simm.s32 $0x4000;
	s29 =	simm.s32 $0x1E00;
	s28 =	simm.s32 $0x4200  }
0x288: {  	s26 =	simm.s32 $0x2000;
	s25 =	simm.s32 $0x4400;
	s24 =	simm.s32 $0x2200  }
0x289: {  	s23 =	simm.s32 $0x4600;
	s22 =	simm.s32 $0x2400;
	s21 =	simm.s32 $0x4800  }
0x28a: {  	s20 =	simm.s32 $0x2600;
	s19 =	simm.s32 $0x4A00;
	s18 =	simm.s32 $0x4C00  }
.LBB2_3:
.Ltmp4:
0x28b: {  	s17 =	simm.s32 $0x4000;
	(pc) =	sbr.rel .LBB2_6-.Ltmp4, $4  }
0x28c: {  	s29 =	simm.s32 $0x1E00;
	s28 =	simm.s32 $0x4200;
	s26 =	simm.s32 $0x2000  }
0x28d: {  	s25 =	simm.s32 $0x4400;
	s24 =	simm.s32 $0x2200;
	s23 =	simm.s32 $0x4600  }
0x28e: {  	s22 =	simm.s32 $0x2400;
	s21 =	simm.s32 $0x4800;
	s20 =	simm.s32 $0x2600  }
0x28f: {  	s19 =	simm.s32 $0x4A00;
	s18 =	simm.s32 $0x4C00;
	s16 =	stileid.u32  }
.Lfunc_end2:
_tile_overlayer_lowered:
.L_overlay_start_2:
0x290: {  	(tag) =	ssettag $0x2  }
0x291: {  	s0 =	rddreg [dreg:$0x0];
	s2 =	stileid.u32  }
0x292: {  	s1 =	rddreg [dreg:$0x1];
	p0 =	sne.s32 s2, $0x0  }
0x293: {  	s3 =	rddreg [dreg:$0x2];
	[bflag:$0x3] =	sbarrier.arrive $0xFFFF;
	s2 =	simm.s32 @!p0 $0x1C05  }
0x294: {  	[timem:s3], [sflag:s2] =	dma.local @!p0 [hbm:s0], s1  }
0x295: {  	s0 =	simm.s32 @!p0 $0x5  }
0x296: {  	_ =	swait.ge @!p0 [sflag:s0], s1  }
0x297: {  	s1 =	ssub.s32 @!p0 $0x0, s1;
	[sflag:s0] =	ssyncset.done @!p0 $0x0  }
0x298: {  	[sflag:s0] =	ssyncadd.s32 @!p0 s1  }
0x299: {  	[bflag:$0x3] =	sbarrier.arrive $0xFFFF  }
0x29a: {  	_ =	shalt  }

</sc_bundles>
